<compile_context>
chip_gen: v7x
topology: tpu7x:2x2x1
jax: 0.10.2.dev20260603
libtpu: 0.0.44.dev20260713+nightly
codegen_flags: <defaults>
</compile_context>

<pallas_src>
import functools

import numpy as np
import jax
import jax.numpy as jnp
from jax import lax
from jax.experimental import pallas as pl
from jax.experimental.pallas import tpu as pltpu
from jax.experimental.pallas import tpu_sc as plsc

_ANCH = np.array([
    [[3.625, 2.8125], [4.875, 6.1875], [11.65625, 10.1875]],
    [[1.875, 3.8125], [3.875, 2.8125], [3.6875, 7.4375]],
    [[1.25, 1.625], [2.0, 3.75], [4.125, 2.875]],
], dtype=np.float32)
_BASE9 = np.array(
    [[10, 13], [16, 30], [33, 23], [30, 61], [62, 45], [59, 119],
     [116, 90], [156, 198], [373, 326]], dtype=np.float32)
_STRIDE = (32.0, 16.0, 8.0)
_MG = (2, 1, 0)
_IGN = 0.7
_N = 50
_NP = 64
_B = 8
_SZ = (19, 38, 76)
_NCH = 85
(_Q_FIN, _Q_SC, _Q_TEX, _Q_TEY, _Q_TWX, _Q_TWY, _Q_CLS, _Q_VAL,
 _Q_LX, _Q_LY, _Q_LW, _Q_LH, _Q_IF, _Q_JF, _Q_AW, _Q_AH, _Q_ANY) = range(17)
_NQ = 24


def _tgt_stage(t5, rwh, lyr, ny, nx):
    N = _N
    fnx, fny = float(nx), float(ny)
    nt = jnp.sum((jnp.sum(t5, axis=1) > 0).astype(jnp.float32))
    tio = lax.broadcasted_iota(jnp.int32, (N, 1), 0).astype(jnp.float32)
    validf = (tio < nt).astype(jnp.float32)
    lx = t5[:, 1:2] * fnx
    ly = t5[:, 2:3] * fny
    lw = t5[:, 3:4] * fnx
    lh = t5[:, 4:5] * fny
    rw = rwh[0:1, :]
    rh = rwh[1:2, :]
    bw = jnp.minimum(lw, rw)
    bh = jnp.minimum(lh, rh)
    en9 = ((bw > 0.0) & (bh > 0.0)).astype(jnp.float32)
    inter9 = bw * bh * en9
    iou9 = inter9 / (lw * lh + rw * rh - inter9)
    rowmax = jnp.max(iou9, axis=1, keepdims=True)
    i9 = lax.broadcasted_iota(jnp.int32, (N, 9), 1)
    best = jnp.min(jnp.where(iou9 == rowmax, i9, 9), axis=1, keepdims=True)
    m = (best // 3) == _MG[lyr]
    best3 = (best - 3 * (best // 3)).astype(jnp.float32)
    okf = ((tio < nt) & m).astype(jnp.float32)
    any_m = jnp.max(okf)
    return validf, lx, ly, lw, lh, best3, okf, any_m, tio


def _pre_body(tgt_ref, rwh_ref, dat_ref, idx_ref):
    N = _N
    b = pl.program_id(0)
    t5 = tgt_ref[0]
    ir = lax.broadcasted_iota(jnp.int32, (N, N), 0)
    ic = lax.broadcasted_iota(jnp.int32, (N, N), 1)
    eyef = (ir == ic).astype(jnp.float32)
    for lyr in range(3):
        ny = nx = _SZ[lyr]
        fnx, fny = float(nx), float(ny)
        rwh = rwh_ref[2 * lyr:2 * lyr + 2, :]
        validf, lx, ly, lw, lh, best3, okf, any_m, tio = _tgt_stage(
            t5, rwh, lyr, ny, nx)

        i_f = jnp.floor(lx)
        j_f = jnp.floor(ly)
        cell = (best3 * fny + j_f) * fnx + i_f

        cell_r = jnp.sum(eyef * cell, axis=0, keepdims=True)
        ok_r = jnp.sum(eyef * okf, axis=0, keepdims=True)
        later = ((cell == cell_r) & (ok_r > 0.0) & (ir < ic)).astype(jnp.float32)
        ow = jnp.max(later, axis=1, keepdims=True)
        fin = okf * (1.0 - ow)

        sc = jnp.sqrt(2.0 - lw * lh / (fnx * fny))
        tex = lx - i_f
        tey = ly - j_f
        a = _ANCH[lyr]
        is1 = best3 == 1.0
        is2 = best3 == 2.0
        aw = jnp.where(is2, a[2, 0], jnp.where(is1, a[1, 0], a[0, 0]))
        ah = jnp.where(is2, a[2, 1], jnp.where(is1, a[1, 1], a[0, 1]))
        twx = jnp.log(lw / aw + 1e-16)
        twy = jnp.log(lh / ah + 1e-16)
        clsf = jnp.floor(t5[:, 0:1])
        anyc = jnp.full((N, 1), any_m, jnp.float32)

        cols = [fin, sc, tex, tey, twx, twy, clsf, validf,
                lx, ly, lw, lh, i_f, j_f, aw, ah, anyc]
        cols += [jnp.zeros((N, 1), jnp.float32)] * (_NQ - len(cols))
        d = jnp.concatenate(cols, axis=1)
        dat_ref[0, lyr] = jnp.concatenate(
            [d, jnp.zeros((_NP - N, _NQ), jnp.float32)], axis=0)

        off = ((b.astype(jnp.float32) * 3.0 + best3) * fny + j_f) * fnx + i_f
        chi85 = lax.broadcasted_iota(jnp.int32, (1, _NCH), 1).astype(jnp.float32)
        widx = off * float(_NCH) + chi85
        widx = jnp.concatenate(
            [widx, jnp.zeros((_NP - N, _NCH), jnp.float32)], axis=0)
        idx_ref[0, lyr] = widx.astype(jnp.int32)


def _preproc(tgt, rwh6):
    return pl.pallas_call(
        _pre_body,
        grid=(_B,),
        in_specs=[
            pl.BlockSpec((1, _N, 5), lambda b: (b, 0, 0)),
            pl.BlockSpec((6, 9), lambda b: (0, 0)),
        ],
        out_specs=[
            pl.BlockSpec((1, 3, _NP, _NQ), lambda b: (b, 0, 0, 0)),
            pl.BlockSpec((1, 3, _NP, _NCH), lambda b: (b, 0, 0, 0)),
        ],
        out_shape=[
            jax.ShapeDtypeStruct((_B, 3, _NP, _NQ), jnp.float32),
            jax.ShapeDtypeStruct((_B, 3, _NP, _NCH), jnp.int32),
        ],
    )(tgt, rwh6)


_NIDX = _B * _NP * _NCH
_NTILE = 32
_PERT = _NIDX // _NTILE


def _sc_gather(p0r, p1r, p2r, i0, i1, i2):
    mesh = plsc.VectorSubcoreMesh(core_axis_name="c", subcore_axis_name="s")

    @functools.partial(
        pl.kernel, mesh=mesh,
        out_type=[jax.ShapeDtypeStruct((_NIDX,), jnp.float32)] * 3,
        scratch_types=[
            pltpu.VMEM((_PERT,), jnp.int32),
            pltpu.VMEM((_PERT,), jnp.float32),
            pltpu.SemaphoreType.DMA,
        ],
    )
    def k(t0, t1, t2, j0, j1, j2, o0, o1, o2, idxv, rowsv, sem):
        wid = lax.axis_index("s") * 2 + lax.axis_index("c")
        base = wid * _PERT
        for tbl, jdx, out in ((t0, j0, o0), (t1, j1, o1), (t2, j2, o2)):
            pltpu.sync_copy(jdx.at[pl.ds(base, _PERT)], idxv)
            pltpu.async_copy(tbl.at[idxv], rowsv, sem).wait()
            pltpu.sync_copy(rowsv, out.at[pl.ds(base, _PERT)])

    return k(p0r, p1r, p2r, i0, i1, i2)


def _sparse_body(g0_ref, g1_ref, g2_ref, d_ref, out_ref):
    b = pl.program_id(0)
    clamp = lambda z: jnp.maximum(z, -100.0)
    NP = _NP
    ir = lax.broadcasted_iota(jnp.int32, (NP, NP), 0)
    ic = lax.broadcasted_iota(jnp.int32, (NP, NP), 1)
    eyef = (ir == ic).astype(jnp.float32)
    chi = lax.broadcasted_iota(jnp.int32, (1, 80), 1).astype(jnp.float32)

    def rowv(vcol):
        return jnp.sum(eyef * vcol, axis=0, keepdims=True)

    total = jnp.zeros((), jnp.float32)
    for lyr, g_ref in enumerate((g0_ref, g1_ref, g2_ref)):
        g = g_ref[0]
        d = d_ref[0, lyr]
        fin = d[:, _Q_FIN:_Q_FIN + 1]
        sc = d[:, _Q_SC:_Q_SC + 1]
        tex = d[:, _Q_TEX:_Q_TEX + 1]
        tey = d[:, _Q_TEY:_Q_TEY + 1]
        twx = d[:, _Q_TWX:_Q_TWX + 1]
        twy = d[:, _Q_TWY:_Q_TWY + 1]
        clsf = d[:, _Q_CLS:_Q_CLS + 1]
        anym = d[:, _Q_ANY:_Q_ANY + 1]
        px = g[:, 0:1]
        py = g[:, 1:2]
        pw = g[:, 2:3]
        ph = g[:, 3:4]
        pobj = g[:, 4:5]
        cx = px + d[:, _Q_IF:_Q_IF + 1]
        cy = py + d[:, _Q_JF:_Q_JF + 1]
        pwv = jnp.exp(pw) * d[:, _Q_AW:_Q_AW + 1]
        phv = jnp.exp(ph) * d[:, _Q_AH:_Q_AH + 1]
        lxR = rowv(d[:, _Q_LX:_Q_LX + 1])
        lyR = rowv(d[:, _Q_LY:_Q_LY + 1])
        lwR = rowv(d[:, _Q_LW:_Q_LW + 1])
        lhR = rowv(d[:, _Q_LH:_Q_LH + 1])
        valR = rowv(d[:, _Q_VAL:_Q_VAL + 1])
        wx = (jnp.minimum(cx + 0.5 * pwv, lxR + 0.5 * lwR)
              - jnp.maximum(cx - 0.5 * pwv, lxR - 0.5 * lwR))
        wy = (jnp.minimum(cy + 0.5 * phv, lyR + 0.5 * lhR)
              - jnp.maximum(cy - 0.5 * phv, lyR - 0.5 * lhR))
        enp = ((wx > 0.0) & (wy > 0.0)).astype(jnp.float32)
        interp = wx * wy * enp
        ioup = interp / (pwv * phv + lwR * lhR - interp) * valR
        maxiou = jnp.max(ioup, axis=1, keepdims=True)
        ign = ((maxiou > _IGN) & (anym > 0.0)).astype(jnp.float32)

        lxy = (-(tex * clamp(jnp.log(px)) + (1.0 - tex) * clamp(jnp.log(1.0 - px)))
               - (tey * clamp(jnp.log(py)) + (1.0 - tey) * clamp(jnp.log(1.0 - py)))
               ) * sc * sc
        lwh = ((pw * sc - twx * sc) ** 2 + (ph * sc - twy * sc) ** 2) * 0.5
        lobj = (-clamp(jnp.log(pobj))
                + (1.0 - ign) * clamp(jnp.log(1.0 - pobj)))
        T = (chi == clsf).astype(jnp.float32)
        P = g[:, 5:85]
        lcls = jnp.sum(
            -(T * clamp(jnp.log(P)) + (1.0 - T) * clamp(jnp.log(1.0 - P))),
            axis=1, keepdims=True)
        total = total + jnp.sum((lxy + lwh + lobj + lcls) * fin)

    @pl.when(b == 0)
    def _():
        out_ref[...] = jnp.zeros((1, 1), jnp.float32)

    out_ref[...] = out_ref[...] + total


def _sparse_loss(g0, g1, g2, dat):
    out = pl.pallas_call(
        _sparse_body,
        grid=(_B,),
        in_specs=[
            pl.BlockSpec((1, _NP, _NCH), lambda b: (b, 0, 0)),
            pl.BlockSpec((1, _NP, _NCH), lambda b: (b, 0, 0)),
            pl.BlockSpec((1, _NP, _NCH), lambda b: (b, 0, 0)),
            pl.BlockSpec((1, 3, _NP, _NQ), lambda b: (b, 0, 0, 0)),
        ],
        out_specs=pl.BlockSpec((1, 1), lambda b: (0, 0)),
        out_shape=jax.ShapeDtypeStruct((1, 1), jnp.float32),
    )(g0, g1, g2, dat)
    return out[0, 0]


def _dense_body(p0_ref, p1_ref, p2_ref, tgt_ref, rwh_ref, out_ref):
    b = pl.program_id(0)
    t5 = tgt_ref[0]
    partial = jnp.zeros((), jnp.float32)
    for lyr, pred_ref in enumerate((p0_ref, p1_ref, p2_ref)):
        ny = nx = _SZ[lyr]
        C = 3 * ny * nx
        rwh = rwh_ref[2 * lyr:2 * lyr + 2, :]
        validf, lx, ly, lw, lh, best3, okf, any_m, tio = _tgt_stage(
            t5, rwh, lyr, ny, nx)
        pred = pred_ref[0]
        px = pred[0:1, :]
        py = pred[1:2, :]
        pobj = pred[4:5, :]
        ci = lax.broadcasted_iota(jnp.int32, (1, C), 1)
        ii = (ci % nx).astype(jnp.float32)
        jj = ((ci // nx) % ny).astype(jnp.float32)
        ai = ci // (nx * ny)
        a = _ANCH[lyr]
        awc = jnp.where(ai == 2, a[2, 0], jnp.where(ai == 1, a[1, 0], a[0, 0]))
        ahc = jnp.where(ai == 2, a[2, 1], jnp.where(ai == 1, a[1, 1], a[0, 1]))
        cx = px + ii
        cy = py + jj
        pwv = jnp.exp(pred[2:3, :]) * awc
        phv = jnp.exp(pred[3:4, :]) * ahc
        wx = (jnp.minimum(cx + 0.5 * pwv, lx + 0.5 * lw)
              - jnp.maximum(cx - 0.5 * pwv, lx - 0.5 * lw))
        wy = (jnp.minimum(cy + 0.5 * phv, ly + 0.5 * lh)
              - jnp.maximum(cy - 0.5 * phv, ly - 0.5 * lh))
        enp = ((wx > 0.0) & (wy > 0.0)).astype(jnp.float32)
        interp = wx * wy * enp
        ioup = interp / (pwv * phv + lw * lh - interp) * validf
        maxiou = jnp.max(ioup, axis=0, keepdims=True)
        notign = 1.0 - ((maxiou > _IGN) & (any_m > 0.0)).astype(jnp.float32)
        lobj = notign * (-jnp.maximum(jnp.log(1.0 - pobj), -100.0))
        partial = partial + jnp.sum(lobj)

    @pl.when(b == 0)
    def _():
        out_ref[...] = jnp.zeros((1, 1), jnp.float32)

    out_ref[...] = out_ref[...] + partial


def _dense_obj(p5s, tgt, rwh6):
    Cs = [3 * s * s for s in _SZ]
    out = pl.pallas_call(
        _dense_body,
        grid=(_B,),
        in_specs=[
            pl.BlockSpec((1, 5, Cs[0]), lambda b: (b, 0, 0)),
            pl.BlockSpec((1, 5, Cs[1]), lambda b: (b, 0, 0)),
            pl.BlockSpec((1, 5, Cs[2]), lambda b: (b, 0, 0)),
            pl.BlockSpec((1, _N, 5), lambda b: (b, 0, 0)),
            pl.BlockSpec((6, 9), lambda b: (0, 0)),
        ],
        out_specs=pl.BlockSpec((1, 1), lambda b: (0, 0)),
        out_shape=jax.ShapeDtypeStruct((1, 1), jnp.float32),
    )(p5s[0], p5s[1], p5s[2], tgt, rwh6)
    return out[0, 0]


def kernel(pred0, pred1, pred2, targets):
    tgt = targets.astype(jnp.float32)
    preds = (pred0, pred1, pred2)
    rwh6 = jnp.asarray(
        np.concatenate([(_BASE9 / s).T for s in _STRIDE], axis=0))
    dat, idx = _preproc(tgt, rwh6)
    flats = [p.reshape(-1) for p in preds]
    g0, g1, g2 = _sc_gather(flats[0], flats[1], flats[2],
                            idx[:, 0].reshape(-1), idx[:, 1].reshape(-1),
                            idx[:, 2].reshape(-1))
    gs = [g.reshape(_B, _NP, _NCH) for g in (g0, g1, g2)]
    sp = _sparse_loss(gs[0], gs[1], gs[2], dat)
    p5s = [
        jnp.transpose(p[..., :5], (0, 4, 1, 2, 3)).reshape(_B, 5, 3 * s * s)
        for p, s in zip(preds, _SZ)
    ]
    return sp + _dense_obj(p5s, tgt, rwh6)

# --- scband reference (transcript-rebuilt; emitter-appended) ---
"""Pipeline reference for scband-yolo-v3-loss-dena-64845416235381 (READ-ONLY COPY).

The authoritative reference and input builder live on the scoring server;
editing this copy changes nothing except your own understanding.
"""

import jax, jax.numpy as jnp
import numpy as np

IMG_SIZE = 608
IGNORE_THRESH = 0.7
W_LOC = 1.0
W_CLS = 1.0
W_CONF = 1.0
ANCHORS = np.array([
    [[3.625, 2.8125], [4.875, 6.1875], [11.65625, 10.1875]],
    [[1.875, 3.8125], [3.875, 2.8125], [3.6875, 7.4375]],
    [[1.25, 1.625], [2.0, 3.75], [4.125, 2.875]],
], dtype=np.float32)
_BASE = np.array([[10, 13], [16, 30], [33, 23], [30, 61], [62, 45], [59, 119], [116, 90], [156, 198], [373, 326]], dtype=np.float32)
REF_ANCHORS = np.stack([np.concatenate([np.zeros((9, 2), np.float32), _BASE / s], axis=1) for s in (32.0, 16.0, 8.0)])
MASK_ANCHORS = [[6, 7, 8], [3, 4, 5], [0, 1, 2]]


def _iou_jnp_xyxy(a, b):
    tl = jnp.maximum(a[:, :, None, :2], b[None, None, :, :2])
    br = jnp.minimum(a[:, :, None, 2:], b[None, None, :, 2:])
    area_a = jnp.prod(a[..., 2:] - a[..., :2], -1)
    area_b = jnp.prod(b[:, 2:] - b[:, :2], -1)
    en = (tl < br).all(-1).astype(jnp.float32)
    inter = jnp.prod(br - tl, -1) * en
    return inter / (area_a[:, :, None] + area_b[None, None, :] - inter)


def _iou_jnp_cxcywh(a, b):
    tl = jnp.maximum(a[:, None, :2] - a[:, None, 2:] / 2, b[None, :, :2] - b[None, :, 2:] / 2)
    br = jnp.minimum(a[:, None, :2] + a[:, None, 2:] / 2, b[None, :, :2] + b[None, :, 2:] / 2)
    area_a = jnp.prod(a[:, 2:], 1)
    area_b = jnp.prod(b[:, 2:], 1)
    en = (tl < br).astype(a.dtype).prod(2)
    inter = jnp.prod(br - tl, 2) * en
    return inter / (area_a[:, None] + area_b[None, :] - inter)


def _build_targets(targets, num_targets, n_layer, B, ny, nx, n_classes):
    anchor = jnp.asarray(ANCHORS[n_layer])
    ref_anchor = jnp.asarray(REF_ANCHORS[n_layer])
    mask_anchor = jnp.asarray(np.array(MASK_ANCHORS[n_layer], dtype=np.int32))
    N = targets.shape[1]
    scale_vec = jnp.asarray(np.array([1.0, nx, ny, nx, ny], dtype=np.float32))
    labels = targets * scale_vec
    valid = jnp.arange(N, dtype=jnp.int32)[None, :] < num_targets[:, None]
    lb_xyxy = jnp.concatenate([jnp.zeros((B, N, 2), jnp.float32), labels[..., 3:5]], axis=-1)
    ious = _iou_jnp_xyxy(lb_xyxy, ref_anchor)
    best_idx = ious.argmax(-1)
    m = (best_idx[..., None] == mask_anchor[None, None, :]).any(-1)
    best3 = best_idx % 3
    row_ok = valid & m
    any_m = row_ok.any(1)
    label_bboxes = labels[..., 1:5]

    def make_batch(b):
        tm0 = jnp.zeros((3, ny, nx, 4 + n_classes), jnp.float32)
        ts0 = jnp.zeros((3, ny, nx, 2), jnp.float32)
        te0 = jnp.zeros((3, ny, nx, 5 + n_classes), jnp.float32)
        pm0 = jnp.zeros((3, ny, nx), bool)

        def body(t, carry):
            tm, ts_, te, pm = carry
            lab = labels[b, t]
            i = lab[1].astype(jnp.int32)
            j = lab[2].astype(jnp.int32)
            a = best3[b, t]
            pm2 = pm.at[a, j, i].set(True)
            tm2 = tm.at[a, j, i, :].set(1.0)
            sc = jnp.sqrt(2.0 - lab[3] * lab[4] / nx / ny)
            ts2 = ts_.at[a, j, i, :].set(sc)
            te2 = te.at[a, j, i, 0:2].set(lab[1:3] - lab[1:3].astype(jnp.int32).astype(jnp.float32))
            te2 = te2.at[a, j, i, 2:4].set(jnp.log(lab[3:5] / anchor[a] + 1e-16))
            te2 = te2.at[a, j, i, 4].set(1.0)
            te2 = te2.at[a, j, i, lab[0].astype(jnp.int32) + 5].set(1.0)
            ok = row_ok[b, t]
            return (jnp.where(ok, tm2, tm), jnp.where(ok, ts2, ts_), jnp.where(ok, te2, te), jnp.where(ok, pm2, pm))

        return jax.lax.fori_loop(0, N, body, (tm0, ts0, te0, pm0))

    per_batch = [make_batch(b) for b in range(B)]
    tgt_mask = jnp.stack([p[0] for p in per_batch])
    tgt_scale = jnp.stack([p[1] for p in per_batch])
    tgt_encoded = jnp.stack([p[2] for p in per_batch])
    pos_mask = jnp.stack([p[3] for p in per_batch])
    return tgt_mask, tgt_scale, tgt_encoded, pos_mask, label_bboxes, valid, any_m


def _bce_sum(p, t, w=None):
    l = -(t * jnp.maximum(jnp.log(p), -100.0) + (1.0 - t) * jnp.maximum(jnp.log(1.0 - p), -100.0))
    if w is not None:
        l = l * w
    return jnp.sum(l)


def _layer_loss(pred, targets, num_targets, n_layer):
    B, _, ny, nx, ch = pred.shape
    n_classes = ch - 5
    tgt_mask, tgt_scale, tgt_encoded, pos_mask, label_bboxes, valid, any_m = _build_targets(targets, num_targets, n_layer, B, ny, nx, n_classes)
    gy, gx = np.meshgrid(np.arange(ny), np.arange(nx), indexing='ij')
    grid_xy = jnp.asarray(np.stack((gx, gy), axis=2).reshape(1, 1, ny, nx, 2).astype(np.float32))
    anchor_wh = jnp.asarray(ANCHORS[n_layer].reshape(1, 3, 1, 1, 2))
    pred_bbox = jnp.concatenate([pred[..., 0:2] + grid_xy, jnp.exp(pred[..., 2:4]) * anchor_wh], axis=-1)
    obj_mask = jnp.ones((B, 3, ny, nx), jnp.float32)
    for b in range(B):
        ious = _iou_jnp_cxcywh(pred_bbox[b].reshape(-1, 4), label_bboxes[b])
        ious = jnp.where(valid[b][None, :], ious, 0.0)
        ignore = ((ious.max(axis=1) > IGNORE_THRESH) & any_m[b]).reshape(3, ny, nx)
        obj_mask = obj_mask.at[b].set(jnp.logical_not(ignore).astype(jnp.float32))
    obj_mask = jnp.where(pos_mask, 1.0, obj_mask)
    tm = tgt_mask
    ts = tgt_scale
    te = tgt_encoded
    p_xy = pred[..., 0:2] * tm[..., 0:2]
    p_wh = pred[..., 2:4] * tm[..., 2:4] * ts
    p_obj = pred[..., 4] * obj_mask
    p_cls = pred[..., 5:] * tm[..., 4:]
    t_xy = te[..., 0:2] * tm[..., 0:2]
    t_wh = te[..., 2:4] * tm[..., 2:4] * ts
    t_obj = te[..., 4] * obj_mask
    t_cls = te[..., 5:] * tm[..., 4:]
    loss_xy = _bce_sum(p_xy, t_xy, ts * ts)
    loss_wh = jnp.sum((p_wh - t_wh) ** 2) / 2.0
    loss_obj = _bce_sum(p_obj, t_obj)
    loss_cls = _bce_sum(p_cls, t_cls)
    return W_LOC * (loss_xy + loss_wh) + W_CONF * loss_obj + W_CLS * loss_cls


def _forward(pred0, pred1, pred2, targets):
    targets = targets.astype(jnp.float32)
    num_targets = (targets.sum(2) > 0).sum(1)
    loss = 0.0
    for n_layer, pred in enumerate((pred0, pred1, pred2)):
        loss = loss + _layer_loss(pred, targets, num_targets, n_layer)
    return loss


def setup_inputs(seed: int = 0):
    key = jax.random.key(seed)
    k0, k1, k2, k3 = jax.random.split(key, 4)
    return {
        'pred0': jax.random.uniform(k0, (8, 3, 19, 19, 85), dtype=jnp.float32),
        'pred1': jax.random.uniform(k1, (8, 3, 38, 38, 85), dtype=jnp.float32),
        'pred2': jax.random.uniform(k2, (8, 3, 76, 76, 85), dtype=jnp.float32),
        'targets': jax.random.uniform(k3, (8, 50, 5), dtype=jnp.float32),
    }


def reference(pred0, pred1, pred2, targets):
    return _forward(pred0, pred1, pred2, targets)

if __name__ == "__main__":
    import jax
    _d = setup_inputs()
    print(jax.jit(kernel)(*tuple(_d.values())))

</pallas_src>

<mosaic_0001>
#map = affine_map<(d0, d1) -> (0)>
module attributes {stable_mosaic.version = 14 : i64} {
  func.func @k(%arg0: i32, %arg1: i32, %arg2: memref<736440xf32, #tpu.memory_space<hbm>>, %arg3: memref<2945760xf32, #tpu.memory_space<hbm>>, %arg4: memref<11783040xf32, #tpu.memory_space<hbm>>, %arg5: memref<43520xi32, #tpu.memory_space<hbm>>, %arg6: memref<43520xi32, #tpu.memory_space<hbm>>, %arg7: memref<43520xi32, #tpu.memory_space<hbm>>, %arg8: memref<43520xf32, #tpu.memory_space<hbm>>, %arg9: memref<43520xf32, #tpu.memory_space<hbm>>, %arg10: memref<43520xf32, #tpu.memory_space<hbm>>, %arg11: memref<1360xi32, #tpu.memory_space<vmem>>, %arg12: memref<1360xf32, #tpu.memory_space<vmem>>, %arg13: memref<!tpu.dma_semaphore, #tpu.memory_space<semaphore_mem>>) attributes {dimension_semantics = [#tpu.dimension_semantics<core_parallel>, #tpu.dimension_semantics<subcore_parallel>], iteration_bounds = array<i64: 2, 16>, scalar_prefetch = 0 : i64, scratch_operands = 3 : i64, tpu.core_type = #tpu.core_type<sc_vector_subcore>, window_params = [{transform_indices = #map}, {transform_indices = #map}, {transform_indices = #map}, {transform_indices = #map}, {transform_indices = #map}, {transform_indices = #map}, {transform_indices = #map}, {transform_indices = #map}, {transform_indices = #map}]} {
    %mul3A = arith.constant 2 : i32
    %mul3A_0 = arith.muli %arg1, %mul3A : i32
    %add3A = arith.addi %mul3A_0, %arg0 : i32
    %mul3A_1 = arith.constant 1360 : i32
    %mul3A_2 = arith.muli %add3A, %mul3A_1 : i32
    "tpu.region"() ({
      %run_scoped3A = tpu.sem_alloc : memref<!tpu.dma_semaphore, #tpu.memory_space<semaphore_mem>>
      %dma_start3A_13 = tpu.memref_slice %arg5[%mul3A_2] : memref<43520xi32, #tpu.memory_space<hbm>> -> memref<1360xi32, #tpu.memory_space<hbm>>
      %dma_start3A_14 = tpu.memref_slice %arg5[%mul3A_2] : memref<43520xi32, #tpu.memory_space<hbm>> -> memref<1360xi32, #tpu.memory_space<hbm>>
      tpu.enqueue_dma source(%dma_start3A_14 : memref<1360xi32, #tpu.memory_space<hbm>>) target(%arg11 : memref<1360xi32, #tpu.memory_space<vmem>>) target_semaphore(%run_scoped3A : memref<!tpu.dma_semaphore, #tpu.memory_space<semaphore_mem>>)
      %dma_wait3A_15 = tpu.memref_slice %arg5[%mul3A_2] : memref<43520xi32, #tpu.memory_space<hbm>> -> memref<1360xi32, #tpu.memory_space<hbm>>
      %dma_wait3A_16 = tpu.memref_slice %arg5[%mul3A_2] : memref<43520xi32, #tpu.memory_space<hbm>> -> memref<1360xi32, #tpu.memory_space<hbm>>
      tpu.wait_dma2 semaphore(%run_scoped3A : memref<!tpu.dma_semaphore, #tpu.memory_space<semaphore_mem>>) src(%dma_wait3A_16 : memref<1360xi32, #tpu.memory_space<hbm>>) dst(%arg11 : memref<1360xi32, #tpu.memory_space<vmem>>)
      tpu.yield
    }) : () -> ()
    %dma_start3A = arith.constant 0 : i32
    %dma_start3A_3 = tpu.memref_slice %arg2[%dma_start3A] : memref<736440xf32, #tpu.memory_space<hbm>> -> memref<736440xf32, #tpu.memory_space<hbm>>
    tpu.enqueue_indirect_dma source(%dma_start3A_3 : memref<736440xf32, #tpu.memory_space<hbm>>) target(%arg12 : memref<1360xf32, #tpu.memory_space<vmem>>) offsets(%arg11 : memref<1360xi32, #tpu.memory_space<vmem>>) semaphore(%arg13 : memref<!tpu.dma_semaphore, #tpu.memory_space<semaphore_mem>>)
    %dma_wait3A = arith.constant 0 : i32
    %dma_wait3A_4 = tpu.memref_slice %arg2[%dma_wait3A] : memref<736440xf32, #tpu.memory_space<hbm>> -> memref<736440xf32, #tpu.memory_space<hbm>>
    tpu.wait_indirect_dma semaphore(%arg13 : memref<!tpu.dma_semaphore, #tpu.memory_space<semaphore_mem>>) src(%dma_wait3A_4 : memref<736440xf32, #tpu.memory_space<hbm>>) dst(%arg12 : memref<1360xf32, #tpu.memory_space<vmem>>)
    "tpu.region"() ({
      %run_scoped3A = tpu.sem_alloc : memref<!tpu.dma_semaphore, #tpu.memory_space<semaphore_mem>>
      %dma_start3A_13 = tpu.memref_slice %arg8[%mul3A_2] : memref<43520xf32, #tpu.memory_space<hbm>> -> memref<1360xf32, #tpu.memory_space<hbm>>
      %dma_start3A_14 = tpu.memref_slice %arg8[%mul3A_2] : memref<43520xf32, #tpu.memory_space<hbm>> -> memref<1360xf32, #tpu.memory_space<hbm>>
      tpu.enqueue_dma source(%arg12 : memref<1360xf32, #tpu.memory_space<vmem>>) target(%dma_start3A_14 : memref<1360xf32, #tpu.memory_space<hbm>>) target_semaphore(%run_scoped3A : memref<!tpu.dma_semaphore, #tpu.memory_space<semaphore_mem>>)
      %dma_wait3A_15 = tpu.memref_slice %arg8[%mul3A_2] : memref<43520xf32, #tpu.memory_space<hbm>> -> memref<1360xf32, #tpu.memory_space<hbm>>
      %dma_wait3A_16 = tpu.memref_slice %arg8[%mul3A_2] : memref<43520xf32, #tpu.memory_space<hbm>> -> memref<1360xf32, #tpu.memory_space<hbm>>
      tpu.wait_dma2 semaphore(%run_scoped3A : memref<!tpu.dma_semaphore, #tpu.memory_space<semaphore_mem>>) src(%arg12 : memref<1360xf32, #tpu.memory_space<vmem>>) dst(%dma_wait3A_16 : memref<1360xf32, #tpu.memory_space<hbm>>)
      tpu.yield
    }) : () -> ()
    "tpu.region"() ({
      %run_scoped3A = tpu.sem_alloc : memref<!tpu.dma_semaphore, #tpu.memory_space<semaphore_mem>>
      %dma_start3A_13 = tpu.memref_slice %arg6[%mul3A_2] : memref<43520xi32, #tpu.memory_space<hbm>> -> memref<1360xi32, #tpu.memory_space<hbm>>
      %dma_start3A_14 = tpu.memref_slice %arg6[%mul3A_2] : memref<43520xi32, #tpu.memory_space<hbm>> -> memref<1360xi32, #tpu.memory_space<hbm>>
      tpu.enqueue_dma source(%dma_start3A_14 : memref<1360xi32, #tpu.memory_space<hbm>>) target(%arg11 : memref<1360xi32, #tpu.memory_space<vmem>>) target_semaphore(%run_scoped3A : memref<!tpu.dma_semaphore, #tpu.memory_space<semaphore_mem>>)
      %dma_wait3A_15 = tpu.memref_slice %arg6[%mul3A_2] : memref<43520xi32, #tpu.memory_space<hbm>> -> memref<1360xi32, #tpu.memory_space<hbm>>
      %dma_wait3A_16 = tpu.memref_slice %arg6[%mul3A_2] : memref<43520xi32, #tpu.memory_space<hbm>> -> memref<1360xi32, #tpu.memory_space<hbm>>
      tpu.wait_dma2 semaphore(%run_scoped3A : memref<!tpu.dma_semaphore, #tpu.memory_space<semaphore_mem>>) src(%dma_wait3A_16 : memref<1360xi32, #tpu.memory_space<hbm>>) dst(%arg11 : memref<1360xi32, #tpu.memory_space<vmem>>)
      tpu.yield
    }) : () -> ()
    %dma_start3A_5 = arith.constant 0 : i32
    %dma_start3A_6 = tpu.memref_slice %arg3[%dma_start3A_5] : memref<2945760xf32, #tpu.memory_space<hbm>> -> memref<2945760xf32, #tpu.memory_space<hbm>>
    tpu.enqueue_indirect_dma source(%dma_start3A_6 : memref<2945760xf32, #tpu.memory_space<hbm>>) target(%arg12 : memref<1360xf32, #tpu.memory_space<vmem>>) offsets(%arg11 : memref<1360xi32, #tpu.memory_space<vmem>>) semaphore(%arg13 : memref<!tpu.dma_semaphore, #tpu.memory_space<semaphore_mem>>)
    %dma_wait3A_7 = arith.constant 0 : i32
    %dma_wait3A_8 = tpu.memref_slice %arg3[%dma_wait3A_7] : memref<2945760xf32, #tpu.memory_space<hbm>> -> memref<2945760xf32, #tpu.memory_space<hbm>>
    tpu.wait_indirect_dma semaphore(%arg13 : memref<!tpu.dma_semaphore, #tpu.memory_space<semaphore_mem>>) src(%dma_wait3A_8 : memref<2945760xf32, #tpu.memory_space<hbm>>) dst(%arg12 : memref<1360xf32, #tpu.memory_space<vmem>>)
    "tpu.region"() ({
      %run_scoped3A = tpu.sem_alloc : memref<!tpu.dma_semaphore, #tpu.memory_space<semaphore_mem>>
      %dma_start3A_13 = tpu.memref_slice %arg9[%mul3A_2] : memref<43520xf32, #tpu.memory_space<hbm>> -> memref<1360xf32, #tpu.memory_space<hbm>>
      %dma_start3A_14 = tpu.memref_slice %arg9[%mul3A_2] : memref<43520xf32, #tpu.memory_space<hbm>> -> memref<1360xf32, #tpu.memory_space<hbm>>
      tpu.enqueue_dma source(%arg12 : memref<1360xf32, #tpu.memory_space<vmem>>) target(%dma_start3A_14 : memref<1360xf32, #tpu.memory_space<hbm>>) target_semaphore(%run_scoped3A : memref<!tpu.dma_semaphore, #tpu.memory_space<semaphore_mem>>)
      %dma_wait3A_15 = tpu.memref_slice %arg9[%mul3A_2] : memref<43520xf32, #tpu.memory_space<hbm>> -> memref<1360xf32, #tpu.memory_space<hbm>>
      %dma_wait3A_16 = tpu.memref_slice %arg9[%mul3A_2] : memref<43520xf32, #tpu.memory_space<hbm>> -> memref<1360xf32, #tpu.memory_space<hbm>>
      tpu.wait_dma2 semaphore(%run_scoped3A : memref<!tpu.dma_semaphore, #tpu.memory_space<semaphore_mem>>) src(%arg12 : memref<1360xf32, #tpu.memory_space<vmem>>) dst(%dma_wait3A_16 : memref<1360xf32, #tpu.memory_space<hbm>>)
      tpu.yield
    }) : () -> ()
    "tpu.region"() ({
      %run_scoped3A = tpu.sem_alloc : memref<!tpu.dma_semaphore, #tpu.memory_space<semaphore_mem>>
      %dma_start3A_13 = tpu.memref_slice %arg7[%mul3A_2] : memref<43520xi32, #tpu.memory_space<hbm>> -> memref<1360xi32, #tpu.memory_space<hbm>>
      %dma_start3A_14 = tpu.memref_slice %arg7[%mul3A_2] : memref<43520xi32, #tpu.memory_space<hbm>> -> memref<1360xi32, #tpu.memory_space<hbm>>
      tpu.enqueue_dma source(%dma_start3A_14 : memref<1360xi32, #tpu.memory_space<hbm>>) target(%arg11 : memref<1360xi32, #tpu.memory_space<vmem>>) target_semaphore(%run_scoped3A : memref<!tpu.dma_semaphore, #tpu.memory_space<semaphore_mem>>)
      %dma_wait3A_15 = tpu.memref_slice %arg7[%mul3A_2] : memref<43520xi32, #tpu.memory_space<hbm>> -> memref<1360xi32, #tpu.memory_space<hbm>>
      %dma_wait3A_16 = tpu.memref_slice %arg7[%mul3A_2] : memref<43520xi32, #tpu.memory_space<hbm>> -> memref<1360xi32, #tpu.memory_space<hbm>>
      tpu.wait_dma2 semaphore(%run_scoped3A : memref<!tpu.dma_semaphore, #tpu.memory_space<semaphore_mem>>) src(%dma_wait3A_16 : memref<1360xi32, #tpu.memory_space<hbm>>) dst(%arg11 : memref<1360xi32, #tpu.memory_space<vmem>>)
      tpu.yield
    }) : () -> ()
    %dma_start3A_9 = arith.constant 0 : i32
    %dma_start3A_10 = tpu.memref_slice %arg4[%dma_start3A_9] : memref<11783040xf32, #tpu.memory_space<hbm>> -> memref<11783040xf32, #tpu.memory_space<hbm>>
    tpu.enqueue_indirect_dma source(%dma_start3A_10 : memref<11783040xf32, #tpu.memory_space<hbm>>) target(%arg12 : memref<1360xf32, #tpu.memory_space<vmem>>) offsets(%arg11 : memref<1360xi32, #tpu.memory_space<vmem>>) semaphore(%arg13 : memref<!tpu.dma_semaphore, #tpu.memory_space<semaphore_mem>>)
    %dma_wait3A_11 = arith.constant 0 : i32
    %dma_wait3A_12 = tpu.memref_slice %arg4[%dma_wait3A_11] : memref<11783040xf32, #tpu.memory_space<hbm>> -> memref<11783040xf32, #tpu.memory_space<hbm>>
    tpu.wait_indirect_dma semaphore(%arg13 : memref<!tpu.dma_semaphore, #tpu.memory_space<semaphore_mem>>) src(%dma_wait3A_12 : memref<11783040xf32, #tpu.memory_space<hbm>>) dst(%arg12 : memref<1360xf32, #tpu.memory_space<vmem>>)
    "tpu.region"() ({
      %run_scoped3A = tpu.sem_alloc : memref<!tpu.dma_semaphore, #tpu.memory_space<semaphore_mem>>
      %dma_start3A_13 = tpu.memref_slice %arg10[%mul3A_2] : memref<43520xf32, #tpu.memory_space<hbm>> -> memref<1360xf32, #tpu.memory_space<hbm>>
      %dma_start3A_14 = tpu.memref_slice %arg10[%mul3A_2] : memref<43520xf32, #tpu.memory_space<hbm>> -> memref<1360xf32, #tpu.memory_space<hbm>>
      tpu.enqueue_dma source(%arg12 : memref<1360xf32, #tpu.memory_space<vmem>>) target(%dma_start3A_14 : memref<1360xf32, #tpu.memory_space<hbm>>) target_semaphore(%run_scoped3A : memref<!tpu.dma_semaphore, #tpu.memory_space<semaphore_mem>>)
      %dma_wait3A_15 = tpu.memref_slice %arg10[%mul3A_2] : memref<43520xf32, #tpu.memory_space<hbm>> -> memref<1360xf32, #tpu.memory_space<hbm>>
      %dma_wait3A_16 = tpu.memref_slice %arg10[%mul3A_2] : memref<43520xf32, #tpu.memory_space<hbm>> -> memref<1360xf32, #tpu.memory_space<hbm>>
      tpu.wait_dma2 semaphore(%run_scoped3A : memref<!tpu.dma_semaphore, #tpu.memory_space<semaphore_mem>>) src(%arg12 : memref<1360xf32, #tpu.memory_space<vmem>>) dst(%dma_wait3A_16 : memref<1360xf32, #tpu.memory_space<hbm>>)
      tpu.yield
    }) : () -> ()
    return
  }
}

module attributes {stable_mosaic.version = 14 : i64} {
  func.func @_pre_body(%arg0: i32, %arg1: memref<1x50x5xf32, #tpu.memory_space<vmem>>, %arg2: memref<6x9xf32, #tpu.memory_space<vmem>>, %arg3: memref<1x3x64x24xf32, #tpu.memory_space<vmem>>, %arg4: memref<1x3x64x85xi32, #tpu.memory_space<vmem>>) attributes {dimension_semantics = [#tpu.dimension_semantics<arbitrary>], iteration_bounds = array<i64: 8>, scalar_prefetch = 0 : i64, scratch_operands = 0 : i64, tpu.core_type = #tpu.core_type<tc>, window_params = [{transform_indices = @transform_0, window_bounds = array<i64: 1, 50, 5>}, {pipeline_mode = #tpu.pipeline_mode<synchronous>, transform_indices = @transform_1, window_bounds = array<i64: 6, 9>}, {transform_indices = @transform_2, window_bounds = array<i64: 1, 3, 64, 24>}, {transform_indices = @transform_3, window_bounds = array<i64: 1, 3, 64, 85>}]} {
    %get3A = arith.constant 0 : index
    %get3A_0 = arith.constant 0 : index
    %get3A_1 = arith.constant 0 : index
    %get3A_2 = vector.load %arg1[%get3A, %get3A_0, %get3A_1] : memref<1x50x5xf32, #tpu.memory_space<vmem>>, vector<1x50x5xf32>
    %get3A_3 = vector.shape_cast %get3A_2 : vector<1x50x5xf32> to vector<50x5xf32>
    %iota3A = tpu.iota {dimensions = array<i32: 0>} : vector<50x50xi32>
    %iota3A_4 = tpu.iota {dimensions = array<i32: 1>} : vector<50x50xi32>
    %eq3A = arith.cmpi eq, %iota3A, %iota3A_4 : vector<50x50xi32>
    %convert_element_type3A = arith.extui %eq3A : vector<50x50xi1> to vector<50x50xi32>
    %convert_element_type3A_5 = arith.sitofp %convert_element_type3A : vector<50x50xi32> to vector<50x50xf32>
    %get3A_6 = arith.constant 0 : index
    %get3A_7 = arith.constant 0 : index
    %get3A_8 = vector.load %arg2[%get3A_6, %get3A_7] : memref<6x9xf32, #tpu.memory_space<vmem>>, vector<2x9xf32>
    %reduce_sum3A = arith.constant dense<0.000000e+00> : vector<50xf32>
    %reduce_sum3A_9 = vector.multi_reduction <add>, %get3A_3, %reduce_sum3A [1] : vector<50x5xf32> to vector<50xf32>
    %gt3A = arith.constant 0.000000e+00 : f32
    %gt3A_10 = vector.broadcast %gt3A : f32 to vector<50xf32>
    %gt3A_11 = arith.cmpf ogt, %reduce_sum3A_9, %gt3A_10 : vector<50xf32>
    %convert_element_type3A_12 = arith.extui %gt3A_11 : vector<50xi1> to vector<50xi32>
    %convert_element_type3A_13 = arith.sitofp %convert_element_type3A_12 : vector<50xi32> to vector<50xf32>
    %reduce_sum3A_14 = vector.shape_cast %convert_element_type3A_13 : vector<50xf32> to vector<1x50xf32>
    %reduce_sum3A_15 = arith.constant dense<0.000000e+00> : vector<1xf32>
    %reduce_sum3A_16 = vector.multi_reduction <add>, %reduce_sum3A_14, %reduce_sum3A_15 [1] : vector<1x50xf32> to vector<1xf32>
    %reduce_sum3A_17 = vector.shape_cast %reduce_sum3A_16 : vector<1xf32> to vector<1x1xf32>
    %reduce_sum3A_18 = vector.extract %reduce_sum3A_17[0, 0] : f32 from vector<1x1xf32>
    %iota3A_19 = tpu.iota {dimensions = array<i32: 0>} : vector<50x1xi32>
    %convert_element_type3A_20 = arith.sitofp %iota3A_19 : vector<50x1xi32> to vector<50x1xf32>
    %lt3A = vector.broadcast %reduce_sum3A_18 : f32 to vector<50x1xf32>
    %lt3A_21 = arith.cmpf olt, %convert_element_type3A_20, %lt3A : vector<50x1xf32>
    %convert_element_type3A_22 = arith.extui %lt3A_21 : vector<50x1xi1> to vector<50x1xi32>
    %convert_element_type3A_23 = arith.sitofp %convert_element_type3A_22 : vector<50x1xi32> to vector<50x1xf32>
    %slice3A = vector.extract_strided_slice %get3A_3 {offsets = [0, 1], sizes = [50, 1], strides = [1, 1]} : vector<50x5xf32> to vector<50x1xf32>
    %mul3A = arith.constant 1.900000e+01 : f32
    %mul3A_24 = vector.broadcast %mul3A : f32 to vector<50x1xf32>
    %mul3A_25 = arith.mulf %slice3A, %mul3A_24 : vector<50x1xf32>
    %slice3A_26 = vector.extract_strided_slice %get3A_3 {offsets = [0, 2], sizes = [50, 1], strides = [1, 1]} : vector<50x5xf32> to vector<50x1xf32>
    %mul3A_27 = arith.constant 1.900000e+01 : f32
    %mul3A_28 = vector.broadcast %mul3A_27 : f32 to vector<50x1xf32>
    %mul3A_29 = arith.mulf %slice3A_26, %mul3A_28 : vector<50x1xf32>
    %slice3A_30 = vector.extract_strided_slice %get3A_3 {offsets = [0, 3], sizes = [50, 1], strides = [1, 1]} : vector<50x5xf32> to vector<50x1xf32>
    %mul3A_31 = arith.constant 1.900000e+01 : f32
    %mul3A_32 = vector.broadcast %mul3A_31 : f32 to vector<50x1xf32>
    %mul3A_33 = arith.mulf %slice3A_30, %mul3A_32 : vector<50x1xf32>
    %slice3A_34 = vector.extract_strided_slice %get3A_3 {offsets = [0, 4], sizes = [50, 1], strides = [1, 1]} : vector<50x5xf32> to vector<50x1xf32>
    %mul3A_35 = arith.constant 1.900000e+01 : f32
    %mul3A_36 = vector.broadcast %mul3A_35 : f32 to vector<50x1xf32>
    %mul3A_37 = arith.mulf %slice3A_34, %mul3A_36 : vector<50x1xf32>
    %slice3A_38 = vector.extract_strided_slice %get3A_8 {offsets = [0, 0], sizes = [1, 9], strides = [1, 1]} : vector<2x9xf32> to vector<1x9xf32>
    %slice3A_39 = vector.extract_strided_slice %get3A_8 {offsets = [1, 0], sizes = [1, 9], strides = [1, 1]} : vector<2x9xf32> to vector<1x9xf32>
    %min3A = vector.broadcast %mul3A_33 : vector<50x1xf32> to vector<50x9xf32>
    %min3A_40 = vector.broadcast %slice3A_38 : vector<1x9xf32> to vector<50x9xf32>
    %min3A_41 = arith.minimumf %min3A, %min3A_40 : vector<50x9xf32>
    %min3A_42 = vector.broadcast %mul3A_37 : vector<50x1xf32> to vector<50x9xf32>
    %min3A_43 = vector.broadcast %slice3A_39 : vector<1x9xf32> to vector<50x9xf32>
    %min3A_44 = arith.minimumf %min3A_42, %min3A_43 : vector<50x9xf32>
    %gt3A_45 = arith.constant 0.000000e+00 : f32
    %gt3A_46 = vector.broadcast %gt3A_45 : f32 to vector<50x9xf32>
    %gt3A_47 = arith.cmpf ogt, %min3A_41, %gt3A_46 : vector<50x9xf32>
    %gt3A_48 = arith.constant 0.000000e+00 : f32
    %gt3A_49 = vector.broadcast %gt3A_48 : f32 to vector<50x9xf32>
    %gt3A_50 = arith.cmpf ogt, %min3A_44, %gt3A_49 : vector<50x9xf32>
    %and3A = arith.andi %gt3A_47, %gt3A_50 : vector<50x9xi1>
    %convert_element_type3A_51 = arith.extui %and3A : vector<50x9xi1> to vector<50x9xi32>
    %convert_element_type3A_52 = arith.sitofp %convert_element_type3A_51 : vector<50x9xi32> to vector<50x9xf32>
    %mul3A_53 = arith.mulf %min3A_41, %min3A_44 : vector<50x9xf32>
    %mul3A_54 = arith.mulf %mul3A_53, %convert_element_type3A_52 : vector<50x9xf32>
    %mul3A_55 = arith.mulf %mul3A_33, %mul3A_37 : vector<50x1xf32>
    %mul3A_56 = arith.mulf %slice3A_38, %slice3A_39 : vector<1x9xf32>
    %add3A = vector.broadcast %mul3A_55 : vector<50x1xf32> to vector<50x9xf32>
    %add3A_57 = vector.broadcast %mul3A_56 : vector<1x9xf32> to vector<50x9xf32>
    %add3A_58 = arith.addf %add3A, %add3A_57 : vector<50x9xf32>
    %sub3A = arith.subf %add3A_58, %mul3A_54 : vector<50x9xf32>
    %div3A = arith.divf %mul3A_54, %sub3A : vector<50x9xf32>
    %reduce_max3A = arith.constant dense<0xFF800000> : vector<50xf32>
    %reduce_max3A_59 = vector.multi_reduction <maximumf>, %div3A, %reduce_max3A [1] : vector<50x9xf32> to vector<50xf32>
    %broadcast_in_dim3A = vector.shape_cast %reduce_max3A_59 : vector<50xf32> to vector<50x1xf32>
    %iota3A_60 = tpu.iota {dimensions = array<i32: 1>} : vector<50x9xi32>
    %eq3A_61 = vector.broadcast %broadcast_in_dim3A : vector<50x1xf32> to vector<50x9xf32>
    %eq3A_62 = arith.cmpf oeq, %div3A, %eq3A_61 : vector<50x9xf32>
    %jit3A = arith.constant 9 : i32
    %broadcast_in_dim3A_63 = vector.broadcast %jit3A : i32 to vector<50x9xi32>
    %select_n3A = arith.select %eq3A_62, %iota3A_60, %broadcast_in_dim3A_63 : vector<50x9xi1>, vector<50x9xi32>
    %reduce_min3A = arith.constant dense<2147483647> : vector<50xi32>
    %reduce_min3A_64 = vector.multi_reduction <minsi>, %select_n3A, %reduce_min3A [1] : vector<50x9xi32> to vector<50xi32>
    %broadcast_in_dim3A_65 = vector.shape_cast %reduce_min3A_64 : vector<50xi32> to vector<50x1xi32>
    %jit3A_66 = arith.constant 3 : i32
    %div3A_67 = vector.broadcast %jit3A_66 : i32 to vector<50x1xi32>
    %div3A_68 = arith.divsi %broadcast_in_dim3A_65, %div3A_67 : vector<50x1xi32>
    %sign3A = arith.constant 0 : i32
    %sign3A_69 = vector.broadcast %sign3A : i32 to vector<50x1xi32>
    %sign3A_70 = arith.cmpi sgt, %broadcast_in_dim3A_65, %sign3A_69 : vector<50x1xi32>
    %sign3A_71 = arith.extui %sign3A_70 : vector<50x1xi1> to vector<50x1xi32>
    %sign3A_72 = arith.constant 0 : i32
    %sign3A_73 = vector.broadcast %sign3A_72 : i32 to vector<50x1xi32>
    %sign3A_74 = arith.cmpi slt, %broadcast_in_dim3A_65, %sign3A_73 : vector<50x1xi32>
    %sign3A_75 = arith.extui %sign3A_74 : vector<50x1xi1> to vector<50x1xi32>
    %sign3A_76 = arith.subi %sign3A_71, %sign3A_75 : vector<50x1xi32>
    %sign3A_77 = arith.constant 0 : i32
    %sign3A_78 = arith.cmpi sgt, %jit3A_66, %sign3A_77 : i32
    %sign3A_79 = arith.extui %sign3A_78 : i1 to i32
    %sign3A_80 = arith.constant 0 : i32
    %sign3A_81 = arith.cmpi slt, %jit3A_66, %sign3A_80 : i32
    %sign3A_82 = arith.extui %sign3A_81 : i1 to i32
    %sign3A_83 = arith.subi %sign3A_79, %sign3A_82 : i32
    %ne3A = vector.broadcast %sign3A_83 : i32 to vector<50x1xi32>
    %ne3A_84 = arith.cmpi ne, %sign3A_76, %ne3A : vector<50x1xi32>
    %rem3A = vector.broadcast %jit3A_66 : i32 to vector<50x1xi32>
    %rem3A_85 = arith.remsi %broadcast_in_dim3A_65, %rem3A : vector<50x1xi32>
    %ne3A_86 = arith.constant 0 : i32
    %ne3A_87 = vector.broadcast %ne3A_86 : i32 to vector<50x1xi32>
    %ne3A_88 = arith.cmpi ne, %rem3A_85, %ne3A_87 : vector<50x1xi32>
    %and3A_89 = arith.andi %ne3A_84, %ne3A_88 : vector<50x1xi1>
    %sub3A_90 = arith.constant 1 : i32
    %sub3A_91 = vector.broadcast %sub3A_90 : i32 to vector<50x1xi32>
    %sub3A_92 = arith.subi %div3A_68, %sub3A_91 : vector<50x1xi32>
    %select_n3A_93 = arith.select %and3A_89, %sub3A_92, %div3A_68 : vector<50x1xi1>, vector<50x1xi32>
    %eq3A_94 = arith.constant 2 : i32
    %eq3A_95 = vector.broadcast %eq3A_94 : i32 to vector<50x1xi32>
    %eq3A_96 = arith.cmpi eq, %select_n3A_93, %eq3A_95 : vector<50x1xi32>
    %jit3A_97 = arith.constant 3 : i32
    %div3A_98 = vector.broadcast %jit3A_97 : i32 to vector<50x1xi32>
    %div3A_99 = arith.divsi %broadcast_in_dim3A_65, %div3A_98 : vector<50x1xi32>
    %sign3A_100 = arith.constant 0 : i32
    %sign3A_101 = vector.broadcast %sign3A_100 : i32 to vector<50x1xi32>
    %sign3A_102 = arith.cmpi sgt, %broadcast_in_dim3A_65, %sign3A_101 : vector<50x1xi32>
    %sign3A_103 = arith.extui %sign3A_102 : vector<50x1xi1> to vector<50x1xi32>
    %sign3A_104 = arith.constant 0 : i32
    %sign3A_105 = vector.broadcast %sign3A_104 : i32 to vector<50x1xi32>
    %sign3A_106 = arith.cmpi slt, %broadcast_in_dim3A_65, %sign3A_105 : vector<50x1xi32>
    %sign3A_107 = arith.extui %sign3A_106 : vector<50x1xi1> to vector<50x1xi32>
    %sign3A_108 = arith.subi %sign3A_103, %sign3A_107 : vector<50x1xi32>
    %sign3A_109 = arith.constant 0 : i32
    %sign3A_110 = arith.cmpi sgt, %jit3A_97, %sign3A_109 : i32
    %sign3A_111 = arith.extui %sign3A_110 : i1 to i32
    %sign3A_112 = arith.constant 0 : i32
    %sign3A_113 = arith.cmpi slt, %jit3A_97, %sign3A_112 : i32
    %sign3A_114 = arith.extui %sign3A_113 : i1 to i32
    %sign3A_115 = arith.subi %sign3A_111, %sign3A_114 : i32
    %ne3A_116 = vector.broadcast %sign3A_115 : i32 to vector<50x1xi32>
    %ne3A_117 = arith.cmpi ne, %sign3A_108, %ne3A_116 : vector<50x1xi32>
    %rem3A_118 = vector.broadcast %jit3A_97 : i32 to vector<50x1xi32>
    %rem3A_119 = arith.remsi %broadcast_in_dim3A_65, %rem3A_118 : vector<50x1xi32>
    %ne3A_120 = arith.constant 0 : i32
    %ne3A_121 = vector.broadcast %ne3A_120 : i32 to vector<50x1xi32>
    %ne3A_122 = arith.cmpi ne, %rem3A_119, %ne3A_121 : vector<50x1xi32>
    %and3A_123 = arith.andi %ne3A_117, %ne3A_122 : vector<50x1xi1>
    %sub3A_124 = arith.constant 1 : i32
    %sub3A_125 = vector.broadcast %sub3A_124 : i32 to vector<50x1xi32>
    %sub3A_126 = arith.subi %div3A_99, %sub3A_125 : vector<50x1xi32>
    %select_n3A_127 = arith.select %and3A_123, %sub3A_126, %div3A_99 : vector<50x1xi1>, vector<50x1xi32>
    %mul3A_128 = arith.constant 3 : i32
    %mul3A_129 = vector.broadcast %mul3A_128 : i32 to vector<50x1xi32>
    %mul3A_130 = arith.muli %mul3A_129, %select_n3A_127 : vector<50x1xi32>
    %sub3A_131 = arith.subi %broadcast_in_dim3A_65, %mul3A_130 : vector<50x1xi32>
    %convert_element_type3A_132 = arith.sitofp %sub3A_131 : vector<50x1xi32> to vector<50x1xf32>
    %lt3A_133 = vector.broadcast %reduce_sum3A_18 : f32 to vector<50x1xf32>
    %lt3A_134 = arith.cmpf olt, %convert_element_type3A_20, %lt3A_133 : vector<50x1xf32>
    %and3A_135 = arith.andi %lt3A_134, %eq3A_96 : vector<50x1xi1>
    %convert_element_type3A_136 = arith.extui %and3A_135 : vector<50x1xi1> to vector<50x1xi32>
    %convert_element_type3A_137 = arith.sitofp %convert_element_type3A_136 : vector<50x1xi32> to vector<50x1xf32>
    %reduce_max3A_138 = vector.shape_cast %convert_element_type3A_137 : vector<50x1xf32> to vector<1x50x1xf32>
    %reduce_max3A_139 = arith.constant dense<0xFF800000> : vector<1xf32>
    %reduce_max3A_140 = vector.multi_reduction <maximumf>, %reduce_max3A_138, %reduce_max3A_139 [1, 2] : vector<1x50x1xf32> to vector<1xf32>
    %reduce_max3A_141 = vector.shape_cast %reduce_max3A_140 : vector<1xf32> to vector<1x1x1xf32>
    %reduce_max3A_142 = vector.extract %reduce_max3A_141[0, 0, 0] : f32 from vector<1x1x1xf32>
    %floor3A = math.floor %mul3A_25 : vector<50x1xf32>
    %floor3A_143 = math.floor %mul3A_29 : vector<50x1xf32>
    %mul3A_144 = arith.constant 1.900000e+01 : f32
    %mul3A_145 = vector.broadcast %mul3A_144 : f32 to vector<50x1xf32>
    %mul3A_146 = arith.mulf %convert_element_type3A_132, %mul3A_145 : vector<50x1xf32>
    %add3A_147 = arith.addf %mul3A_146, %floor3A_143 : vector<50x1xf32>
    %mul3A_148 = arith.constant 1.900000e+01 : f32
    %mul3A_149 = vector.broadcast %mul3A_148 : f32 to vector<50x1xf32>
    %mul3A_150 = arith.mulf %add3A_147, %mul3A_149 : vector<50x1xf32>
    %add3A_151 = arith.addf %mul3A_150, %floor3A : vector<50x1xf32>
    %mul3A_152 = vector.broadcast %add3A_151 : vector<50x1xf32> to vector<50x50xf32>
    %mul3A_153 = arith.mulf %convert_element_type3A_5, %mul3A_152 : vector<50x50xf32>
    %reduce_sum3A_154 = arith.constant dense<0.000000e+00> : vector<50xf32>
    %reduce_sum3A_155 = vector.multi_reduction <add>, %mul3A_153, %reduce_sum3A_154 [0] : vector<50x50xf32> to vector<50xf32>
    %broadcast_in_dim3A_156 = vector.shape_cast %reduce_sum3A_155 : vector<50xf32> to vector<1x50xf32>
    %mul3A_157 = vector.broadcast %convert_element_type3A_137 : vector<50x1xf32> to vector<50x50xf32>
    %mul3A_158 = arith.mulf %convert_element_type3A_5, %mul3A_157 : vector<50x50xf32>
    %reduce_sum3A_159 = arith.constant dense<0.000000e+00> : vector<50xf32>
    %reduce_sum3A_160 = vector.multi_reduction <add>, %mul3A_158, %reduce_sum3A_159 [0] : vector<50x50xf32> to vector<50xf32>
    %broadcast_in_dim3A_161 = vector.shape_cast %reduce_sum3A_160 : vector<50xf32> to vector<1x50xf32>
    %eq3A_162 = vector.broadcast %add3A_151 : vector<50x1xf32> to vector<50x50xf32>
    %eq3A_163 = vector.broadcast %broadcast_in_dim3A_156 : vector<1x50xf32> to vector<50x50xf32>
    %eq3A_164 = arith.cmpf oeq, %eq3A_162, %eq3A_163 : vector<50x50xf32>
    %gt3A_165 = arith.constant 0.000000e+00 : f32
    %gt3A_166 = vector.broadcast %gt3A_165 : f32 to vector<1x50xf32>
    %gt3A_167 = arith.cmpf ogt, %broadcast_in_dim3A_161, %gt3A_166 : vector<1x50xf32>
    %and3A_168 = vector.broadcast %gt3A_167 : vector<1x50xi1> to vector<50x50xi1>
    %and3A_169 = arith.andi %eq3A_164, %and3A_168 : vector<50x50xi1>
    %lt3A_170 = arith.cmpi slt, %iota3A, %iota3A_4 : vector<50x50xi32>
    %and3A_171 = arith.andi %and3A_169, %lt3A_170 : vector<50x50xi1>
    %convert_element_type3A_172 = arith.extui %and3A_171 : vector<50x50xi1> to vector<50x50xi32>
    %convert_element_type3A_173 = arith.sitofp %convert_element_type3A_172 : vector<50x50xi32> to vector<50x50xf32>
    %reduce_max3A_174 = arith.constant dense<0xFF800000> : vector<50xf32>
    %reduce_max3A_175 = vector.multi_reduction <maximumf>, %convert_element_type3A_173, %reduce_max3A_174 [1] : vector<50x50xf32> to vector<50xf32>
    %broadcast_in_dim3A_176 = vector.shape_cast %reduce_max3A_175 : vector<50xf32> to vector<50x1xf32>
    %sub3A_177 = arith.constant 1.000000e+00 : f32
    %sub3A_178 = vector.broadcast %sub3A_177 : f32 to vector<50x1xf32>
    %sub3A_179 = arith.subf %sub3A_178, %broadcast_in_dim3A_176 : vector<50x1xf32>
    %mul3A_180 = arith.mulf %convert_element_type3A_137, %sub3A_179 : vector<50x1xf32>
    %mul3A_181 = arith.mulf %mul3A_33, %mul3A_37 : vector<50x1xf32>
    %div3A_182 = arith.constant 3.610000e+02 : f32
    %div3A_183 = vector.broadcast %div3A_182 : f32 to vector<50x1xf32>
    %div3A_184 = arith.divf %mul3A_181, %div3A_183 : vector<50x1xf32>
    %sub3A_185 = arith.constant 2.000000e+00 : f32
    %sub3A_186 = vector.broadcast %sub3A_185 : f32 to vector<50x1xf32>
    %sub3A_187 = arith.subf %sub3A_186, %div3A_184 : vector<50x1xf32>
    %sqrt3A = math.sqrt %sub3A_187 : vector<50x1xf32>
    %sub3A_188 = arith.subf %mul3A_25, %floor3A : vector<50x1xf32>
    %sub3A_189 = arith.subf %mul3A_29, %floor3A_143 : vector<50x1xf32>
    %eq3A_190 = arith.constant 1.000000e+00 : f32
    %eq3A_191 = vector.broadcast %eq3A_190 : f32 to vector<50x1xf32>
    %eq3A_192 = arith.cmpf oeq, %convert_element_type3A_132, %eq3A_191 : vector<50x1xf32>
    %eq3A_193 = arith.constant 2.000000e+00 : f32
    %eq3A_194 = vector.broadcast %eq3A_193 : f32 to vector<50x1xf32>
    %eq3A_195 = arith.cmpf oeq, %convert_element_type3A_132, %eq3A_194 : vector<50x1xf32>
    %jit3A_196 = arith.constant 4.875000e+00 : f32
    %jit3A_197 = arith.constant 3.625000e+00 : f32
    %broadcast_in_dim3A_198 = vector.broadcast %jit3A_196 : f32 to vector<50x1xf32>
    %broadcast_in_dim3A_199 = vector.broadcast %jit3A_197 : f32 to vector<50x1xf32>
    %select_n3A_200 = arith.select %eq3A_192, %broadcast_in_dim3A_198, %broadcast_in_dim3A_199 : vector<50x1xi1>, vector<50x1xf32>
    %jit3A_201 = arith.constant 11.65625 : f32
    %broadcast_in_dim3A_202 = vector.broadcast %jit3A_201 : f32 to vector<50x1xf32>
    %select_n3A_203 = arith.select %eq3A_195, %broadcast_in_dim3A_202, %select_n3A_200 : vector<50x1xi1>, vector<50x1xf32>
    %jit3A_204 = arith.constant 6.187500e+00 : f32
    %jit3A_205 = arith.constant 2.812500e+00 : f32
    %broadcast_in_dim3A_206 = vector.broadcast %jit3A_204 : f32 to vector<50x1xf32>
    %broadcast_in_dim3A_207 = vector.broadcast %jit3A_205 : f32 to vector<50x1xf32>
    %select_n3A_208 = arith.select %eq3A_192, %broadcast_in_dim3A_206, %broadcast_in_dim3A_207 : vector<50x1xi1>, vector<50x1xf32>
    %jit3A_209 = arith.constant 1.018750e+01 : f32
    %broadcast_in_dim3A_210 = vector.broadcast %jit3A_209 : f32 to vector<50x1xf32>
    %select_n3A_211 = arith.select %eq3A_195, %broadcast_in_dim3A_210, %select_n3A_208 : vector<50x1xi1>, vector<50x1xf32>
    %div3A_212 = arith.divf %mul3A_33, %select_n3A_203 : vector<50x1xf32>
    %add3A_213 = arith.constant 1.000000e-16 : f32
    %add3A_214 = vector.broadcast %add3A_213 : f32 to vector<50x1xf32>
    %add3A_215 = arith.addf %div3A_212, %add3A_214 : vector<50x1xf32>
    %log3A = math.log %add3A_215 : vector<50x1xf32>
    %div3A_216 = arith.divf %mul3A_37, %select_n3A_211 : vector<50x1xf32>
    %add3A_217 = arith.constant 1.000000e-16 : f32
    %add3A_218 = vector.broadcast %add3A_217 : f32 to vector<50x1xf32>
    %add3A_219 = arith.addf %div3A_216, %add3A_218 : vector<50x1xf32>
    %log3A_220 = math.log %add3A_219 : vector<50x1xf32>
    %slice3A_221 = vector.extract_strided_slice %get3A_3 {offsets = [0, 0], sizes = [50, 1], strides = [1, 1]} : vector<50x5xf32> to vector<50x1xf32>
    %floor3A_222 = math.floor %slice3A_221 : vector<50x1xf32>
    %broadcast_in_dim3A_223 = vector.broadcast %reduce_max3A_142 : f32 to vector<50x1xf32>
    %broadcast_in_dim3A_224 = arith.constant 0.000000e+00 : f32
    %broadcast_in_dim3A_225 = vector.broadcast %broadcast_in_dim3A_224 : f32 to vector<50x1xf32>
    %concatenate3A = tpu.concatenate %mul3A_180, %sqrt3A, %sub3A_188, %sub3A_189, %log3A, %log3A_220, %floor3A_222, %convert_element_type3A_23, %mul3A_25, %mul3A_29, %mul3A_33, %mul3A_37, %floor3A, %floor3A_143, %select_n3A_203, %select_n3A_211, %broadcast_in_dim3A_223, %broadcast_in_dim3A_225, %broadcast_in_dim3A_225, %broadcast_in_dim3A_225, %broadcast_in_dim3A_225, %broadcast_in_dim3A_225, %broadcast_in_dim3A_225, %broadcast_in_dim3A_225 in 1 : vector<50x1xf32>, vector<50x1xf32>, vector<50x1xf32>, vector<50x1xf32>, vector<50x1xf32>, vector<50x1xf32>, vector<50x1xf32>, vector<50x1xf32>, vector<50x1xf32>, vector<50x1xf32>, vector<50x1xf32>, vector<50x1xf32>, vector<50x1xf32>, vector<50x1xf32>, vector<50x1xf32>, vector<50x1xf32>, vector<50x1xf32>, vector<50x1xf32>, vector<50x1xf32>, vector<50x1xf32>, vector<50x1xf32>, vector<50x1xf32>, vector<50x1xf32>, vector<50x1xf32> -> vector<50x24xf32>
    %broadcast_in_dim3A_226 = arith.constant 0.000000e+00 : f32
    %broadcast_in_dim3A_227 = vector.broadcast %broadcast_in_dim3A_226 : f32 to vector<14x24xf32>
    %concatenate3A_228 = tpu.concatenate %concatenate3A, %broadcast_in_dim3A_227 in 0 : vector<50x24xf32>, vector<14x24xf32> -> vector<64x24xf32>
    %swap3A = arith.constant 0 : index
    %swap3A_229 = arith.constant 0 : index
    %swap3A_230 = arith.constant 0 : index
    %swap3A_231 = arith.constant 0 : index
    %swap3A_232 = vector.load %arg3[%swap3A, %swap3A_229, %swap3A_230, %swap3A_231] : memref<1x3x64x24xf32, #tpu.memory_space<vmem>>, vector<1x1x64x24xf32>
    %swap3A_233 = vector.shape_cast %swap3A_232 : vector<1x1x64x24xf32> to vector<64x24xf32>
    %swap3A_234 = vector.shape_cast %concatenate3A_228 : vector<64x24xf32> to vector<1x1x64x24xf32>
    tpu.vector_store %arg3[%swap3A, %swap3A_229, %swap3A_230, %swap3A_231], %swap3A_234 {strides = array<i32>} : memref<1x3x64x24xf32, #tpu.memory_space<vmem>>, vector<1x1x64x24xf32>,
    %convert_element_type3A_235 = arith.sitofp %arg0 : i32 to f32
    %mul3A_236 = arith.constant 3.000000e+00 : f32
    %mul3A_237 = arith.mulf %convert_element_type3A_235, %mul3A_236 : f32
    %add3A_238 = vector.broadcast %mul3A_237 : f32 to vector<50x1xf32>
    %add3A_239 = arith.addf %add3A_238, %convert_element_type3A_132 : vector<50x1xf32>
    %mul3A_240 = arith.constant 1.900000e+01 : f32
    %mul3A_241 = vector.broadcast %mul3A_240 : f32 to vector<50x1xf32>
    %mul3A_242 = arith.mulf %add3A_239, %mul3A_241 : vector<50x1xf32>
    %add3A_243 = arith.addf %mul3A_242, %floor3A_143 : vector<50x1xf32>
    %mul3A_244 = arith.constant 1.900000e+01 : f32
    %mul3A_245 = vector.broadcast %mul3A_244 : f32 to vector<50x1xf32>
    %mul3A_246 = arith.mulf %add3A_243, %mul3A_245 : vector<50x1xf32>
    %add3A_247 = arith.addf %mul3A_246, %floor3A : vector<50x1xf32>
    %iota3A_248 = tpu.iota {dimensions = array<i32: 1>} : vector<1x85xi32>
    %convert_element_type3A_249 = arith.sitofp %iota3A_248 : vector<1x85xi32> to vector<1x85xf32>
    %mul3A_250 = arith.constant 8.500000e+01 : f32
    %mul3A_251 = vector.broadcast %mul3A_250 : f32 to vector<50x1xf32>
    %mul3A_252 = arith.mulf %add3A_247, %mul3A_251 : vector<50x1xf32>
    %add3A_253 = vector.broadcast %mul3A_252 : vector<50x1xf32> to vector<50x85xf32>
    %add3A_254 = vector.broadcast %convert_element_type3A_249 : vector<1x85xf32> to vector<50x85xf32>
    %add3A_255 = arith.addf %add3A_253, %add3A_254 : vector<50x85xf32>
    %broadcast_in_dim3A_256 = arith.constant 0.000000e+00 : f32
    %broadcast_in_dim3A_257 = vector.broadcast %broadcast_in_dim3A_256 : f32 to vector<14x85xf32>
    %concatenate3A_258 = tpu.concatenate %add3A_255, %broadcast_in_dim3A_257 in 0 : vector<50x85xf32>, vector<14x85xf32> -> vector<64x85xf32>
    %convert_element_type3A_259 = arith.fptosi %concatenate3A_258 : vector<64x85xf32> to vector<64x85xi32>
    %swap3A_260 = arith.constant 0 : index
    %swap3A_261 = arith.constant 0 : index
    %swap3A_262 = arith.constant 0 : index
    %swap3A_263 = arith.constant 0 : index
    %swap3A_264 = vector.load %arg4[%swap3A_260, %swap3A_261, %swap3A_262, %swap3A_263] : memref<1x3x64x85xi32, #tpu.memory_space<vmem>>, vector<1x1x64x85xi32>
    %swap3A_265 = vector.shape_cast %swap3A_264 : vector<1x1x64x85xi32> to vector<64x85xi32>
    %swap3A_266 = vector.shape_cast %convert_element_type3A_259 : vector<64x85xi32> to vector<1x1x64x85xi32>
    tpu.vector_store %arg4[%swap3A_260, %swap3A_261, %swap3A_262, %swap3A_263], %swap3A_266 {strides = array<i32>} : memref<1x3x64x85xi32, #tpu.memory_space<vmem>>, vector<1x1x64x85xi32>,
    %get3A_267 = arith.constant 2 : index
    %get3A_268 = arith.constant 0 : index
    %get3A_269 = vector.load %arg2[%get3A_267, %get3A_268] : memref<6x9xf32, #tpu.memory_space<vmem>>, vector<2x9xf32>
    %reduce_sum3A_270 = arith.constant dense<0.000000e+00> : vector<50xf32>
    %reduce_sum3A_271 = vector.multi_reduction <add>, %get3A_3, %reduce_sum3A_270 [1] : vector<50x5xf32> to vector<50xf32>
    %gt3A_272 = arith.constant 0.000000e+00 : f32
    %gt3A_273 = vector.broadcast %gt3A_272 : f32 to vector<50xf32>
    %gt3A_274 = arith.cmpf ogt, %reduce_sum3A_271, %gt3A_273 : vector<50xf32>
    %convert_element_type3A_275 = arith.extui %gt3A_274 : vector<50xi1> to vector<50xi32>
    %convert_element_type3A_276 = arith.sitofp %convert_element_type3A_275 : vector<50xi32> to vector<50xf32>
    %reduce_sum3A_277 = vector.shape_cast %convert_element_type3A_276 : vector<50xf32> to vector<1x50xf32>
    %reduce_sum3A_278 = arith.constant dense<0.000000e+00> : vector<1xf32>
    %reduce_sum3A_279 = vector.multi_reduction <add>, %reduce_sum3A_277, %reduce_sum3A_278 [1] : vector<1x50xf32> to vector<1xf32>
    %reduce_sum3A_280 = vector.shape_cast %reduce_sum3A_279 : vector<1xf32> to vector<1x1xf32>
    %reduce_sum3A_281 = vector.extract %reduce_sum3A_280[0, 0] : f32 from vector<1x1xf32>
    %iota3A_282 = tpu.iota {dimensions = array<i32: 0>} : vector<50x1xi32>
    %convert_element_type3A_283 = arith.sitofp %iota3A_282 : vector<50x1xi32> to vector<50x1xf32>
    %lt3A_284 = vector.broadcast %reduce_sum3A_281 : f32 to vector<50x1xf32>
    %lt3A_285 = arith.cmpf olt, %convert_element_type3A_283, %lt3A_284 : vector<50x1xf32>
    %convert_element_type3A_286 = arith.extui %lt3A_285 : vector<50x1xi1> to vector<50x1xi32>
    %convert_element_type3A_287 = arith.sitofp %convert_element_type3A_286 : vector<50x1xi32> to vector<50x1xf32>
    %slice3A_288 = vector.extract_strided_slice %get3A_3 {offsets = [0, 1], sizes = [50, 1], strides = [1, 1]} : vector<50x5xf32> to vector<50x1xf32>
    %mul3A_289 = arith.constant 3.800000e+01 : f32
    %mul3A_290 = vector.broadcast %mul3A_289 : f32 to vector<50x1xf32>
    %mul3A_291 = arith.mulf %slice3A_288, %mul3A_290 : vector<50x1xf32>
    %slice3A_292 = vector.extract_strided_slice %get3A_3 {offsets = [0, 2], sizes = [50, 1], strides = [1, 1]} : vector<50x5xf32> to vector<50x1xf32>
    %mul3A_293 = arith.constant 3.800000e+01 : f32
    %mul3A_294 = vector.broadcast %mul3A_293 : f32 to vector<50x1xf32>
    %mul3A_295 = arith.mulf %slice3A_292, %mul3A_294 : vector<50x1xf32>
    %slice3A_296 = vector.extract_strided_slice %get3A_3 {offsets = [0, 3], sizes = [50, 1], strides = [1, 1]} : vector<50x5xf32> to vector<50x1xf32>
    %mul3A_297 = arith.constant 3.800000e+01 : f32
    %mul3A_298 = vector.broadcast %mul3A_297 : f32 to vector<50x1xf32>
    %mul3A_299 = arith.mulf %slice3A_296, %mul3A_298 : vector<50x1xf32>
    %slice3A_300 = vector.extract_strided_slice %get3A_3 {offsets = [0, 4], sizes = [50, 1], strides = [1, 1]} : vector<50x5xf32> to vector<50x1xf32>
    %mul3A_301 = arith.constant 3.800000e+01 : f32
    %mul3A_302 = vector.broadcast %mul3A_301 : f32 to vector<50x1xf32>
    %mul3A_303 = arith.mulf %slice3A_300, %mul3A_302 : vector<50x1xf32>
    %slice3A_304 = vector.extract_strided_slice %get3A_269 {offsets = [0, 0], sizes = [1, 9], strides = [1, 1]} : vector<2x9xf32> to vector<1x9xf32>
    %slice3A_305 = vector.extract_strided_slice %get3A_269 {offsets = [1, 0], sizes = [1, 9], strides = [1, 1]} : vector<2x9xf32> to vector<1x9xf32>
    %min3A_306 = vector.broadcast %mul3A_299 : vector<50x1xf32> to vector<50x9xf32>
    %min3A_307 = vector.broadcast %slice3A_304 : vector<1x9xf32> to vector<50x9xf32>
    %min3A_308 = arith.minimumf %min3A_306, %min3A_307 : vector<50x9xf32>
    %min3A_309 = vector.broadcast %mul3A_303 : vector<50x1xf32> to vector<50x9xf32>
    %min3A_310 = vector.broadcast %slice3A_305 : vector<1x9xf32> to vector<50x9xf32>
    %min3A_311 = arith.minimumf %min3A_309, %min3A_310 : vector<50x9xf32>
    %gt3A_312 = arith.constant 0.000000e+00 : f32
    %gt3A_313 = vector.broadcast %gt3A_312 : f32 to vector<50x9xf32>
    %gt3A_314 = arith.cmpf ogt, %min3A_308, %gt3A_313 : vector<50x9xf32>
    %gt3A_315 = arith.constant 0.000000e+00 : f32
    %gt3A_316 = vector.broadcast %gt3A_315 : f32 to vector<50x9xf32>
    %gt3A_317 = arith.cmpf ogt, %min3A_311, %gt3A_316 : vector<50x9xf32>
    %and3A_318 = arith.andi %gt3A_314, %gt3A_317 : vector<50x9xi1>
    %convert_element_type3A_319 = arith.extui %and3A_318 : vector<50x9xi1> to vector<50x9xi32>
    %convert_element_type3A_320 = arith.sitofp %convert_element_type3A_319 : vector<50x9xi32> to vector<50x9xf32>
    %mul3A_321 = arith.mulf %min3A_308, %min3A_311 : vector<50x9xf32>
    %mul3A_322 = arith.mulf %mul3A_321, %convert_element_type3A_320 : vector<50x9xf32>
    %mul3A_323 = arith.mulf %mul3A_299, %mul3A_303 : vector<50x1xf32>
    %mul3A_324 = arith.mulf %slice3A_304, %slice3A_305 : vector<1x9xf32>
    %add3A_325 = vector.broadcast %mul3A_323 : vector<50x1xf32> to vector<50x9xf32>
    %add3A_326 = vector.broadcast %mul3A_324 : vector<1x9xf32> to vector<50x9xf32>
    %add3A_327 = arith.addf %add3A_325, %add3A_326 : vector<50x9xf32>
    %sub3A_328 = arith.subf %add3A_327, %mul3A_322 : vector<50x9xf32>
    %div3A_329 = arith.divf %mul3A_322, %sub3A_328 : vector<50x9xf32>
    %reduce_max3A_330 = arith.constant dense<0xFF800000> : vector<50xf32>
    %reduce_max3A_331 = vector.multi_reduction <maximumf>, %div3A_329, %reduce_max3A_330 [1] : vector<50x9xf32> to vector<50xf32>
    %broadcast_in_dim3A_332 = vector.shape_cast %reduce_max3A_331 : vector<50xf32> to vector<50x1xf32>
    %iota3A_333 = tpu.iota {dimensions = array<i32: 1>} : vector<50x9xi32>
    %eq3A_334 = vector.broadcast %broadcast_in_dim3A_332 : vector<50x1xf32> to vector<50x9xf32>
    %eq3A_335 = arith.cmpf oeq, %div3A_329, %eq3A_334 : vector<50x9xf32>
    %jit3A_336 = arith.constant 9 : i32
    %broadcast_in_dim3A_337 = vector.broadcast %jit3A_336 : i32 to vector<50x9xi32>
    %select_n3A_338 = arith.select %eq3A_335, %iota3A_333, %broadcast_in_dim3A_337 : vector<50x9xi1>, vector<50x9xi32>
    %reduce_min3A_339 = arith.constant dense<2147483647> : vector<50xi32>
    %reduce_min3A_340 = vector.multi_reduction <minsi>, %select_n3A_338, %reduce_min3A_339 [1] : vector<50x9xi32> to vector<50xi32>
    %broadcast_in_dim3A_341 = vector.shape_cast %reduce_min3A_340 : vector<50xi32> to vector<50x1xi32>
    %jit3A_342 = arith.constant 3 : i32
    %div3A_343 = vector.broadcast %jit3A_342 : i32 to vector<50x1xi32>
    %div3A_344 = arith.divsi %broadcast_in_dim3A_341, %div3A_343 : vector<50x1xi32>
    %sign3A_345 = arith.constant 0 : i32
    %sign3A_346 = vector.broadcast %sign3A_345 : i32 to vector<50x1xi32>
    %sign3A_347 = arith.cmpi sgt, %broadcast_in_dim3A_341, %sign3A_346 : vector<50x1xi32>
    %sign3A_348 = arith.extui %sign3A_347 : vector<50x1xi1> to vector<50x1xi32>
    %sign3A_349 = arith.constant 0 : i32
    %sign3A_350 = vector.broadcast %sign3A_349 : i32 to vector<50x1xi32>
    %sign3A_351 = arith.cmpi slt, %broadcast_in_dim3A_341, %sign3A_350 : vector<50x1xi32>
    %sign3A_352 = arith.extui %sign3A_351 : vector<50x1xi1> to vector<50x1xi32>
    %sign3A_353 = arith.subi %sign3A_348, %sign3A_352 : vector<50x1xi32>
    %sign3A_354 = arith.constant 0 : i32
    %sign3A_355 = arith.cmpi sgt, %jit3A_342, %sign3A_354 : i32
    %sign3A_356 = arith.extui %sign3A_355 : i1 to i32
    %sign3A_357 = arith.constant 0 : i32
    %sign3A_358 = arith.cmpi slt, %jit3A_342, %sign3A_357 : i32
    %sign3A_359 = arith.extui %sign3A_358 : i1 to i32
    %sign3A_360 = arith.subi %sign3A_356, %sign3A_359 : i32
    %ne3A_361 = vector.broadcast %sign3A_360 : i32 to vector<50x1xi32>
    %ne3A_362 = arith.cmpi ne, %sign3A_353, %ne3A_361 : vector<50x1xi32>
    %rem3A_363 = vector.broadcast %jit3A_342 : i32 to vector<50x1xi32>
    %rem3A_364 = arith.remsi %broadcast_in_dim3A_341, %rem3A_363 : vector<50x1xi32>
    %ne3A_365 = arith.constant 0 : i32
    %ne3A_366 = vector.broadcast %ne3A_365 : i32 to vector<50x1xi32>
    %ne3A_367 = arith.cmpi ne, %rem3A_364, %ne3A_366 : vector<50x1xi32>
    %and3A_368 = arith.andi %ne3A_362, %ne3A_367 : vector<50x1xi1>
    %sub3A_369 = arith.constant 1 : i32
    %sub3A_370 = vector.broadcast %sub3A_369 : i32 to vector<50x1xi32>
    %sub3A_371 = arith.subi %div3A_344, %sub3A_370 : vector<50x1xi32>
    %select_n3A_372 = arith.select %and3A_368, %sub3A_371, %div3A_344 : vector<50x1xi1>, vector<50x1xi32>
    %eq3A_373 = arith.constant 1 : i32
    %eq3A_374 = vector.broadcast %eq3A_373 : i32 to vector<50x1xi32>
    %eq3A_375 = arith.cmpi eq, %select_n3A_372, %eq3A_374 : vector<50x1xi32>
    %jit3A_376 = arith.constant 3 : i32
    %div3A_377 = vector.broadcast %jit3A_376 : i32 to vector<50x1xi32>
    %div3A_378 = arith.divsi %broadcast_in_dim3A_341, %div3A_377 : vector<50x1xi32>
    %sign3A_379 = arith.constant 0 : i32
    %sign3A_380 = vector.broadcast %sign3A_379 : i32 to vector<50x1xi32>
    %sign3A_381 = arith.cmpi sgt, %broadcast_in_dim3A_341, %sign3A_380 : vector<50x1xi32>
    %sign3A_382 = arith.extui %sign3A_381 : vector<50x1xi1> to vector<50x1xi32>
    %sign3A_383 = arith.constant 0 : i32
    %sign3A_384 = vector.broadcast %sign3A_383 : i32 to vector<50x1xi32>
    %sign3A_385 = arith.cmpi slt, %broadcast_in_dim3A_341, %sign3A_384 : vector<50x1xi32>
    %sign3A_386 = arith.extui %sign3A_385 : vector<50x1xi1> to vector<50x1xi32>
    %sign3A_387 = arith.subi %sign3A_382, %sign3A_386 : vector<50x1xi32>
    %sign3A_388 = arith.constant 0 : i32
    %sign3A_389 = arith.cmpi sgt, %jit3A_376, %sign3A_388 : i32
    %sign3A_390 = arith.extui %sign3A_389 : i1 to i32
    %sign3A_391 = arith.constant 0 : i32
    %sign3A_392 = arith.cmpi slt, %jit3A_376, %sign3A_391 : i32
    %sign3A_393 = arith.extui %sign3A_392 : i1 to i32
    %sign3A_394 = arith.subi %sign3A_390, %sign3A_393 : i32
    %ne3A_395 = vector.broadcast %sign3A_394 : i32 to vector<50x1xi32>
    %ne3A_396 = arith.cmpi ne, %sign3A_387, %ne3A_395 : vector<50x1xi32>
    %rem3A_397 = vector.broadcast %jit3A_376 : i32 to vector<50x1xi32>
    %rem3A_398 = arith.remsi %broadcast_in_dim3A_341, %rem3A_397 : vector<50x1xi32>
    %ne3A_399 = arith.constant 0 : i32
    %ne3A_400 = vector.broadcast %ne3A_399 : i32 to vector<50x1xi32>
    %ne3A_401 = arith.cmpi ne, %rem3A_398, %ne3A_400 : vector<50x1xi32>
    %and3A_402 = arith.andi %ne3A_396, %ne3A_401 : vector<50x1xi1>
    %sub3A_403 = arith.constant 1 : i32
    %sub3A_404 = vector.broadcast %sub3A_403 : i32 to vector<50x1xi32>
    %sub3A_405 = arith.subi %div3A_378, %sub3A_404 : vector<50x1xi32>
    %select_n3A_406 = arith.select %and3A_402, %sub3A_405, %div3A_378 : vector<50x1xi1>, vector<50x1xi32>
    %mul3A_407 = arith.constant 3 : i32
    %mul3A_408 = vector.broadcast %mul3A_407 : i32 to vector<50x1xi32>
    %mul3A_409 = arith.muli %mul3A_408, %select_n3A_406 : vector<50x1xi32>
    %sub3A_410 = arith.subi %broadcast_in_dim3A_341, %mul3A_409 : vector<50x1xi32>
    %convert_element_type3A_411 = arith.sitofp %sub3A_410 : vector<50x1xi32> to vector<50x1xf32>
    %lt3A_412 = vector.broadcast %reduce_sum3A_281 : f32 to vector<50x1xf32>
    %lt3A_413 = arith.cmpf olt, %convert_element_type3A_283, %lt3A_412 : vector<50x1xf32>
    %and3A_414 = arith.andi %lt3A_413, %eq3A_375 : vector<50x1xi1>
    %convert_element_type3A_415 = arith.extui %and3A_414 : vector<50x1xi1> to vector<50x1xi32>
    %convert_element_type3A_416 = arith.sitofp %convert_element_type3A_415 : vector<50x1xi32> to vector<50x1xf32>
    %reduce_max3A_417 = vector.shape_cast %convert_element_type3A_416 : vector<50x1xf32> to vector<1x50x1xf32>
    %reduce_max3A_418 = arith.constant dense<0xFF800000> : vector<1xf32>
    %reduce_max3A_419 = vector.multi_reduction <maximumf>, %reduce_max3A_417, %reduce_max3A_418 [1, 2] : vector<1x50x1xf32> to vector<1xf32>
    %reduce_max3A_420 = vector.shape_cast %reduce_max3A_419 : vector<1xf32> to vector<1x1x1xf32>
    %reduce_max3A_421 = vector.extract %reduce_max3A_420[0, 0, 0] : f32 from vector<1x1x1xf32>
    %floor3A_422 = math.floor %mul3A_291 : vector<50x1xf32>
    %floor3A_423 = math.floor %mul3A_295 : vector<50x1xf32>
    %mul3A_424 = arith.constant 3.800000e+01 : f32
    %mul3A_425 = vector.broadcast %mul3A_424 : f32 to vector<50x1xf32>
    %mul3A_426 = arith.mulf %convert_element_type3A_411, %mul3A_425 : vector<50x1xf32>
    %add3A_427 = arith.addf %mul3A_426, %floor3A_423 : vector<50x1xf32>
    %mul3A_428 = arith.constant 3.800000e+01 : f32
    %mul3A_429 = vector.broadcast %mul3A_428 : f32 to vector<50x1xf32>
    %mul3A_430 = arith.mulf %add3A_427, %mul3A_429 : vector<50x1xf32>
    %add3A_431 = arith.addf %mul3A_430, %floor3A_422 : vector<50x1xf32>
    %mul3A_432 = vector.broadcast %add3A_431 : vector<50x1xf32> to vector<50x50xf32>
    %mul3A_433 = arith.mulf %convert_element_type3A_5, %mul3A_432 : vector<50x50xf32>
    %reduce_sum3A_434 = arith.constant dense<0.000000e+00> : vector<50xf32>
    %reduce_sum3A_435 = vector.multi_reduction <add>, %mul3A_433, %reduce_sum3A_434 [0] : vector<50x50xf32> to vector<50xf32>
    %broadcast_in_dim3A_436 = vector.shape_cast %reduce_sum3A_435 : vector<50xf32> to vector<1x50xf32>
    %mul3A_437 = vector.broadcast %convert_element_type3A_416 : vector<50x1xf32> to vector<50x50xf32>
    %mul3A_438 = arith.mulf %convert_element_type3A_5, %mul3A_437 : vector<50x50xf32>
    %reduce_sum3A_439 = arith.constant dense<0.000000e+00> : vector<50xf32>
    %reduce_sum3A_440 = vector.multi_reduction <add>, %mul3A_438, %reduce_sum3A_439 [0] : vector<50x50xf32> to vector<50xf32>
    %broadcast_in_dim3A_441 = vector.shape_cast %reduce_sum3A_440 : vector<50xf32> to vector<1x50xf32>
    %eq3A_442 = vector.broadcast %add3A_431 : vector<50x1xf32> to vector<50x50xf32>
    %eq3A_443 = vector.broadcast %broadcast_in_dim3A_436 : vector<1x50xf32> to vector<50x50xf32>
    %eq3A_444 = arith.cmpf oeq, %eq3A_442, %eq3A_443 : vector<50x50xf32>
    %gt3A_445 = arith.constant 0.000000e+00 : f32
    %gt3A_446 = vector.broadcast %gt3A_445 : f32 to vector<1x50xf32>
    %gt3A_447 = arith.cmpf ogt, %broadcast_in_dim3A_441, %gt3A_446 : vector<1x50xf32>
    %and3A_448 = vector.broadcast %gt3A_447 : vector<1x50xi1> to vector<50x50xi1>
    %and3A_449 = arith.andi %eq3A_444, %and3A_448 : vector<50x50xi1>
    %lt3A_450 = arith.cmpi slt, %iota3A, %iota3A_4 : vector<50x50xi32>
    %and3A_451 = arith.andi %and3A_449, %lt3A_450 : vector<50x50xi1>
    %convert_element_type3A_452 = arith.extui %and3A_451 : vector<50x50xi1> to vector<50x50xi32>
    %convert_element_type3A_453 = arith.sitofp %convert_element_type3A_452 : vector<50x50xi32> to vector<50x50xf32>
    %reduce_max3A_454 = arith.constant dense<0xFF800000> : vector<50xf32>
    %reduce_max3A_455 = vector.multi_reduction <maximumf>, %convert_element_type3A_453, %reduce_max3A_454 [1] : vector<50x50xf32> to vector<50xf32>
    %broadcast_in_dim3A_456 = vector.shape_cast %reduce_max3A_455 : vector<50xf32> to vector<50x1xf32>
    %sub3A_457 = arith.constant 1.000000e+00 : f32
    %sub3A_458 = vector.broadcast %sub3A_457 : f32 to vector<50x1xf32>
    %sub3A_459 = arith.subf %sub3A_458, %broadcast_in_dim3A_456 : vector<50x1xf32>
    %mul3A_460 = arith.mulf %convert_element_type3A_416, %sub3A_459 : vector<50x1xf32>
    %mul3A_461 = arith.mulf %mul3A_299, %mul3A_303 : vector<50x1xf32>
    %div3A_462 = arith.constant 1.444000e+03 : f32
    %div3A_463 = vector.broadcast %div3A_462 : f32 to vector<50x1xf32>
    %div3A_464 = arith.divf %mul3A_461, %div3A_463 : vector<50x1xf32>
    %sub3A_465 = arith.constant 2.000000e+00 : f32
    %sub3A_466 = vector.broadcast %sub3A_465 : f32 to vector<50x1xf32>
    %sub3A_467 = arith.subf %sub3A_466, %div3A_464 : vector<50x1xf32>
    %sqrt3A_468 = math.sqrt %sub3A_467 : vector<50x1xf32>
    %sub3A_469 = arith.subf %mul3A_291, %floor3A_422 : vector<50x1xf32>
    %sub3A_470 = arith.subf %mul3A_295, %floor3A_423 : vector<50x1xf32>
    %eq3A_471 = arith.constant 1.000000e+00 : f32
    %eq3A_472 = vector.broadcast %eq3A_471 : f32 to vector<50x1xf32>
    %eq3A_473 = arith.cmpf oeq, %convert_element_type3A_411, %eq3A_472 : vector<50x1xf32>
    %eq3A_474 = arith.constant 2.000000e+00 : f32
    %eq3A_475 = vector.broadcast %eq3A_474 : f32 to vector<50x1xf32>
    %eq3A_476 = arith.cmpf oeq, %convert_element_type3A_411, %eq3A_475 : vector<50x1xf32>
    %jit3A_477 = arith.constant 3.875000e+00 : f32
    %jit3A_478 = arith.constant 1.875000e+00 : f32
    %broadcast_in_dim3A_479 = vector.broadcast %jit3A_477 : f32 to vector<50x1xf32>
    %broadcast_in_dim3A_480 = vector.broadcast %jit3A_478 : f32 to vector<50x1xf32>
    %select_n3A_481 = arith.select %eq3A_473, %broadcast_in_dim3A_479, %broadcast_in_dim3A_480 : vector<50x1xi1>, vector<50x1xf32>
    %jit3A_482 = arith.constant 3.687500e+00 : f32
    %broadcast_in_dim3A_483 = vector.broadcast %jit3A_482 : f32 to vector<50x1xf32>
    %select_n3A_484 = arith.select %eq3A_476, %broadcast_in_dim3A_483, %select_n3A_481 : vector<50x1xi1>, vector<50x1xf32>
    %jit3A_485 = arith.constant 2.812500e+00 : f32
    %jit3A_486 = arith.constant 3.812500e+00 : f32
    %broadcast_in_dim3A_487 = vector.broadcast %jit3A_485 : f32 to vector<50x1xf32>
    %broadcast_in_dim3A_488 = vector.broadcast %jit3A_486 : f32 to vector<50x1xf32>
    %select_n3A_489 = arith.select %eq3A_473, %broadcast_in_dim3A_487, %broadcast_in_dim3A_488 : vector<50x1xi1>, vector<50x1xf32>
    %jit3A_490 = arith.constant 7.437500e+00 : f32
    %broadcast_in_dim3A_491 = vector.broadcast %jit3A_490 : f32 to vector<50x1xf32>
    %select_n3A_492 = arith.select %eq3A_476, %broadcast_in_dim3A_491, %select_n3A_489 : vector<50x1xi1>, vector<50x1xf32>
    %div3A_493 = arith.divf %mul3A_299, %select_n3A_484 : vector<50x1xf32>
    %add3A_494 = arith.constant 1.000000e-16 : f32
    %add3A_495 = vector.broadcast %add3A_494 : f32 to vector<50x1xf32>
    %add3A_496 = arith.addf %div3A_493, %add3A_495 : vector<50x1xf32>
    %log3A_497 = math.log %add3A_496 : vector<50x1xf32>
    %div3A_498 = arith.divf %mul3A_303, %select_n3A_492 : vector<50x1xf32>
    %add3A_499 = arith.constant 1.000000e-16 : f32
    %add3A_500 = vector.broadcast %add3A_499 : f32 to vector<50x1xf32>
    %add3A_501 = arith.addf %div3A_498, %add3A_500 : vector<50x1xf32>
    %log3A_502 = math.log %add3A_501 : vector<50x1xf32>
    %slice3A_503 = vector.extract_strided_slice %get3A_3 {offsets = [0, 0], sizes = [50, 1], strides = [1, 1]} : vector<50x5xf32> to vector<50x1xf32>
    %floor3A_504 = math.floor %slice3A_503 : vector<50x1xf32>
    %broadcast_in_dim3A_505 = vector.broadcast %reduce_max3A_421 : f32 to vector<50x1xf32>
    %broadcast_in_dim3A_506 = arith.constant 0.000000e+00 : f32
    %broadcast_in_dim3A_507 = vector.broadcast %broadcast_in_dim3A_506 : f32 to vector<50x1xf32>
    %concatenate3A_508 = tpu.concatenate %mul3A_460, %sqrt3A_468, %sub3A_469, %sub3A_470, %log3A_497, %log3A_502, %floor3A_504, %convert_element_type3A_287, %mul3A_291, %mul3A_295, %mul3A_299, %mul3A_303, %floor3A_422, %floor3A_423, %select_n3A_484, %select_n3A_492, %broadcast_in_dim3A_505, %broadcast_in_dim3A_507, %broadcast_in_dim3A_507, %broadcast_in_dim3A_507, %broadcast_in_dim3A_507, %broadcast_in_dim3A_507, %broadcast_in_dim3A_507, %broadcast_in_dim3A_507 in 1 : vector<50x1xf32>, vector<50x1xf32>, vector<50x1xf32>, vector<50x1xf32>, vector<50x1xf32>, vector<50x1xf32>, vector<50x1xf32>, vector<50x1xf32>, vector<50x1xf32>, vector<50x1xf32>, vector<50x1xf32>, vector<50x1xf32>, vector<50x1xf32>, vector<50x1xf32>, vector<50x1xf32>, vector<50x1xf32>, vector<50x1xf32>, vector<50x1xf32>, vector<50x1xf32>, vector<50x1xf32>, vector<50x1xf32>, vector<50x1xf32>, vector<50x1xf32>, vector<50x1xf32> -> vector<50x24xf32>
    %broadcast_in_dim3A_509 = arith.constant 0.000000e+00 : f32
    %broadcast_in_dim3A_510 = vector.broadcast %broadcast_in_dim3A_509 : f32 to vector<14x24xf32>
    %concatenate3A_511 = tpu.concatenate %concatenate3A_508, %broadcast_in_dim3A_510 in 0 : vector<50x24xf32>, vector<14x24xf32> -> vector<64x24xf32>
    %swap3A_512 = arith.constant 0 : index
    %swap3A_513 = arith.constant 1 : index
    %swap3A_514 = arith.constant 0 : index
    %swap3A_515 = arith.constant 0 : index
    %swap3A_516 = vector.load %arg3[%swap3A_512, %swap3A_513, %swap3A_514, %swap3A_515] : memref<1x3x64x24xf32, #tpu.memory_space<vmem>>, vector<1x1x64x24xf32>
    %swap3A_517 = vector.shape_cast %swap3A_516 : vector<1x1x64x24xf32> to vector<64x24xf32>
    %swap3A_518 = vector.shape_cast %concatenate3A_511 : vector<64x24xf32> to vector<1x1x64x24xf32>
    tpu.vector_store %arg3[%swap3A_512, %swap3A_513, %swap3A_514, %swap3A_515], %swap3A_518 {strides = array<i32>} : memref<1x3x64x24xf32, #tpu.memory_space<vmem>>, vector<1x1x64x24xf32>,
    %convert_element_type3A_519 = arith.sitofp %arg0 : i32 to f32
    %mul3A_520 = arith.constant 3.000000e+00 : f32
    %mul3A_521 = arith.mulf %convert_element_type3A_519, %mul3A_520 : f32
    %add3A_522 = vector.broadcast %mul3A_521 : f32 to vector<50x1xf32>
    %add3A_523 = arith.addf %add3A_522, %convert_element_type3A_411 : vector<50x1xf32>
    %mul3A_524 = arith.constant 3.800000e+01 : f32
    %mul3A_525 = vector.broadcast %mul3A_524 : f32 to vector<50x1xf32>
    %mul3A_526 = arith.mulf %add3A_523, %mul3A_525 : vector<50x1xf32>
    %add3A_527 = arith.addf %mul3A_526, %floor3A_423 : vector<50x1xf32>
    %mul3A_528 = arith.constant 3.800000e+01 : f32
    %mul3A_529 = vector.broadcast %mul3A_528 : f32 to vector<50x1xf32>
    %mul3A_530 = arith.mulf %add3A_527, %mul3A_529 : vector<50x1xf32>
    %add3A_531 = arith.addf %mul3A_530, %floor3A_422 : vector<50x1xf32>
    %iota3A_532 = tpu.iota {dimensions = array<i32: 1>} : vector<1x85xi32>
    %convert_element_type3A_533 = arith.sitofp %iota3A_532 : vector<1x85xi32> to vector<1x85xf32>
    %mul3A_534 = arith.constant 8.500000e+01 : f32
    %mul3A_535 = vector.broadcast %mul3A_534 : f32 to vector<50x1xf32>
    %mul3A_536 = arith.mulf %add3A_531, %mul3A_535 : vector<50x1xf32>
    %add3A_537 = vector.broadcast %mul3A_536 : vector<50x1xf32> to vector<50x85xf32>
    %add3A_538 = vector.broadcast %convert_element_type3A_533 : vector<1x85xf32> to vector<50x85xf32>
    %add3A_539 = arith.addf %add3A_537, %add3A_538 : vector<50x85xf32>
    %broadcast_in_dim3A_540 = arith.constant 0.000000e+00 : f32
    %broadcast_in_dim3A_541 = vector.broadcast %broadcast_in_dim3A_540 : f32 to vector<14x85xf32>
    %concatenate3A_542 = tpu.concatenate %add3A_539, %broadcast_in_dim3A_541 in 0 : vector<50x85xf32>, vector<14x85xf32> -> vector<64x85xf32>
    %convert_element_type3A_543 = arith.fptosi %concatenate3A_542 : vector<64x85xf32> to vector<64x85xi32>
    %swap3A_544 = arith.constant 0 : index
    %swap3A_545 = arith.constant 1 : index
    %swap3A_546 = arith.constant 0 : index
    %swap3A_547 = arith.constant 0 : index
    %swap3A_548 = vector.load %arg4[%swap3A_544, %swap3A_545, %swap3A_546, %swap3A_547] : memref<1x3x64x85xi32, #tpu.memory_space<vmem>>, vector<1x1x64x85xi32>
    %swap3A_549 = vector.shape_cast %swap3A_548 : vector<1x1x64x85xi32> to vector<64x85xi32>
    %swap3A_550 = vector.shape_cast %convert_element_type3A_543 : vector<64x85xi32> to vector<1x1x64x85xi32>
    tpu.vector_store %arg4[%swap3A_544, %swap3A_545, %swap3A_546, %swap3A_547], %swap3A_550 {strides = array<i32>} : memref<1x3x64x85xi32, #tpu.memory_space<vmem>>, vector<1x1x64x85xi32>,
    %get3A_551 = arith.constant 4 : index
    %get3A_552 = arith.constant 0 : index
    %get3A_553 = vector.load %arg2[%get3A_551, %get3A_552] : memref<6x9xf32, #tpu.memory_space<vmem>>, vector<2x9xf32>
    %reduce_sum3A_554 = arith.constant dense<0.000000e+00> : vector<50xf32>
    %reduce_sum3A_555 = vector.multi_reduction <add>, %get3A_3, %reduce_sum3A_554 [1] : vector<50x5xf32> to vector<50xf32>
    %gt3A_556 = arith.constant 0.000000e+00 : f32
    %gt3A_557 = vector.broadcast %gt3A_556 : f32 to vector<50xf32>
    %gt3A_558 = arith.cmpf ogt, %reduce_sum3A_555, %gt3A_557 : vector<50xf32>
    %convert_element_type3A_559 = arith.extui %gt3A_558 : vector<50xi1> to vector<50xi32>
    %convert_element_type3A_560 = arith.sitofp %convert_element_type3A_559 : vector<50xi32> to vector<50xf32>
    %reduce_sum3A_561 = vector.shape_cast %convert_element_type3A_560 : vector<50xf32> to vector<1x50xf32>
    %reduce_sum3A_562 = arith.constant dense<0.000000e+00> : vector<1xf32>
    %reduce_sum3A_563 = vector.multi_reduction <add>, %reduce_sum3A_561, %reduce_sum3A_562 [1] : vector<1x50xf32> to vector<1xf32>
    %reduce_sum3A_564 = vector.shape_cast %reduce_sum3A_563 : vector<1xf32> to vector<1x1xf32>
    %reduce_sum3A_565 = vector.extract %reduce_sum3A_564[0, 0] : f32 from vector<1x1xf32>
    %iota3A_566 = tpu.iota {dimensions = array<i32: 0>} : vector<50x1xi32>
    %convert_element_type3A_567 = arith.sitofp %iota3A_566 : vector<50x1xi32> to vector<50x1xf32>
    %lt3A_568 = vector.broadcast %reduce_sum3A_565 : f32 to vector<50x1xf32>
    %lt3A_569 = arith.cmpf olt, %convert_element_type3A_567, %lt3A_568 : vector<50x1xf32>
    %convert_element_type3A_570 = arith.extui %lt3A_569 : vector<50x1xi1> to vector<50x1xi32>
    %convert_element_type3A_571 = arith.sitofp %convert_element_type3A_570 : vector<50x1xi32> to vector<50x1xf32>
    %slice3A_572 = vector.extract_strided_slice %get3A_3 {offsets = [0, 1], sizes = [50, 1], strides = [1, 1]} : vector<50x5xf32> to vector<50x1xf32>
    %mul3A_573 = arith.constant 7.600000e+01 : f32
    %mul3A_574 = vector.broadcast %mul3A_573 : f32 to vector<50x1xf32>
    %mul3A_575 = arith.mulf %slice3A_572, %mul3A_574 : vector<50x1xf32>
    %slice3A_576 = vector.extract_strided_slice %get3A_3 {offsets = [0, 2], sizes = [50, 1], strides = [1, 1]} : vector<50x5xf32> to vector<50x1xf32>
    %mul3A_577 = arith.constant 7.600000e+01 : f32
    %mul3A_578 = vector.broadcast %mul3A_577 : f32 to vector<50x1xf32>
    %mul3A_579 = arith.mulf %slice3A_576, %mul3A_578 : vector<50x1xf32>
    %slice3A_580 = vector.extract_strided_slice %get3A_3 {offsets = [0, 3], sizes = [50, 1], strides = [1, 1]} : vector<50x5xf32> to vector<50x1xf32>
    %mul3A_581 = arith.constant 7.600000e+01 : f32
    %mul3A_582 = vector.broadcast %mul3A_581 : f32 to vector<50x1xf32>
    %mul3A_583 = arith.mulf %slice3A_580, %mul3A_582 : vector<50x1xf32>
    %slice3A_584 = vector.extract_strided_slice %get3A_3 {offsets = [0, 4], sizes = [50, 1], strides = [1, 1]} : vector<50x5xf32> to vector<50x1xf32>
    %mul3A_585 = arith.constant 7.600000e+01 : f32
    %mul3A_586 = vector.broadcast %mul3A_585 : f32 to vector<50x1xf32>
    %mul3A_587 = arith.mulf %slice3A_584, %mul3A_586 : vector<50x1xf32>
    %slice3A_588 = vector.extract_strided_slice %get3A_553 {offsets = [0, 0], sizes = [1, 9], strides = [1, 1]} : vector<2x9xf32> to vector<1x9xf32>
    %slice3A_589 = vector.extract_strided_slice %get3A_553 {offsets = [1, 0], sizes = [1, 9], strides = [1, 1]} : vector<2x9xf32> to vector<1x9xf32>
    %min3A_590 = vector.broadcast %mul3A_583 : vector<50x1xf32> to vector<50x9xf32>
    %min3A_591 = vector.broadcast %slice3A_588 : vector<1x9xf32> to vector<50x9xf32>
    %min3A_592 = arith.minimumf %min3A_590, %min3A_591 : vector<50x9xf32>
    %min3A_593 = vector.broadcast %mul3A_587 : vector<50x1xf32> to vector<50x9xf32>
    %min3A_594 = vector.broadcast %slice3A_589 : vector<1x9xf32> to vector<50x9xf32>
    %min3A_595 = arith.minimumf %min3A_593, %min3A_594 : vector<50x9xf32>
    %gt3A_596 = arith.constant 0.000000e+00 : f32
    %gt3A_597 = vector.broadcast %gt3A_596 : f32 to vector<50x9xf32>
    %gt3A_598 = arith.cmpf ogt, %min3A_592, %gt3A_597 : vector<50x9xf32>
    %gt3A_599 = arith.constant 0.000000e+00 : f32
    %gt3A_600 = vector.broadcast %gt3A_599 : f32 to vector<50x9xf32>
    %gt3A_601 = arith.cmpf ogt, %min3A_595, %gt3A_600 : vector<50x9xf32>
    %and3A_602 = arith.andi %gt3A_598, %gt3A_601 : vector<50x9xi1>
    %convert_element_type3A_603 = arith.extui %and3A_602 : vector<50x9xi1> to vector<50x9xi32>
    %convert_element_type3A_604 = arith.sitofp %convert_element_type3A_603 : vector<50x9xi32> to vector<50x9xf32>
    %mul3A_605 = arith.mulf %min3A_592, %min3A_595 : vector<50x9xf32>
    %mul3A_606 = arith.mulf %mul3A_605, %convert_element_type3A_604 : vector<50x9xf32>
    %mul3A_607 = arith.mulf %mul3A_583, %mul3A_587 : vector<50x1xf32>
    %mul3A_608 = arith.mulf %slice3A_588, %slice3A_589 : vector<1x9xf32>
    %add3A_609 = vector.broadcast %mul3A_607 : vector<50x1xf32> to vector<50x9xf32>
    %add3A_610 = vector.broadcast %mul3A_608 : vector<1x9xf32> to vector<50x9xf32>
    %add3A_611 = arith.addf %add3A_609, %add3A_610 : vector<50x9xf32>
    %sub3A_612 = arith.subf %add3A_611, %mul3A_606 : vector<50x9xf32>
    %div3A_613 = arith.divf %mul3A_606, %sub3A_612 : vector<50x9xf32>
    %reduce_max3A_614 = arith.constant dense<0xFF800000> : vector<50xf32>
    %reduce_max3A_615 = vector.multi_reduction <maximumf>, %div3A_613, %reduce_max3A_614 [1] : vector<50x9xf32> to vector<50xf32>
    %broadcast_in_dim3A_616 = vector.shape_cast %reduce_max3A_615 : vector<50xf32> to vector<50x1xf32>
    %iota3A_617 = tpu.iota {dimensions = array<i32: 1>} : vector<50x9xi32>
    %eq3A_618 = vector.broadcast %broadcast_in_dim3A_616 : vector<50x1xf32> to vector<50x9xf32>
    %eq3A_619 = arith.cmpf oeq, %div3A_613, %eq3A_618 : vector<50x9xf32>
    %jit3A_620 = arith.constant 9 : i32
    %broadcast_in_dim3A_621 = vector.broadcast %jit3A_620 : i32 to vector<50x9xi32>
    %select_n3A_622 = arith.select %eq3A_619, %iota3A_617, %broadcast_in_dim3A_621 : vector<50x9xi1>, vector<50x9xi32>
    %reduce_min3A_623 = arith.constant dense<2147483647> : vector<50xi32>
    %reduce_min3A_624 = vector.multi_reduction <minsi>, %select_n3A_622, %reduce_min3A_623 [1] : vector<50x9xi32> to vector<50xi32>
    %broadcast_in_dim3A_625 = vector.shape_cast %reduce_min3A_624 : vector<50xi32> to vector<50x1xi32>
    %jit3A_626 = arith.constant 3 : i32
    %div3A_627 = vector.broadcast %jit3A_626 : i32 to vector<50x1xi32>
    %div3A_628 = arith.divsi %broadcast_in_dim3A_625, %div3A_627 : vector<50x1xi32>
    %sign3A_629 = arith.constant 0 : i32
    %sign3A_630 = vector.broadcast %sign3A_629 : i32 to vector<50x1xi32>
    %sign3A_631 = arith.cmpi sgt, %broadcast_in_dim3A_625, %sign3A_630 : vector<50x1xi32>
    %sign3A_632 = arith.extui %sign3A_631 : vector<50x1xi1> to vector<50x1xi32>
    %sign3A_633 = arith.constant 0 : i32
    %sign3A_634 = vector.broadcast %sign3A_633 : i32 to vector<50x1xi32>
    %sign3A_635 = arith.cmpi slt, %broadcast_in_dim3A_625, %sign3A_634 : vector<50x1xi32>
    %sign3A_636 = arith.extui %sign3A_635 : vector<50x1xi1> to vector<50x1xi32>
    %sign3A_637 = arith.subi %sign3A_632, %sign3A_636 : vector<50x1xi32>
    %sign3A_638 = arith.constant 0 : i32
    %sign3A_639 = arith.cmpi sgt, %jit3A_626, %sign3A_638 : i32
    %sign3A_640 = arith.extui %sign3A_639 : i1 to i32
    %sign3A_641 = arith.constant 0 : i32
    %sign3A_642 = arith.cmpi slt, %jit3A_626, %sign3A_641 : i32
    %sign3A_643 = arith.extui %sign3A_642 : i1 to i32
    %sign3A_644 = arith.subi %sign3A_640, %sign3A_643 : i32
    %ne3A_645 = vector.broadcast %sign3A_644 : i32 to vector<50x1xi32>
    %ne3A_646 = arith.cmpi ne, %sign3A_637, %ne3A_645 : vector<50x1xi32>
    %rem3A_647 = vector.broadcast %jit3A_626 : i32 to vector<50x1xi32>
    %rem3A_648 = arith.remsi %broadcast_in_dim3A_625, %rem3A_647 : vector<50x1xi32>
    %ne3A_649 = arith.constant 0 : i32
    %ne3A_650 = vector.broadcast %ne3A_649 : i32 to vector<50x1xi32>
    %ne3A_651 = arith.cmpi ne, %rem3A_648, %ne3A_650 : vector<50x1xi32>
    %and3A_652 = arith.andi %ne3A_646, %ne3A_651 : vector<50x1xi1>
    %sub3A_653 = arith.constant 1 : i32
    %sub3A_654 = vector.broadcast %sub3A_653 : i32 to vector<50x1xi32>
    %sub3A_655 = arith.subi %div3A_628, %sub3A_654 : vector<50x1xi32>
    %select_n3A_656 = arith.select %and3A_652, %sub3A_655, %div3A_628 : vector<50x1xi1>, vector<50x1xi32>
    %eq3A_657 = arith.constant 0 : i32
    %eq3A_658 = vector.broadcast %eq3A_657 : i32 to vector<50x1xi32>
    %eq3A_659 = arith.cmpi eq, %select_n3A_656, %eq3A_658 : vector<50x1xi32>
    %jit3A_660 = arith.constant 3 : i32
    %div3A_661 = vector.broadcast %jit3A_660 : i32 to vector<50x1xi32>
    %div3A_662 = arith.divsi %broadcast_in_dim3A_625, %div3A_661 : vector<50x1xi32>
    %sign3A_663 = arith.constant 0 : i32
    %sign3A_664 = vector.broadcast %sign3A_663 : i32 to vector<50x1xi32>
    %sign3A_665 = arith.cmpi sgt, %broadcast_in_dim3A_625, %sign3A_664 : vector<50x1xi32>
    %sign3A_666 = arith.extui %sign3A_665 : vector<50x1xi1> to vector<50x1xi32>
    %sign3A_667 = arith.constant 0 : i32
    %sign3A_668 = vector.broadcast %sign3A_667 : i32 to vector<50x1xi32>
    %sign3A_669 = arith.cmpi slt, %broadcast_in_dim3A_625, %sign3A_668 : vector<50x1xi32>
    %sign3A_670 = arith.extui %sign3A_669 : vector<50x1xi1> to vector<50x1xi32>
    %sign3A_671 = arith.subi %sign3A_666, %sign3A_670 : vector<50x1xi32>
    %sign3A_672 = arith.constant 0 : i32
    %sign3A_673 = arith.cmpi sgt, %jit3A_660, %sign3A_672 : i32
    %sign3A_674 = arith.extui %sign3A_673 : i1 to i32
    %sign3A_675 = arith.constant 0 : i32
    %sign3A_676 = arith.cmpi slt, %jit3A_660, %sign3A_675 : i32
    %sign3A_677 = arith.extui %sign3A_676 : i1 to i32
    %sign3A_678 = arith.subi %sign3A_674, %sign3A_677 : i32
    %ne3A_679 = vector.broadcast %sign3A_678 : i32 to vector<50x1xi32>
    %ne3A_680 = arith.cmpi ne, %sign3A_671, %ne3A_679 : vector<50x1xi32>
    %rem3A_681 = vector.broadcast %jit3A_660 : i32 to vector<50x1xi32>
    %rem3A_682 = arith.remsi %broadcast_in_dim3A_625, %rem3A_681 : vector<50x1xi32>
    %ne3A_683 = arith.constant 0 : i32
    %ne3A_684 = vector.broadcast %ne3A_683 : i32 to vector<50x1xi32>
    %ne3A_685 = arith.cmpi ne, %rem3A_682, %ne3A_684 : vector<50x1xi32>
    %and3A_686 = arith.andi %ne3A_680, %ne3A_685 : vector<50x1xi1>
    %sub3A_687 = arith.constant 1 : i32
    %sub3A_688 = vector.broadcast %sub3A_687 : i32 to vector<50x1xi32>
    %sub3A_689 = arith.subi %div3A_662, %sub3A_688 : vector<50x1xi32>
    %select_n3A_690 = arith.select %and3A_686, %sub3A_689, %div3A_662 : vector<50x1xi1>, vector<50x1xi32>
    %mul3A_691 = arith.constant 3 : i32
    %mul3A_692 = vector.broadcast %mul3A_691 : i32 to vector<50x1xi32>
    %mul3A_693 = arith.muli %mul3A_692, %select_n3A_690 : vector<50x1xi32>
    %sub3A_694 = arith.subi %broadcast_in_dim3A_625, %mul3A_693 : vector<50x1xi32>
    %convert_element_type3A_695 = arith.sitofp %sub3A_694 : vector<50x1xi32> to vector<50x1xf32>
    %lt3A_696 = vector.broadcast %reduce_sum3A_565 : f32 to vector<50x1xf32>
    %lt3A_697 = arith.cmpf olt, %convert_element_type3A_567, %lt3A_696 : vector<50x1xf32>
    %and3A_698 = arith.andi %lt3A_697, %eq3A_659 : vector<50x1xi1>
    %convert_element_type3A_699 = arith.extui %and3A_698 : vector<50x1xi1> to vector<50x1xi32>
    %convert_element_type3A_700 = arith.sitofp %convert_element_type3A_699 : vector<50x1xi32> to vector<50x1xf32>
    %reduce_max3A_701 = vector.shape_cast %convert_element_type3A_700 : vector<50x1xf32> to vector<1x50x1xf32>
    %reduce_max3A_702 = arith.constant dense<0xFF800000> : vector<1xf32>
    %reduce_max3A_703 = vector.multi_reduction <maximumf>, %reduce_max3A_701, %reduce_max3A_702 [1, 2] : vector<1x50x1xf32> to vector<1xf32>
    %reduce_max3A_704 = vector.shape_cast %reduce_max3A_703 : vector<1xf32> to vector<1x1x1xf32>
    %reduce_max3A_705 = vector.extract %reduce_max3A_704[0, 0, 0] : f32 from vector<1x1x1xf32>
    %floor3A_706 = math.floor %mul3A_575 : vector<50x1xf32>
    %floor3A_707 = math.floor %mul3A_579 : vector<50x1xf32>
    %mul3A_708 = arith.constant 7.600000e+01 : f32
    %mul3A_709 = vector.broadcast %mul3A_708 : f32 to vector<50x1xf32>
    %mul3A_710 = arith.mulf %convert_element_type3A_695, %mul3A_709 : vector<50x1xf32>
    %add3A_711 = arith.addf %mul3A_710, %floor3A_707 : vector<50x1xf32>
    %mul3A_712 = arith.constant 7.600000e+01 : f32
    %mul3A_713 = vector.broadcast %mul3A_712 : f32 to vector<50x1xf32>
    %mul3A_714 = arith.mulf %add3A_711, %mul3A_713 : vector<50x1xf32>
    %add3A_715 = arith.addf %mul3A_714, %floor3A_706 : vector<50x1xf32>
    %mul3A_716 = vector.broadcast %add3A_715 : vector<50x1xf32> to vector<50x50xf32>
    %mul3A_717 = arith.mulf %convert_element_type3A_5, %mul3A_716 : vector<50x50xf32>
    %reduce_sum3A_718 = arith.constant dense<0.000000e+00> : vector<50xf32>
    %reduce_sum3A_719 = vector.multi_reduction <add>, %mul3A_717, %reduce_sum3A_718 [0] : vector<50x50xf32> to vector<50xf32>
    %broadcast_in_dim3A_720 = vector.shape_cast %reduce_sum3A_719 : vector<50xf32> to vector<1x50xf32>
    %mul3A_721 = vector.broadcast %convert_element_type3A_700 : vector<50x1xf32> to vector<50x50xf32>
    %mul3A_722 = arith.mulf %convert_element_type3A_5, %mul3A_721 : vector<50x50xf32>
    %reduce_sum3A_723 = arith.constant dense<0.000000e+00> : vector<50xf32>
    %reduce_sum3A_724 = vector.multi_reduction <add>, %mul3A_722, %reduce_sum3A_723 [0] : vector<50x50xf32> to vector<50xf32>
    %broadcast_in_dim3A_725 = vector.shape_cast %reduce_sum3A_724 : vector<50xf32> to vector<1x50xf32>
    %eq3A_726 = vector.broadcast %add3A_715 : vector<50x1xf32> to vector<50x50xf32>
    %eq3A_727 = vector.broadcast %broadcast_in_dim3A_720 : vector<1x50xf32> to vector<50x50xf32>
    %eq3A_728 = arith.cmpf oeq, %eq3A_726, %eq3A_727 : vector<50x50xf32>
    %gt3A_729 = arith.constant 0.000000e+00 : f32
    %gt3A_730 = vector.broadcast %gt3A_729 : f32 to vector<1x50xf32>
    %gt3A_731 = arith.cmpf ogt, %broadcast_in_dim3A_725, %gt3A_730 : vector<1x50xf32>
    %and3A_732 = vector.broadcast %gt3A_731 : vector<1x50xi1> to vector<50x50xi1>
    %and3A_733 = arith.andi %eq3A_728, %and3A_732 : vector<50x50xi1>
    %lt3A_734 = arith.cmpi slt, %iota3A, %iota3A_4 : vector<50x50xi32>
    %and3A_735 = arith.andi %and3A_733, %lt3A_734 : vector<50x50xi1>
    %convert_element_type3A_736 = arith.extui %and3A_735 : vector<50x50xi1> to vector<50x50xi32>
    %convert_element_type3A_737 = arith.sitofp %convert_element_type3A_736 : vector<50x50xi32> to vector<50x50xf32>
    %reduce_max3A_738 = arith.constant dense<0xFF800000> : vector<50xf32>
    %reduce_max3A_739 = vector.multi_reduction <maximumf>, %convert_element_type3A_737, %reduce_max3A_738 [1] : vector<50x50xf32> to vector<50xf32>
    %broadcast_in_dim3A_740 = vector.shape_cast %reduce_max3A_739 : vector<50xf32> to vector<50x1xf32>
    %sub3A_741 = arith.constant 1.000000e+00 : f32
    %sub3A_742 = vector.broadcast %sub3A_741 : f32 to vector<50x1xf32>
    %sub3A_743 = arith.subf %sub3A_742, %broadcast_in_dim3A_740 : vector<50x1xf32>
    %mul3A_744 = arith.mulf %convert_element_type3A_700, %sub3A_743 : vector<50x1xf32>
    %mul3A_745 = arith.mulf %mul3A_583, %mul3A_587 : vector<50x1xf32>
    %div3A_746 = arith.constant 5.776000e+03 : f32
    %div3A_747 = vector.broadcast %div3A_746 : f32 to vector<50x1xf32>
    %div3A_748 = arith.divf %mul3A_745, %div3A_747 : vector<50x1xf32>
    %sub3A_749 = arith.constant 2.000000e+00 : f32
    %sub3A_750 = vector.broadcast %sub3A_749 : f32 to vector<50x1xf32>
    %sub3A_751 = arith.subf %sub3A_750, %div3A_748 : vector<50x1xf32>
    %sqrt3A_752 = math.sqrt %sub3A_751 : vector<50x1xf32>
    %sub3A_753 = arith.subf %mul3A_575, %floor3A_706 : vector<50x1xf32>
    %sub3A_754 = arith.subf %mul3A_579, %floor3A_707 : vector<50x1xf32>
    %eq3A_755 = arith.constant 1.000000e+00 : f32
    %eq3A_756 = vector.broadcast %eq3A_755 : f32 to vector<50x1xf32>
    %eq3A_757 = arith.cmpf oeq, %convert_element_type3A_695, %eq3A_756 : vector<50x1xf32>
    %eq3A_758 = arith.constant 2.000000e+00 : f32
    %eq3A_759 = vector.broadcast %eq3A_758 : f32 to vector<50x1xf32>
    %eq3A_760 = arith.cmpf oeq, %convert_element_type3A_695, %eq3A_759 : vector<50x1xf32>
    %jit3A_761 = arith.constant 2.000000e+00 : f32
    %jit3A_762 = arith.constant 1.250000e+00 : f32
    %broadcast_in_dim3A_763 = vector.broadcast %jit3A_761 : f32 to vector<50x1xf32>
    %broadcast_in_dim3A_764 = vector.broadcast %jit3A_762 : f32 to vector<50x1xf32>
    %select_n3A_765 = arith.select %eq3A_757, %broadcast_in_dim3A_763, %broadcast_in_dim3A_764 : vector<50x1xi1>, vector<50x1xf32>
    %jit3A_766 = arith.constant 4.125000e+00 : f32
    %broadcast_in_dim3A_767 = vector.broadcast %jit3A_766 : f32 to vector<50x1xf32>
    %select_n3A_768 = arith.select %eq3A_760, %broadcast_in_dim3A_767, %select_n3A_765 : vector<50x1xi1>, vector<50x1xf32>
    %jit3A_769 = arith.constant 3.750000e+00 : f32
    %jit3A_770 = arith.constant 1.625000e+00 : f32
    %broadcast_in_dim3A_771 = vector.broadcast %jit3A_769 : f32 to vector<50x1xf32>
    %broadcast_in_dim3A_772 = vector.broadcast %jit3A_770 : f32 to vector<50x1xf32>
    %select_n3A_773 = arith.select %eq3A_757, %broadcast_in_dim3A_771, %broadcast_in_dim3A_772 : vector<50x1xi1>, vector<50x1xf32>
    %jit3A_774 = arith.constant 2.875000e+00 : f32
    %broadcast_in_dim3A_775 = vector.broadcast %jit3A_774 : f32 to vector<50x1xf32>
    %select_n3A_776 = arith.select %eq3A_760, %broadcast_in_dim3A_775, %select_n3A_773 : vector<50x1xi1>, vector<50x1xf32>
    %div3A_777 = arith.divf %mul3A_583, %select_n3A_768 : vector<50x1xf32>
    %add3A_778 = arith.constant 1.000000e-16 : f32
    %add3A_779 = vector.broadcast %add3A_778 : f32 to vector<50x1xf32>
    %add3A_780 = arith.addf %div3A_777, %add3A_779 : vector<50x1xf32>
    %log3A_781 = math.log %add3A_780 : vector<50x1xf32>
    %div3A_782 = arith.divf %mul3A_587, %select_n3A_776 : vector<50x1xf32>
    %add3A_783 = arith.constant 1.000000e-16 : f32
    %add3A_784 = vector.broadcast %add3A_783 : f32 to vector<50x1xf32>
    %add3A_785 = arith.addf %div3A_782, %add3A_784 : vector<50x1xf32>
    %log3A_786 = math.log %add3A_785 : vector<50x1xf32>
    %slice3A_787 = vector.extract_strided_slice %get3A_3 {offsets = [0, 0], sizes = [50, 1], strides = [1, 1]} : vector<50x5xf32> to vector<50x1xf32>
    %floor3A_788 = math.floor %slice3A_787 : vector<50x1xf32>
    %broadcast_in_dim3A_789 = vector.broadcast %reduce_max3A_705 : f32 to vector<50x1xf32>
    %broadcast_in_dim3A_790 = arith.constant 0.000000e+00 : f32
    %broadcast_in_dim3A_791 = vector.broadcast %broadcast_in_dim3A_790 : f32 to vector<50x1xf32>
    %concatenate3A_792 = tpu.concatenate %mul3A_744, %sqrt3A_752, %sub3A_753, %sub3A_754, %log3A_781, %log3A_786, %floor3A_788, %convert_element_type3A_571, %mul3A_575, %mul3A_579, %mul3A_583, %mul3A_587, %floor3A_706, %floor3A_707, %select_n3A_768, %select_n3A_776, %broadcast_in_dim3A_789, %broadcast_in_dim3A_791, %broadcast_in_dim3A_791, %broadcast_in_dim3A_791, %broadcast_in_dim3A_791, %broadcast_in_dim3A_791, %broadcast_in_dim3A_791, %broadcast_in_dim3A_791 in 1 : vector<50x1xf32>, vector<50x1xf32>, vector<50x1xf32>, vector<50x1xf32>, vector<50x1xf32>, vector<50x1xf32>, vector<50x1xf32>, vector<50x1xf32>, vector<50x1xf32>, vector<50x1xf32>, vector<50x1xf32>, vector<50x1xf32>, vector<50x1xf32>, vector<50x1xf32>, vector<50x1xf32>, vector<50x1xf32>, vector<50x1xf32>, vector<50x1xf32>, vector<50x1xf32>, vector<50x1xf32>, vector<50x1xf32>, vector<50x1xf32>, vector<50x1xf32>, vector<50x1xf32> -> vector<50x24xf32>
    %broadcast_in_dim3A_793 = arith.constant 0.000000e+00 : f32
    %broadcast_in_dim3A_794 = vector.broadcast %broadcast_in_dim3A_793 : f32 to vector<14x24xf32>
    %concatenate3A_795 = tpu.concatenate %concatenate3A_792, %broadcast_in_dim3A_794 in 0 : vector<50x24xf32>, vector<14x24xf32> -> vector<64x24xf32>
    %swap3A_796 = arith.constant 0 : index
    %swap3A_797 = arith.constant 2 : index
    %swap3A_798 = arith.constant 0 : index
    %swap3A_799 = arith.constant 0 : index
    %swap3A_800 = vector.load %arg3[%swap3A_796, %swap3A_797, %swap3A_798, %swap3A_799] : memref<1x3x64x24xf32, #tpu.memory_space<vmem>>, vector<1x1x64x24xf32>
    %swap3A_801 = vector.shape_cast %swap3A_800 : vector<1x1x64x24xf32> to vector<64x24xf32>
    %swap3A_802 = vector.shape_cast %concatenate3A_795 : vector<64x24xf32> to vector<1x1x64x24xf32>
    tpu.vector_store %arg3[%swap3A_796, %swap3A_797, %swap3A_798, %swap3A_799], %swap3A_802 {strides = array<i32>} : memref<1x3x64x24xf32, #tpu.memory_space<vmem>>, vector<1x1x64x24xf32>,
    %convert_element_type3A_803 = arith.sitofp %arg0 : i32 to f32
    %mul3A_804 = arith.constant 3.000000e+00 : f32
    %mul3A_805 = arith.mulf %convert_element_type3A_803, %mul3A_804 : f32
    %add3A_806 = vector.broadcast %mul3A_805 : f32 to vector<50x1xf32>
    %add3A_807 = arith.addf %add3A_806, %convert_element_type3A_695 : vector<50x1xf32>
    %mul3A_808 = arith.constant 7.600000e+01 : f32
    %mul3A_809 = vector.broadcast %mul3A_808 : f32 to vector<50x1xf32>
    %mul3A_810 = arith.mulf %add3A_807, %mul3A_809 : vector<50x1xf32>
    %add3A_811 = arith.addf %mul3A_810, %floor3A_707 : vector<50x1xf32>
    %mul3A_812 = arith.constant 7.600000e+01 : f32
    %mul3A_813 = vector.broadcast %mul3A_812 : f32 to vector<50x1xf32>
    %mul3A_814 = arith.mulf %add3A_811, %mul3A_813 : vector<50x1xf32>
    %add3A_815 = arith.addf %mul3A_814, %floor3A_706 : vector<50x1xf32>
    %iota3A_816 = tpu.iota {dimensions = array<i32: 1>} : vector<1x85xi32>
    %convert_element_type3A_817 = arith.sitofp %iota3A_816 : vector<1x85xi32> to vector<1x85xf32>
    %mul3A_818 = arith.constant 8.500000e+01 : f32
    %mul3A_819 = vector.broadcast %mul3A_818 : f32 to vector<50x1xf32>
    %mul3A_820 = arith.mulf %add3A_815, %mul3A_819 : vector<50x1xf32>
    %add3A_821 = vector.broadcast %mul3A_820 : vector<50x1xf32> to vector<50x85xf32>
    %add3A_822 = vector.broadcast %convert_element_type3A_817 : vector<1x85xf32> to vector<50x85xf32>
    %add3A_823 = arith.addf %add3A_821, %add3A_822 : vector<50x85xf32>
    %broadcast_in_dim3A_824 = arith.constant 0.000000e+00 : f32
    %broadcast_in_dim3A_825 = vector.broadcast %broadcast_in_dim3A_824 : f32 to vector<14x85xf32>
    %concatenate3A_826 = tpu.concatenate %add3A_823, %broadcast_in_dim3A_825 in 0 : vector<50x85xf32>, vector<14x85xf32> -> vector<64x85xf32>
    %convert_element_type3A_827 = arith.fptosi %concatenate3A_826 : vector<64x85xf32> to vector<64x85xi32>
    %swap3A_828 = arith.constant 0 : index
    %swap3A_829 = arith.constant 2 : index
    %swap3A_830 = arith.constant 0 : index
    %swap3A_831 = arith.constant 0 : index
    %swap3A_832 = vector.load %arg4[%swap3A_828, %swap3A_829, %swap3A_830, %swap3A_831] : memref<1x3x64x85xi32, #tpu.memory_space<vmem>>, vector<1x1x64x85xi32>
    %swap3A_833 = vector.shape_cast %swap3A_832 : vector<1x1x64x85xi32> to vector<64x85xi32>
    %swap3A_834 = vector.shape_cast %convert_element_type3A_827 : vector<64x85xi32> to vector<1x1x64x85xi32>
    tpu.vector_store %arg4[%swap3A_828, %swap3A_829, %swap3A_830, %swap3A_831], %swap3A_834 {strides = array<i32>} : memref<1x3x64x85xi32, #tpu.memory_space<vmem>>, vector<1x1x64x85xi32>,
    return
  }
  func.func @transform_0(%arg0: i32) -> (i32, i32, i32) {
    %c0_i32 = arith.constant 0 : i32
    %c0_i32_0 = arith.constant 0 : i32
    %c0_i32_1 = arith.constant 0 : i32
    return %arg0, %c0_i32, %c0_i32_0 : i32, i32, i32
  }
  func.func @transform_1(%arg0: i32) -> (i32, i32) {
    %c0_i32 = arith.constant 0 : i32
    %c0_i32_0 = arith.constant 0 : i32
    %c0_i32_1 = arith.constant 0 : i32
    return %c0_i32, %c0_i32_0 : i32, i32
  }
  func.func @transform_2(%arg0: i32) -> (i32, i32, i32, i32) {
    %c0_i32 = arith.constant 0 : i32
    %c0_i32_0 = arith.constant 0 : i32
    %c0_i32_1 = arith.constant 0 : i32
    %c0_i32_2 = arith.constant 0 : i32
    return %arg0, %c0_i32, %c0_i32_0, %c0_i32_1 : i32, i32, i32, i32
  }
  func.func @transform_3(%arg0: i32) -> (i32, i32, i32, i32) {
    %c0_i32 = arith.constant 0 : i32
    %c0_i32_0 = arith.constant 0 : i32
    %c0_i32_1 = arith.constant 0 : i32
    %c0_i32_2 = arith.constant 0 : i32
    return %arg0, %c0_i32, %c0_i32_0, %c0_i32_1 : i32, i32, i32, i32
  }
}

module attributes {stable_mosaic.version = 14 : i64} {
  func.func @_dense_body(%arg0: i32, %arg1: memref<1x5x1083xf32, #tpu.memory_space<vmem>>, %arg2: memref<1x5x4332xf32, #tpu.memory_space<vmem>>, %arg3: memref<1x5x17328xf32, #tpu.memory_space<vmem>>, %arg4: memref<1x50x5xf32, #tpu.memory_space<vmem>>, %arg5: memref<6x9xf32, #tpu.memory_space<vmem>>, %arg6: memref<1x1xf32, #tpu.memory_space<vmem>>) attributes {dimension_semantics = [#tpu.dimension_semantics<arbitrary>], iteration_bounds = array<i64: 8>, scalar_prefetch = 0 : i64, scratch_operands = 0 : i64, tpu.core_type = #tpu.core_type<tc>, window_params = [{transform_indices = @transform_0, window_bounds = array<i64: 1, 5, 1083>}, {transform_indices = @transform_1, window_bounds = array<i64: 1, 5, 4332>}, {transform_indices = @transform_2, window_bounds = array<i64: 1, 5, 17328>}, {transform_indices = @transform_3, window_bounds = array<i64: 1, 50, 5>}, {pipeline_mode = #tpu.pipeline_mode<synchronous>, transform_indices = @transform_4, window_bounds = array<i64: 6, 9>}, {pipeline_mode = #tpu.pipeline_mode<synchronous>, transform_indices = @transform_5, window_bounds = array<i64: 1, 1>}]} {
    %get3A = arith.constant 0 : index
    %get3A_0 = arith.constant 0 : index
    %get3A_1 = arith.constant 0 : index
    %get3A_2 = vector.load %arg4[%get3A, %get3A_0, %get3A_1] : memref<1x50x5xf32, #tpu.memory_space<vmem>>, vector<1x50x5xf32>
    %get3A_3 = vector.shape_cast %get3A_2 : vector<1x50x5xf32> to vector<50x5xf32>
    %get3A_4 = arith.constant 0 : index
    %get3A_5 = arith.constant 0 : index
    %get3A_6 = vector.load %arg5[%get3A_4, %get3A_5] : memref<6x9xf32, #tpu.memory_space<vmem>>, vector<2x9xf32>
    %reduce_sum3A = arith.constant dense<0.000000e+00> : vector<50xf32>
    %reduce_sum3A_7 = vector.multi_reduction <add>, %get3A_3, %reduce_sum3A [1] : vector<50x5xf32> to vector<50xf32>
    %gt3A = arith.constant 0.000000e+00 : f32
    %gt3A_8 = vector.broadcast %gt3A : f32 to vector<50xf32>
    %gt3A_9 = arith.cmpf ogt, %reduce_sum3A_7, %gt3A_8 : vector<50xf32>
    %convert_element_type3A = arith.extui %gt3A_9 : vector<50xi1> to vector<50xi32>
    %convert_element_type3A_10 = arith.sitofp %convert_element_type3A : vector<50xi32> to vector<50xf32>
    %reduce_sum3A_11 = vector.shape_cast %convert_element_type3A_10 : vector<50xf32> to vector<1x50xf32>
    %reduce_sum3A_12 = arith.constant dense<0.000000e+00> : vector<1xf32>
    %reduce_sum3A_13 = vector.multi_reduction <add>, %reduce_sum3A_11, %reduce_sum3A_12 [1] : vector<1x50xf32> to vector<1xf32>
    %reduce_sum3A_14 = vector.shape_cast %reduce_sum3A_13 : vector<1xf32> to vector<1x1xf32>
    %reduce_sum3A_15 = vector.extract %reduce_sum3A_14[0, 0] : f32 from vector<1x1xf32>
    %iota3A = tpu.iota {dimensions = array<i32: 0>} : vector<50x1xi32>
    %convert_element_type3A_16 = arith.sitofp %iota3A : vector<50x1xi32> to vector<50x1xf32>
    %lt3A = vector.broadcast %reduce_sum3A_15 : f32 to vector<50x1xf32>
    %lt3A_17 = arith.cmpf olt, %convert_element_type3A_16, %lt3A : vector<50x1xf32>
    %convert_element_type3A_18 = arith.extui %lt3A_17 : vector<50x1xi1> to vector<50x1xi32>
    %convert_element_type3A_19 = arith.sitofp %convert_element_type3A_18 : vector<50x1xi32> to vector<50x1xf32>
    %slice3A = vector.extract_strided_slice %get3A_3 {offsets = [0, 1], sizes = [50, 1], strides = [1, 1]} : vector<50x5xf32> to vector<50x1xf32>
    %mul3A = arith.constant 1.900000e+01 : f32
    %mul3A_20 = vector.broadcast %mul3A : f32 to vector<50x1xf32>
    %mul3A_21 = arith.mulf %slice3A, %mul3A_20 : vector<50x1xf32>
    %slice3A_22 = vector.extract_strided_slice %get3A_3 {offsets = [0, 2], sizes = [50, 1], strides = [1, 1]} : vector<50x5xf32> to vector<50x1xf32>
    %mul3A_23 = arith.constant 1.900000e+01 : f32
    %mul3A_24 = vector.broadcast %mul3A_23 : f32 to vector<50x1xf32>
    %mul3A_25 = arith.mulf %slice3A_22, %mul3A_24 : vector<50x1xf32>
    %slice3A_26 = vector.extract_strided_slice %get3A_3 {offsets = [0, 3], sizes = [50, 1], strides = [1, 1]} : vector<50x5xf32> to vector<50x1xf32>
    %mul3A_27 = arith.constant 1.900000e+01 : f32
    %mul3A_28 = vector.broadcast %mul3A_27 : f32 to vector<50x1xf32>
    %mul3A_29 = arith.mulf %slice3A_26, %mul3A_28 : vector<50x1xf32>
    %slice3A_30 = vector.extract_strided_slice %get3A_3 {offsets = [0, 4], sizes = [50, 1], strides = [1, 1]} : vector<50x5xf32> to vector<50x1xf32>
    %mul3A_31 = arith.constant 1.900000e+01 : f32
    %mul3A_32 = vector.broadcast %mul3A_31 : f32 to vector<50x1xf32>
    %mul3A_33 = arith.mulf %slice3A_30, %mul3A_32 : vector<50x1xf32>
    %slice3A_34 = vector.extract_strided_slice %get3A_6 {offsets = [0, 0], sizes = [1, 9], strides = [1, 1]} : vector<2x9xf32> to vector<1x9xf32>
    %slice3A_35 = vector.extract_strided_slice %get3A_6 {offsets = [1, 0], sizes = [1, 9], strides = [1, 1]} : vector<2x9xf32> to vector<1x9xf32>
    %min3A = vector.broadcast %mul3A_29 : vector<50x1xf32> to vector<50x9xf32>
    %min3A_36 = vector.broadcast %slice3A_34 : vector<1x9xf32> to vector<50x9xf32>
    %min3A_37 = arith.minimumf %min3A, %min3A_36 : vector<50x9xf32>
    %min3A_38 = vector.broadcast %mul3A_33 : vector<50x1xf32> to vector<50x9xf32>
    %min3A_39 = vector.broadcast %slice3A_35 : vector<1x9xf32> to vector<50x9xf32>
    %min3A_40 = arith.minimumf %min3A_38, %min3A_39 : vector<50x9xf32>
    %gt3A_41 = arith.constant 0.000000e+00 : f32
    %gt3A_42 = vector.broadcast %gt3A_41 : f32 to vector<50x9xf32>
    %gt3A_43 = arith.cmpf ogt, %min3A_37, %gt3A_42 : vector<50x9xf32>
    %gt3A_44 = arith.constant 0.000000e+00 : f32
    %gt3A_45 = vector.broadcast %gt3A_44 : f32 to vector<50x9xf32>
    %gt3A_46 = arith.cmpf ogt, %min3A_40, %gt3A_45 : vector<50x9xf32>
    %and3A = arith.andi %gt3A_43, %gt3A_46 : vector<50x9xi1>
    %convert_element_type3A_47 = arith.extui %and3A : vector<50x9xi1> to vector<50x9xi32>
    %convert_element_type3A_48 = arith.sitofp %convert_element_type3A_47 : vector<50x9xi32> to vector<50x9xf32>
    %mul3A_49 = arith.mulf %min3A_37, %min3A_40 : vector<50x9xf32>
    %mul3A_50 = arith.mulf %mul3A_49, %convert_element_type3A_48 : vector<50x9xf32>
    %mul3A_51 = arith.mulf %mul3A_29, %mul3A_33 : vector<50x1xf32>
    %mul3A_52 = arith.mulf %slice3A_34, %slice3A_35 : vector<1x9xf32>
    %add3A = vector.broadcast %mul3A_51 : vector<50x1xf32> to vector<50x9xf32>
    %add3A_53 = vector.broadcast %mul3A_52 : vector<1x9xf32> to vector<50x9xf32>
    %add3A_54 = arith.addf %add3A, %add3A_53 : vector<50x9xf32>
    %sub3A = arith.subf %add3A_54, %mul3A_50 : vector<50x9xf32>
    %div3A = arith.divf %mul3A_50, %sub3A : vector<50x9xf32>
    %reduce_max3A = arith.constant dense<0xFF800000> : vector<50xf32>
    %reduce_max3A_55 = vector.multi_reduction <maximumf>, %div3A, %reduce_max3A [1] : vector<50x9xf32> to vector<50xf32>
    %broadcast_in_dim3A = vector.shape_cast %reduce_max3A_55 : vector<50xf32> to vector<50x1xf32>
    %iota3A_56 = tpu.iota {dimensions = array<i32: 1>} : vector<50x9xi32>
    %eq3A = vector.broadcast %broadcast_in_dim3A : vector<50x1xf32> to vector<50x9xf32>
    %eq3A_57 = arith.cmpf oeq, %div3A, %eq3A : vector<50x9xf32>
    %jit3A = arith.constant 9 : i32
    %broadcast_in_dim3A_58 = vector.broadcast %jit3A : i32 to vector<50x9xi32>
    %select_n3A = arith.select %eq3A_57, %iota3A_56, %broadcast_in_dim3A_58 : vector<50x9xi1>, vector<50x9xi32>
    %reduce_min3A = arith.constant dense<2147483647> : vector<50xi32>
    %reduce_min3A_59 = vector.multi_reduction <minsi>, %select_n3A, %reduce_min3A [1] : vector<50x9xi32> to vector<50xi32>
    %broadcast_in_dim3A_60 = vector.shape_cast %reduce_min3A_59 : vector<50xi32> to vector<50x1xi32>
    %jit3A_61 = arith.constant 3 : i32
    %div3A_62 = vector.broadcast %jit3A_61 : i32 to vector<50x1xi32>
    %div3A_63 = arith.divsi %broadcast_in_dim3A_60, %div3A_62 : vector<50x1xi32>
    %sign3A = arith.constant 0 : i32
    %sign3A_64 = vector.broadcast %sign3A : i32 to vector<50x1xi32>
    %sign3A_65 = arith.cmpi sgt, %broadcast_in_dim3A_60, %sign3A_64 : vector<50x1xi32>
    %sign3A_66 = arith.extui %sign3A_65 : vector<50x1xi1> to vector<50x1xi32>
    %sign3A_67 = arith.constant 0 : i32
    %sign3A_68 = vector.broadcast %sign3A_67 : i32 to vector<50x1xi32>
    %sign3A_69 = arith.cmpi slt, %broadcast_in_dim3A_60, %sign3A_68 : vector<50x1xi32>
    %sign3A_70 = arith.extui %sign3A_69 : vector<50x1xi1> to vector<50x1xi32>
    %sign3A_71 = arith.subi %sign3A_66, %sign3A_70 : vector<50x1xi32>
    %sign3A_72 = arith.constant 0 : i32
    %sign3A_73 = arith.cmpi sgt, %jit3A_61, %sign3A_72 : i32
    %sign3A_74 = arith.extui %sign3A_73 : i1 to i32
    %sign3A_75 = arith.constant 0 : i32
    %sign3A_76 = arith.cmpi slt, %jit3A_61, %sign3A_75 : i32
    %sign3A_77 = arith.extui %sign3A_76 : i1 to i32
    %sign3A_78 = arith.subi %sign3A_74, %sign3A_77 : i32
    %ne3A = vector.broadcast %sign3A_78 : i32 to vector<50x1xi32>
    %ne3A_79 = arith.cmpi ne, %sign3A_71, %ne3A : vector<50x1xi32>
    %rem3A = vector.broadcast %jit3A_61 : i32 to vector<50x1xi32>
    %rem3A_80 = arith.remsi %broadcast_in_dim3A_60, %rem3A : vector<50x1xi32>
    %ne3A_81 = arith.constant 0 : i32
    %ne3A_82 = vector.broadcast %ne3A_81 : i32 to vector<50x1xi32>
    %ne3A_83 = arith.cmpi ne, %rem3A_80, %ne3A_82 : vector<50x1xi32>
    %and3A_84 = arith.andi %ne3A_79, %ne3A_83 : vector<50x1xi1>
    %sub3A_85 = arith.constant 1 : i32
    %sub3A_86 = vector.broadcast %sub3A_85 : i32 to vector<50x1xi32>
    %sub3A_87 = arith.subi %div3A_63, %sub3A_86 : vector<50x1xi32>
    %select_n3A_88 = arith.select %and3A_84, %sub3A_87, %div3A_63 : vector<50x1xi1>, vector<50x1xi32>
    %eq3A_89 = arith.constant 2 : i32
    %eq3A_90 = vector.broadcast %eq3A_89 : i32 to vector<50x1xi32>
    %eq3A_91 = arith.cmpi eq, %select_n3A_88, %eq3A_90 : vector<50x1xi32>
    %lt3A_92 = vector.broadcast %reduce_sum3A_15 : f32 to vector<50x1xf32>
    %lt3A_93 = arith.cmpf olt, %convert_element_type3A_16, %lt3A_92 : vector<50x1xf32>
    %and3A_94 = arith.andi %lt3A_93, %eq3A_91 : vector<50x1xi1>
    %convert_element_type3A_95 = arith.extui %and3A_94 : vector<50x1xi1> to vector<50x1xi32>
    %convert_element_type3A_96 = arith.sitofp %convert_element_type3A_95 : vector<50x1xi32> to vector<50x1xf32>
    %reduce_max3A_97 = vector.shape_cast %convert_element_type3A_96 : vector<50x1xf32> to vector<1x50x1xf32>
    %reduce_max3A_98 = arith.constant dense<0xFF800000> : vector<1xf32>
    %reduce_max3A_99 = vector.multi_reduction <maximumf>, %reduce_max3A_97, %reduce_max3A_98 [1, 2] : vector<1x50x1xf32> to vector<1xf32>
    %reduce_max3A_100 = vector.shape_cast %reduce_max3A_99 : vector<1xf32> to vector<1x1x1xf32>
    %reduce_max3A_101 = vector.extract %reduce_max3A_100[0, 0, 0] : f32 from vector<1x1x1xf32>
    %get3A_102 = arith.constant 0 : index
    %get3A_103 = arith.constant 0 : index
    %get3A_104 = arith.constant 0 : index
    %get3A_105 = vector.load %arg1[%get3A_102, %get3A_103, %get3A_104] : memref<1x5x1083xf32, #tpu.memory_space<vmem>>, vector<1x5x1083xf32>
    %get3A_106 = vector.shape_cast %get3A_105 : vector<1x5x1083xf32> to vector<5x1083xf32>
    %slice3A_107 = vector.extract_strided_slice %get3A_106 {offsets = [0, 0], sizes = [1, 1083], strides = [1, 1]} : vector<5x1083xf32> to vector<1x1083xf32>
    %slice3A_108 = vector.extract_strided_slice %get3A_106 {offsets = [1, 0], sizes = [1, 1083], strides = [1, 1]} : vector<5x1083xf32> to vector<1x1083xf32>
    %slice3A_109 = vector.extract_strided_slice %get3A_106 {offsets = [4, 0], sizes = [1, 1083], strides = [1, 1]} : vector<5x1083xf32> to vector<1x1083xf32>
    %iota3A_110 = tpu.iota {dimensions = array<i32: 1>} : vector<1x1083xi32>
    %jit3A_111 = arith.constant 19 : i32
    %eq3A_112 = arith.constant 0 : i32
    %eq3A_113 = arith.cmpi eq, %jit3A_111, %eq3A_112 : i32
    %jit3A_114 = arith.constant 1 : i32
    %select_n3A_115 = arith.select %eq3A_113, %jit3A_114, %jit3A_111 : i32
    %rem3A_116 = vector.broadcast %select_n3A_115 : i32 to vector<1x1083xi32>
    %rem3A_117 = arith.remsi %iota3A_110, %rem3A_116 : vector<1x1083xi32>
    %ne3A_118 = arith.constant 0 : i32
    %ne3A_119 = vector.broadcast %ne3A_118 : i32 to vector<1x1083xi32>
    %ne3A_120 = arith.cmpi ne, %rem3A_117, %ne3A_119 : vector<1x1083xi32>
    %lt3A_121 = arith.constant 0 : i32
    %lt3A_122 = vector.broadcast %lt3A_121 : i32 to vector<1x1083xi32>
    %lt3A_123 = arith.cmpi slt, %rem3A_117, %lt3A_122 : vector<1x1083xi32>
    %lt3A_124 = arith.constant 0 : i32
    %lt3A_125 = arith.cmpi slt, %select_n3A_115, %lt3A_124 : i32
    %ne3A_126 = vector.broadcast %lt3A_125 : i1 to vector<1x1083xi1>
    %ne3A_127 = vector.broadcast %ne3A_126 : vector<1x1083xi1> to vector<1x1083xi1>
    %ne3A_128 = arith.xori %lt3A_123, %ne3A_127 : vector<1x1083xi1>
    %and3A_129 = arith.andi %ne3A_128, %ne3A_120 : vector<1x1083xi1>
    %add3A_130 = vector.broadcast %select_n3A_115 : i32 to vector<1x1083xi32>
    %add3A_131 = arith.addi %rem3A_117, %add3A_130 : vector<1x1083xi32>
    %select_n3A_132 = arith.select %and3A_129, %add3A_131, %rem3A_117 : vector<1x1083xi1>, vector<1x1083xi32>
    %convert_element_type3A_133 = arith.sitofp %select_n3A_132 : vector<1x1083xi32> to vector<1x1083xf32>
    %jit3A_134 = arith.constant 19 : i32
    %div3A_135 = vector.broadcast %jit3A_134 : i32 to vector<1x1083xi32>
    %div3A_136 = arith.divsi %iota3A_110, %div3A_135 : vector<1x1083xi32>
    %sign3A_137 = arith.constant 0 : i32
    %sign3A_138 = vector.broadcast %sign3A_137 : i32 to vector<1x1083xi32>
    %sign3A_139 = arith.cmpi sgt, %iota3A_110, %sign3A_138 : vector<1x1083xi32>
    %sign3A_140 = arith.extui %sign3A_139 : vector<1x1083xi1> to vector<1x1083xi32>
    %sign3A_141 = arith.constant 0 : i32
    %sign3A_142 = vector.broadcast %sign3A_141 : i32 to vector<1x1083xi32>
    %sign3A_143 = arith.cmpi slt, %iota3A_110, %sign3A_142 : vector<1x1083xi32>
    %sign3A_144 = arith.extui %sign3A_143 : vector<1x1083xi1> to vector<1x1083xi32>
    %sign3A_145 = arith.subi %sign3A_140, %sign3A_144 : vector<1x1083xi32>
    %sign3A_146 = arith.constant 0 : i32
    %sign3A_147 = arith.cmpi sgt, %jit3A_134, %sign3A_146 : i32
    %sign3A_148 = arith.extui %sign3A_147 : i1 to i32
    %sign3A_149 = arith.constant 0 : i32
    %sign3A_150 = arith.cmpi slt, %jit3A_134, %sign3A_149 : i32
    %sign3A_151 = arith.extui %sign3A_150 : i1 to i32
    %sign3A_152 = arith.subi %sign3A_148, %sign3A_151 : i32
    %ne3A_153 = vector.broadcast %sign3A_152 : i32 to vector<1x1083xi32>
    %ne3A_154 = arith.cmpi ne, %sign3A_145, %ne3A_153 : vector<1x1083xi32>
    %rem3A_155 = vector.broadcast %jit3A_134 : i32 to vector<1x1083xi32>
    %rem3A_156 = arith.remsi %iota3A_110, %rem3A_155 : vector<1x1083xi32>
    %ne3A_157 = arith.constant 0 : i32
    %ne3A_158 = vector.broadcast %ne3A_157 : i32 to vector<1x1083xi32>
    %ne3A_159 = arith.cmpi ne, %rem3A_156, %ne3A_158 : vector<1x1083xi32>
    %and3A_160 = arith.andi %ne3A_154, %ne3A_159 : vector<1x1083xi1>
    %sub3A_161 = arith.constant 1 : i32
    %sub3A_162 = vector.broadcast %sub3A_161 : i32 to vector<1x1083xi32>
    %sub3A_163 = arith.subi %div3A_136, %sub3A_162 : vector<1x1083xi32>
    %select_n3A_164 = arith.select %and3A_160, %sub3A_163, %div3A_136 : vector<1x1083xi1>, vector<1x1083xi32>
    %jit3A_165 = arith.constant 19 : i32
    %eq3A_166 = arith.constant 0 : i32
    %eq3A_167 = arith.cmpi eq, %jit3A_165, %eq3A_166 : i32
    %jit3A_168 = arith.constant 1 : i32
    %select_n3A_169 = arith.select %eq3A_167, %jit3A_168, %jit3A_165 : i32
    %rem3A_170 = vector.broadcast %select_n3A_169 : i32 to vector<1x1083xi32>
    %rem3A_171 = arith.remsi %select_n3A_164, %rem3A_170 : vector<1x1083xi32>
    %ne3A_172 = arith.constant 0 : i32
    %ne3A_173 = vector.broadcast %ne3A_172 : i32 to vector<1x1083xi32>
    %ne3A_174 = arith.cmpi ne, %rem3A_171, %ne3A_173 : vector<1x1083xi32>
    %lt3A_175 = arith.constant 0 : i32
    %lt3A_176 = vector.broadcast %lt3A_175 : i32 to vector<1x1083xi32>
    %lt3A_177 = arith.cmpi slt, %rem3A_171, %lt3A_176 : vector<1x1083xi32>
    %lt3A_178 = arith.constant 0 : i32
    %lt3A_179 = arith.cmpi slt, %select_n3A_169, %lt3A_178 : i32
    %ne3A_180 = vector.broadcast %lt3A_179 : i1 to vector<1x1083xi1>
    %ne3A_181 = vector.broadcast %ne3A_180 : vector<1x1083xi1> to vector<1x1083xi1>
    %ne3A_182 = arith.xori %lt3A_177, %ne3A_181 : vector<1x1083xi1>
    %and3A_183 = arith.andi %ne3A_182, %ne3A_174 : vector<1x1083xi1>
    %add3A_184 = vector.broadcast %select_n3A_169 : i32 to vector<1x1083xi32>
    %add3A_185 = arith.addi %rem3A_171, %add3A_184 : vector<1x1083xi32>
    %select_n3A_186 = arith.select %and3A_183, %add3A_185, %rem3A_171 : vector<1x1083xi1>, vector<1x1083xi32>
    %convert_element_type3A_187 = arith.sitofp %select_n3A_186 : vector<1x1083xi32> to vector<1x1083xf32>
    %jit3A_188 = arith.constant 361 : i32
    %div3A_189 = vector.broadcast %jit3A_188 : i32 to vector<1x1083xi32>
    %div3A_190 = arith.divsi %iota3A_110, %div3A_189 : vector<1x1083xi32>
    %sign3A_191 = arith.constant 0 : i32
    %sign3A_192 = vector.broadcast %sign3A_191 : i32 to vector<1x1083xi32>
    %sign3A_193 = arith.cmpi sgt, %iota3A_110, %sign3A_192 : vector<1x1083xi32>
    %sign3A_194 = arith.extui %sign3A_193 : vector<1x1083xi1> to vector<1x1083xi32>
    %sign3A_195 = arith.constant 0 : i32
    %sign3A_196 = vector.broadcast %sign3A_195 : i32 to vector<1x1083xi32>
    %sign3A_197 = arith.cmpi slt, %iota3A_110, %sign3A_196 : vector<1x1083xi32>
    %sign3A_198 = arith.extui %sign3A_197 : vector<1x1083xi1> to vector<1x1083xi32>
    %sign3A_199 = arith.subi %sign3A_194, %sign3A_198 : vector<1x1083xi32>
    %sign3A_200 = arith.constant 0 : i32
    %sign3A_201 = arith.cmpi sgt, %jit3A_188, %sign3A_200 : i32
    %sign3A_202 = arith.extui %sign3A_201 : i1 to i32
    %sign3A_203 = arith.constant 0 : i32
    %sign3A_204 = arith.cmpi slt, %jit3A_188, %sign3A_203 : i32
    %sign3A_205 = arith.extui %sign3A_204 : i1 to i32
    %sign3A_206 = arith.subi %sign3A_202, %sign3A_205 : i32
    %ne3A_207 = vector.broadcast %sign3A_206 : i32 to vector<1x1083xi32>
    %ne3A_208 = arith.cmpi ne, %sign3A_199, %ne3A_207 : vector<1x1083xi32>
    %rem3A_209 = vector.broadcast %jit3A_188 : i32 to vector<1x1083xi32>
    %rem3A_210 = arith.remsi %iota3A_110, %rem3A_209 : vector<1x1083xi32>
    %ne3A_211 = arith.constant 0 : i32
    %ne3A_212 = vector.broadcast %ne3A_211 : i32 to vector<1x1083xi32>
    %ne3A_213 = arith.cmpi ne, %rem3A_210, %ne3A_212 : vector<1x1083xi32>
    %and3A_214 = arith.andi %ne3A_208, %ne3A_213 : vector<1x1083xi1>
    %sub3A_215 = arith.constant 1 : i32
    %sub3A_216 = vector.broadcast %sub3A_215 : i32 to vector<1x1083xi32>
    %sub3A_217 = arith.subi %div3A_190, %sub3A_216 : vector<1x1083xi32>
    %select_n3A_218 = arith.select %and3A_214, %sub3A_217, %div3A_190 : vector<1x1083xi1>, vector<1x1083xi32>
    %eq3A_219 = arith.constant 2 : i32
    %eq3A_220 = vector.broadcast %eq3A_219 : i32 to vector<1x1083xi32>
    %eq3A_221 = arith.cmpi eq, %select_n3A_218, %eq3A_220 : vector<1x1083xi32>
    %eq3A_222 = arith.constant 1 : i32
    %eq3A_223 = vector.broadcast %eq3A_222 : i32 to vector<1x1083xi32>
    %eq3A_224 = arith.cmpi eq, %select_n3A_218, %eq3A_223 : vector<1x1083xi32>
    %jit3A_225 = arith.constant 4.875000e+00 : f32
    %jit3A_226 = arith.constant 3.625000e+00 : f32
    %broadcast_in_dim3A_227 = vector.broadcast %jit3A_225 : f32 to vector<1x1083xf32>
    %broadcast_in_dim3A_228 = vector.broadcast %jit3A_226 : f32 to vector<1x1083xf32>
    %select_n3A_229 = arith.select %eq3A_224, %broadcast_in_dim3A_227, %broadcast_in_dim3A_228 : vector<1x1083xi1>, vector<1x1083xf32>
    %jit3A_230 = arith.constant 11.65625 : f32
    %broadcast_in_dim3A_231 = vector.broadcast %jit3A_230 : f32 to vector<1x1083xf32>
    %select_n3A_232 = arith.select %eq3A_221, %broadcast_in_dim3A_231, %select_n3A_229 : vector<1x1083xi1>, vector<1x1083xf32>
    %eq3A_233 = arith.constant 2 : i32
    %eq3A_234 = vector.broadcast %eq3A_233 : i32 to vector<1x1083xi32>
    %eq3A_235 = arith.cmpi eq, %select_n3A_218, %eq3A_234 : vector<1x1083xi32>
    %eq3A_236 = arith.constant 1 : i32
    %eq3A_237 = vector.broadcast %eq3A_236 : i32 to vector<1x1083xi32>
    %eq3A_238 = arith.cmpi eq, %select_n3A_218, %eq3A_237 : vector<1x1083xi32>
    %jit3A_239 = arith.constant 6.187500e+00 : f32
    %jit3A_240 = arith.constant 2.812500e+00 : f32
    %broadcast_in_dim3A_241 = vector.broadcast %jit3A_239 : f32 to vector<1x1083xf32>
    %broadcast_in_dim3A_242 = vector.broadcast %jit3A_240 : f32 to vector<1x1083xf32>
    %select_n3A_243 = arith.select %eq3A_238, %broadcast_in_dim3A_241, %broadcast_in_dim3A_242 : vector<1x1083xi1>, vector<1x1083xf32>
    %jit3A_244 = arith.constant 1.018750e+01 : f32
    %broadcast_in_dim3A_245 = vector.broadcast %jit3A_244 : f32 to vector<1x1083xf32>
    %select_n3A_246 = arith.select %eq3A_235, %broadcast_in_dim3A_245, %select_n3A_243 : vector<1x1083xi1>, vector<1x1083xf32>
    %add3A_247 = arith.addf %slice3A_107, %convert_element_type3A_133 : vector<1x1083xf32>
    %add3A_248 = arith.addf %slice3A_108, %convert_element_type3A_187 : vector<1x1083xf32>
    %slice3A_249 = vector.extract_strided_slice %get3A_106 {offsets = [2, 0], sizes = [1, 1083], strides = [1, 1]} : vector<5x1083xf32> to vector<1x1083xf32>
    %exp3A = math.exp %slice3A_249 : vector<1x1083xf32>
    %mul3A_250 = arith.mulf %exp3A, %select_n3A_232 : vector<1x1083xf32>
    %slice3A_251 = vector.extract_strided_slice %get3A_106 {offsets = [3, 0], sizes = [1, 1083], strides = [1, 1]} : vector<5x1083xf32> to vector<1x1083xf32>
    %exp3A_252 = math.exp %slice3A_251 : vector<1x1083xf32>
    %mul3A_253 = arith.mulf %exp3A_252, %select_n3A_246 : vector<1x1083xf32>
    %mul3A_254 = arith.constant 5.000000e-01 : f32
    %mul3A_255 = vector.broadcast %mul3A_254 : f32 to vector<1x1083xf32>
    %mul3A_256 = arith.mulf %mul3A_255, %mul3A_250 : vector<1x1083xf32>
    %add3A_257 = arith.addf %add3A_247, %mul3A_256 : vector<1x1083xf32>
    %mul3A_258 = arith.constant 5.000000e-01 : f32
    %mul3A_259 = vector.broadcast %mul3A_258 : f32 to vector<50x1xf32>
    %mul3A_260 = arith.mulf %mul3A_259, %mul3A_29 : vector<50x1xf32>
    %add3A_261 = arith.addf %mul3A_21, %mul3A_260 : vector<50x1xf32>
    %min3A_262 = vector.broadcast %add3A_257 : vector<1x1083xf32> to vector<50x1083xf32>
    %min3A_263 = vector.broadcast %add3A_261 : vector<50x1xf32> to vector<50x1083xf32>
    %min3A_264 = arith.minimumf %min3A_262, %min3A_263 : vector<50x1083xf32>
    %mul3A_265 = arith.constant 5.000000e-01 : f32
    %mul3A_266 = vector.broadcast %mul3A_265 : f32 to vector<1x1083xf32>
    %mul3A_267 = arith.mulf %mul3A_266, %mul3A_250 : vector<1x1083xf32>
    %sub3A_268 = arith.subf %add3A_247, %mul3A_267 : vector<1x1083xf32>
    %mul3A_269 = arith.constant 5.000000e-01 : f32
    %mul3A_270 = vector.broadcast %mul3A_269 : f32 to vector<50x1xf32>
    %mul3A_271 = arith.mulf %mul3A_270, %mul3A_29 : vector<50x1xf32>
    %sub3A_272 = arith.subf %mul3A_21, %mul3A_271 : vector<50x1xf32>
    %max3A = vector.broadcast %sub3A_268 : vector<1x1083xf32> to vector<50x1083xf32>
    %max3A_273 = vector.broadcast %sub3A_272 : vector<50x1xf32> to vector<50x1083xf32>
    %max3A_274 = arith.maximumf %max3A, %max3A_273 : vector<50x1083xf32>
    %sub3A_275 = arith.subf %min3A_264, %max3A_274 : vector<50x1083xf32>
    %mul3A_276 = arith.constant 5.000000e-01 : f32
    %mul3A_277 = vector.broadcast %mul3A_276 : f32 to vector<1x1083xf32>
    %mul3A_278 = arith.mulf %mul3A_277, %mul3A_253 : vector<1x1083xf32>
    %add3A_279 = arith.addf %add3A_248, %mul3A_278 : vector<1x1083xf32>
    %mul3A_280 = arith.constant 5.000000e-01 : f32
    %mul3A_281 = vector.broadcast %mul3A_280 : f32 to vector<50x1xf32>
    %mul3A_282 = arith.mulf %mul3A_281, %mul3A_33 : vector<50x1xf32>
    %add3A_283 = arith.addf %mul3A_25, %mul3A_282 : vector<50x1xf32>
    %min3A_284 = vector.broadcast %add3A_279 : vector<1x1083xf32> to vector<50x1083xf32>
    %min3A_285 = vector.broadcast %add3A_283 : vector<50x1xf32> to vector<50x1083xf32>
    %min3A_286 = arith.minimumf %min3A_284, %min3A_285 : vector<50x1083xf32>
    %mul3A_287 = arith.constant 5.000000e-01 : f32
    %mul3A_288 = vector.broadcast %mul3A_287 : f32 to vector<1x1083xf32>
    %mul3A_289 = arith.mulf %mul3A_288, %mul3A_253 : vector<1x1083xf32>
    %sub3A_290 = arith.subf %add3A_248, %mul3A_289 : vector<1x1083xf32>
    %mul3A_291 = arith.constant 5.000000e-01 : f32
    %mul3A_292 = vector.broadcast %mul3A_291 : f32 to vector<50x1xf32>
    %mul3A_293 = arith.mulf %mul3A_292, %mul3A_33 : vector<50x1xf32>
    %sub3A_294 = arith.subf %mul3A_25, %mul3A_293 : vector<50x1xf32>
    %max3A_295 = vector.broadcast %sub3A_290 : vector<1x1083xf32> to vector<50x1083xf32>
    %max3A_296 = vector.broadcast %sub3A_294 : vector<50x1xf32> to vector<50x1083xf32>
    %max3A_297 = arith.maximumf %max3A_295, %max3A_296 : vector<50x1083xf32>
    %sub3A_298 = arith.subf %min3A_286, %max3A_297 : vector<50x1083xf32>
    %gt3A_299 = arith.constant 0.000000e+00 : f32
    %gt3A_300 = vector.broadcast %gt3A_299 : f32 to vector<50x1083xf32>
    %gt3A_301 = arith.cmpf ogt, %sub3A_275, %gt3A_300 : vector<50x1083xf32>
    %gt3A_302 = arith.constant 0.000000e+00 : f32
    %gt3A_303 = vector.broadcast %gt3A_302 : f32 to vector<50x1083xf32>
    %gt3A_304 = arith.cmpf ogt, %sub3A_298, %gt3A_303 : vector<50x1083xf32>
    %and3A_305 = arith.andi %gt3A_301, %gt3A_304 : vector<50x1083xi1>
    %convert_element_type3A_306 = arith.extui %and3A_305 : vector<50x1083xi1> to vector<50x1083xi32>
    %convert_element_type3A_307 = arith.sitofp %convert_element_type3A_306 : vector<50x1083xi32> to vector<50x1083xf32>
    %mul3A_308 = arith.mulf %sub3A_275, %sub3A_298 : vector<50x1083xf32>
    %mul3A_309 = arith.mulf %mul3A_308, %convert_element_type3A_307 : vector<50x1083xf32>
    %mul3A_310 = arith.mulf %mul3A_250, %mul3A_253 : vector<1x1083xf32>
    %mul3A_311 = arith.mulf %mul3A_29, %mul3A_33 : vector<50x1xf32>
    %add3A_312 = vector.broadcast %mul3A_310 : vector<1x1083xf32> to vector<50x1083xf32>
    %add3A_313 = vector.broadcast %mul3A_311 : vector<50x1xf32> to vector<50x1083xf32>
    %add3A_314 = arith.addf %add3A_312, %add3A_313 : vector<50x1083xf32>
    %sub3A_315 = arith.subf %add3A_314, %mul3A_309 : vector<50x1083xf32>
    %div3A_316 = arith.divf %mul3A_309, %sub3A_315 : vector<50x1083xf32>
    %mul3A_317 = vector.broadcast %convert_element_type3A_19 : vector<50x1xf32> to vector<50x1083xf32>
    %mul3A_318 = arith.mulf %div3A_316, %mul3A_317 : vector<50x1083xf32>
    %reduce_max3A_319 = arith.constant dense<0xFF800000> : vector<1083xf32>
    %reduce_max3A_320 = vector.multi_reduction <maximumf>, %mul3A_318, %reduce_max3A_319 [0] : vector<50x1083xf32> to vector<1083xf32>
    %broadcast_in_dim3A_321 = vector.shape_cast %reduce_max3A_320 : vector<1083xf32> to vector<1x1083xf32>
    %gt3A_322 = arith.constant 0.699999988 : f32
    %gt3A_323 = vector.broadcast %gt3A_322 : f32 to vector<1x1083xf32>
    %gt3A_324 = arith.cmpf ogt, %broadcast_in_dim3A_321, %gt3A_323 : vector<1x1083xf32>
    %gt3A_325 = arith.constant 0.000000e+00 : f32
    %gt3A_326 = arith.cmpf ogt, %reduce_max3A_101, %gt3A_325 : f32
    %and3A_327 = vector.broadcast %gt3A_326 : i1 to vector<1x1083xi1>
    %and3A_328 = arith.andi %gt3A_324, %and3A_327 : vector<1x1083xi1>
    %convert_element_type3A_329 = arith.extui %and3A_328 : vector<1x1083xi1> to vector<1x1083xi32>
    %convert_element_type3A_330 = arith.sitofp %convert_element_type3A_329 : vector<1x1083xi32> to vector<1x1083xf32>
    %sub3A_331 = arith.constant 1.000000e+00 : f32
    %sub3A_332 = vector.broadcast %sub3A_331 : f32 to vector<1x1083xf32>
    %sub3A_333 = arith.subf %sub3A_332, %convert_element_type3A_330 : vector<1x1083xf32>
    %sub3A_334 = arith.constant 1.000000e+00 : f32
    %sub3A_335 = vector.broadcast %sub3A_334 : f32 to vector<1x1083xf32>
    %sub3A_336 = arith.subf %sub3A_335, %slice3A_109 : vector<1x1083xf32>
    %log3A = math.log %sub3A_336 : vector<1x1083xf32>
    %max3A_337 = arith.constant -1.000000e+02 : f32
    %max3A_338 = vector.broadcast %max3A_337 : f32 to vector<1x1083xf32>
    %max3A_339 = arith.maximumf %log3A, %max3A_338 : vector<1x1083xf32>
    %neg3A = arith.constant 0.000000e+00 : f32
    %neg3A_340 = vector.broadcast %neg3A : f32 to vector<1x1083xf32>
    %neg3A_341 = arith.subf %neg3A_340, %max3A_339 : vector<1x1083xf32>
    %mul3A_342 = arith.mulf %sub3A_333, %neg3A_341 : vector<1x1083xf32>
    %reduce_sum3A_343 = vector.shape_cast %mul3A_342 : vector<1x1083xf32> to vector<1x1x1083xf32>
    %reduce_sum3A_344 = arith.constant dense<0.000000e+00> : vector<1xf32>
    %reduce_sum3A_345 = vector.multi_reduction <add>, %reduce_sum3A_343, %reduce_sum3A_344 [1, 2] : vector<1x1x1083xf32> to vector<1xf32>
    %reduce_sum3A_346 = vector.shape_cast %reduce_sum3A_345 : vector<1xf32> to vector<1x1x1xf32>
    %reduce_sum3A_347 = vector.extract %reduce_sum3A_346[0, 0, 0] : f32 from vector<1x1x1xf32>
    %add3A_348 = arith.constant 0.000000e+00 : f32
    %add3A_349 = arith.addf %add3A_348, %reduce_sum3A_347 : f32
    %get3A_350 = arith.constant 2 : index
    %get3A_351 = arith.constant 0 : index
    %get3A_352 = vector.load %arg5[%get3A_350, %get3A_351] : memref<6x9xf32, #tpu.memory_space<vmem>>, vector<2x9xf32>
    %reduce_sum3A_353 = arith.constant dense<0.000000e+00> : vector<50xf32>
    %reduce_sum3A_354 = vector.multi_reduction <add>, %get3A_3, %reduce_sum3A_353 [1] : vector<50x5xf32> to vector<50xf32>
    %gt3A_355 = arith.constant 0.000000e+00 : f32
    %gt3A_356 = vector.broadcast %gt3A_355 : f32 to vector<50xf32>
    %gt3A_357 = arith.cmpf ogt, %reduce_sum3A_354, %gt3A_356 : vector<50xf32>
    %convert_element_type3A_358 = arith.extui %gt3A_357 : vector<50xi1> to vector<50xi32>
    %convert_element_type3A_359 = arith.sitofp %convert_element_type3A_358 : vector<50xi32> to vector<50xf32>
    %reduce_sum3A_360 = vector.shape_cast %convert_element_type3A_359 : vector<50xf32> to vector<1x50xf32>
    %reduce_sum3A_361 = arith.constant dense<0.000000e+00> : vector<1xf32>
    %reduce_sum3A_362 = vector.multi_reduction <add>, %reduce_sum3A_360, %reduce_sum3A_361 [1] : vector<1x50xf32> to vector<1xf32>
    %reduce_sum3A_363 = vector.shape_cast %reduce_sum3A_362 : vector<1xf32> to vector<1x1xf32>
    %reduce_sum3A_364 = vector.extract %reduce_sum3A_363[0, 0] : f32 from vector<1x1xf32>
    %iota3A_365 = tpu.iota {dimensions = array<i32: 0>} : vector<50x1xi32>
    %convert_element_type3A_366 = arith.sitofp %iota3A_365 : vector<50x1xi32> to vector<50x1xf32>
    %lt3A_367 = vector.broadcast %reduce_sum3A_364 : f32 to vector<50x1xf32>
    %lt3A_368 = arith.cmpf olt, %convert_element_type3A_366, %lt3A_367 : vector<50x1xf32>
    %convert_element_type3A_369 = arith.extui %lt3A_368 : vector<50x1xi1> to vector<50x1xi32>
    %convert_element_type3A_370 = arith.sitofp %convert_element_type3A_369 : vector<50x1xi32> to vector<50x1xf32>
    %slice3A_371 = vector.extract_strided_slice %get3A_3 {offsets = [0, 1], sizes = [50, 1], strides = [1, 1]} : vector<50x5xf32> to vector<50x1xf32>
    %mul3A_372 = arith.constant 3.800000e+01 : f32
    %mul3A_373 = vector.broadcast %mul3A_372 : f32 to vector<50x1xf32>
    %mul3A_374 = arith.mulf %slice3A_371, %mul3A_373 : vector<50x1xf32>
    %slice3A_375 = vector.extract_strided_slice %get3A_3 {offsets = [0, 2], sizes = [50, 1], strides = [1, 1]} : vector<50x5xf32> to vector<50x1xf32>
    %mul3A_376 = arith.constant 3.800000e+01 : f32
    %mul3A_377 = vector.broadcast %mul3A_376 : f32 to vector<50x1xf32>
    %mul3A_378 = arith.mulf %slice3A_375, %mul3A_377 : vector<50x1xf32>
    %slice3A_379 = vector.extract_strided_slice %get3A_3 {offsets = [0, 3], sizes = [50, 1], strides = [1, 1]} : vector<50x5xf32> to vector<50x1xf32>
    %mul3A_380 = arith.constant 3.800000e+01 : f32
    %mul3A_381 = vector.broadcast %mul3A_380 : f32 to vector<50x1xf32>
    %mul3A_382 = arith.mulf %slice3A_379, %mul3A_381 : vector<50x1xf32>
    %slice3A_383 = vector.extract_strided_slice %get3A_3 {offsets = [0, 4], sizes = [50, 1], strides = [1, 1]} : vector<50x5xf32> to vector<50x1xf32>
    %mul3A_384 = arith.constant 3.800000e+01 : f32
    %mul3A_385 = vector.broadcast %mul3A_384 : f32 to vector<50x1xf32>
    %mul3A_386 = arith.mulf %slice3A_383, %mul3A_385 : vector<50x1xf32>
    %slice3A_387 = vector.extract_strided_slice %get3A_352 {offsets = [0, 0], sizes = [1, 9], strides = [1, 1]} : vector<2x9xf32> to vector<1x9xf32>
    %slice3A_388 = vector.extract_strided_slice %get3A_352 {offsets = [1, 0], sizes = [1, 9], strides = [1, 1]} : vector<2x9xf32> to vector<1x9xf32>
    %min3A_389 = vector.broadcast %mul3A_382 : vector<50x1xf32> to vector<50x9xf32>
    %min3A_390 = vector.broadcast %slice3A_387 : vector<1x9xf32> to vector<50x9xf32>
    %min3A_391 = arith.minimumf %min3A_389, %min3A_390 : vector<50x9xf32>
    %min3A_392 = vector.broadcast %mul3A_386 : vector<50x1xf32> to vector<50x9xf32>
    %min3A_393 = vector.broadcast %slice3A_388 : vector<1x9xf32> to vector<50x9xf32>
    %min3A_394 = arith.minimumf %min3A_392, %min3A_393 : vector<50x9xf32>
    %gt3A_395 = arith.constant 0.000000e+00 : f32
    %gt3A_396 = vector.broadcast %gt3A_395 : f32 to vector<50x9xf32>
    %gt3A_397 = arith.cmpf ogt, %min3A_391, %gt3A_396 : vector<50x9xf32>
    %gt3A_398 = arith.constant 0.000000e+00 : f32
    %gt3A_399 = vector.broadcast %gt3A_398 : f32 to vector<50x9xf32>
    %gt3A_400 = arith.cmpf ogt, %min3A_394, %gt3A_399 : vector<50x9xf32>
    %and3A_401 = arith.andi %gt3A_397, %gt3A_400 : vector<50x9xi1>
    %convert_element_type3A_402 = arith.extui %and3A_401 : vector<50x9xi1> to vector<50x9xi32>
    %convert_element_type3A_403 = arith.sitofp %convert_element_type3A_402 : vector<50x9xi32> to vector<50x9xf32>
    %mul3A_404 = arith.mulf %min3A_391, %min3A_394 : vector<50x9xf32>
    %mul3A_405 = arith.mulf %mul3A_404, %convert_element_type3A_403 : vector<50x9xf32>
    %mul3A_406 = arith.mulf %mul3A_382, %mul3A_386 : vector<50x1xf32>
    %mul3A_407 = arith.mulf %slice3A_387, %slice3A_388 : vector<1x9xf32>
    %add3A_408 = vector.broadcast %mul3A_406 : vector<50x1xf32> to vector<50x9xf32>
    %add3A_409 = vector.broadcast %mul3A_407 : vector<1x9xf32> to vector<50x9xf32>
    %add3A_410 = arith.addf %add3A_408, %add3A_409 : vector<50x9xf32>
    %sub3A_411 = arith.subf %add3A_410, %mul3A_405 : vector<50x9xf32>
    %div3A_412 = arith.divf %mul3A_405, %sub3A_411 : vector<50x9xf32>
    %reduce_max3A_413 = arith.constant dense<0xFF800000> : vector<50xf32>
    %reduce_max3A_414 = vector.multi_reduction <maximumf>, %div3A_412, %reduce_max3A_413 [1] : vector<50x9xf32> to vector<50xf32>
    %broadcast_in_dim3A_415 = vector.shape_cast %reduce_max3A_414 : vector<50xf32> to vector<50x1xf32>
    %iota3A_416 = tpu.iota {dimensions = array<i32: 1>} : vector<50x9xi32>
    %eq3A_417 = vector.broadcast %broadcast_in_dim3A_415 : vector<50x1xf32> to vector<50x9xf32>
    %eq3A_418 = arith.cmpf oeq, %div3A_412, %eq3A_417 : vector<50x9xf32>
    %jit3A_419 = arith.constant 9 : i32
    %broadcast_in_dim3A_420 = vector.broadcast %jit3A_419 : i32 to vector<50x9xi32>
    %select_n3A_421 = arith.select %eq3A_418, %iota3A_416, %broadcast_in_dim3A_420 : vector<50x9xi1>, vector<50x9xi32>
    %reduce_min3A_422 = arith.constant dense<2147483647> : vector<50xi32>
    %reduce_min3A_423 = vector.multi_reduction <minsi>, %select_n3A_421, %reduce_min3A_422 [1] : vector<50x9xi32> to vector<50xi32>
    %broadcast_in_dim3A_424 = vector.shape_cast %reduce_min3A_423 : vector<50xi32> to vector<50x1xi32>
    %jit3A_425 = arith.constant 3 : i32
    %div3A_426 = vector.broadcast %jit3A_425 : i32 to vector<50x1xi32>
    %div3A_427 = arith.divsi %broadcast_in_dim3A_424, %div3A_426 : vector<50x1xi32>
    %sign3A_428 = arith.constant 0 : i32
    %sign3A_429 = vector.broadcast %sign3A_428 : i32 to vector<50x1xi32>
    %sign3A_430 = arith.cmpi sgt, %broadcast_in_dim3A_424, %sign3A_429 : vector<50x1xi32>
    %sign3A_431 = arith.extui %sign3A_430 : vector<50x1xi1> to vector<50x1xi32>
    %sign3A_432 = arith.constant 0 : i32
    %sign3A_433 = vector.broadcast %sign3A_432 : i32 to vector<50x1xi32>
    %sign3A_434 = arith.cmpi slt, %broadcast_in_dim3A_424, %sign3A_433 : vector<50x1xi32>
    %sign3A_435 = arith.extui %sign3A_434 : vector<50x1xi1> to vector<50x1xi32>
    %sign3A_436 = arith.subi %sign3A_431, %sign3A_435 : vector<50x1xi32>
    %sign3A_437 = arith.constant 0 : i32
    %sign3A_438 = arith.cmpi sgt, %jit3A_425, %sign3A_437 : i32
    %sign3A_439 = arith.extui %sign3A_438 : i1 to i32
    %sign3A_440 = arith.constant 0 : i32
    %sign3A_441 = arith.cmpi slt, %jit3A_425, %sign3A_440 : i32
    %sign3A_442 = arith.extui %sign3A_441 : i1 to i32
    %sign3A_443 = arith.subi %sign3A_439, %sign3A_442 : i32
    %ne3A_444 = vector.broadcast %sign3A_443 : i32 to vector<50x1xi32>
    %ne3A_445 = arith.cmpi ne, %sign3A_436, %ne3A_444 : vector<50x1xi32>
    %rem3A_446 = vector.broadcast %jit3A_425 : i32 to vector<50x1xi32>
    %rem3A_447 = arith.remsi %broadcast_in_dim3A_424, %rem3A_446 : vector<50x1xi32>
    %ne3A_448 = arith.constant 0 : i32
    %ne3A_449 = vector.broadcast %ne3A_448 : i32 to vector<50x1xi32>
    %ne3A_450 = arith.cmpi ne, %rem3A_447, %ne3A_449 : vector<50x1xi32>
    %and3A_451 = arith.andi %ne3A_445, %ne3A_450 : vector<50x1xi1>
    %sub3A_452 = arith.constant 1 : i32
    %sub3A_453 = vector.broadcast %sub3A_452 : i32 to vector<50x1xi32>
    %sub3A_454 = arith.subi %div3A_427, %sub3A_453 : vector<50x1xi32>
    %select_n3A_455 = arith.select %and3A_451, %sub3A_454, %div3A_427 : vector<50x1xi1>, vector<50x1xi32>
    %eq3A_456 = arith.constant 1 : i32
    %eq3A_457 = vector.broadcast %eq3A_456 : i32 to vector<50x1xi32>
    %eq3A_458 = arith.cmpi eq, %select_n3A_455, %eq3A_457 : vector<50x1xi32>
    %lt3A_459 = vector.broadcast %reduce_sum3A_364 : f32 to vector<50x1xf32>
    %lt3A_460 = arith.cmpf olt, %convert_element_type3A_366, %lt3A_459 : vector<50x1xf32>
    %and3A_461 = arith.andi %lt3A_460, %eq3A_458 : vector<50x1xi1>
    %convert_element_type3A_462 = arith.extui %and3A_461 : vector<50x1xi1> to vector<50x1xi32>
    %convert_element_type3A_463 = arith.sitofp %convert_element_type3A_462 : vector<50x1xi32> to vector<50x1xf32>
    %reduce_max3A_464 = vector.shape_cast %convert_element_type3A_463 : vector<50x1xf32> to vector<1x50x1xf32>
    %reduce_max3A_465 = arith.constant dense<0xFF800000> : vector<1xf32>
    %reduce_max3A_466 = vector.multi_reduction <maximumf>, %reduce_max3A_464, %reduce_max3A_465 [1, 2] : vector<1x50x1xf32> to vector<1xf32>
    %reduce_max3A_467 = vector.shape_cast %reduce_max3A_466 : vector<1xf32> to vector<1x1x1xf32>
    %reduce_max3A_468 = vector.extract %reduce_max3A_467[0, 0, 0] : f32 from vector<1x1x1xf32>
    %get3A_469 = arith.constant 0 : index
    %get3A_470 = arith.constant 0 : index
    %get3A_471 = arith.constant 0 : index
    %get3A_472 = vector.load %arg2[%get3A_469, %get3A_470, %get3A_471] : memref<1x5x4332xf32, #tpu.memory_space<vmem>>, vector<1x5x4332xf32>
    %get3A_473 = vector.shape_cast %get3A_472 : vector<1x5x4332xf32> to vector<5x4332xf32>
    %slice3A_474 = vector.extract_strided_slice %get3A_473 {offsets = [0, 0], sizes = [1, 4332], strides = [1, 1]} : vector<5x4332xf32> to vector<1x4332xf32>
    %slice3A_475 = vector.extract_strided_slice %get3A_473 {offsets = [1, 0], sizes = [1, 4332], strides = [1, 1]} : vector<5x4332xf32> to vector<1x4332xf32>
    %slice3A_476 = vector.extract_strided_slice %get3A_473 {offsets = [4, 0], sizes = [1, 4332], strides = [1, 1]} : vector<5x4332xf32> to vector<1x4332xf32>
    %iota3A_477 = tpu.iota {dimensions = array<i32: 1>} : vector<1x4332xi32>
    %jit3A_478 = arith.constant 38 : i32
    %eq3A_479 = arith.constant 0 : i32
    %eq3A_480 = arith.cmpi eq, %jit3A_478, %eq3A_479 : i32
    %jit3A_481 = arith.constant 1 : i32
    %select_n3A_482 = arith.select %eq3A_480, %jit3A_481, %jit3A_478 : i32
    %rem3A_483 = vector.broadcast %select_n3A_482 : i32 to vector<1x4332xi32>
    %rem3A_484 = arith.remsi %iota3A_477, %rem3A_483 : vector<1x4332xi32>
    %ne3A_485 = arith.constant 0 : i32
    %ne3A_486 = vector.broadcast %ne3A_485 : i32 to vector<1x4332xi32>
    %ne3A_487 = arith.cmpi ne, %rem3A_484, %ne3A_486 : vector<1x4332xi32>
    %lt3A_488 = arith.constant 0 : i32
    %lt3A_489 = vector.broadcast %lt3A_488 : i32 to vector<1x4332xi32>
    %lt3A_490 = arith.cmpi slt, %rem3A_484, %lt3A_489 : vector<1x4332xi32>
    %lt3A_491 = arith.constant 0 : i32
    %lt3A_492 = arith.cmpi slt, %select_n3A_482, %lt3A_491 : i32
    %ne3A_493 = vector.broadcast %lt3A_492 : i1 to vector<1x4332xi1>
    %ne3A_494 = vector.broadcast %ne3A_493 : vector<1x4332xi1> to vector<1x4332xi1>
    %ne3A_495 = arith.xori %lt3A_490, %ne3A_494 : vector<1x4332xi1>
    %and3A_496 = arith.andi %ne3A_495, %ne3A_487 : vector<1x4332xi1>
    %add3A_497 = vector.broadcast %select_n3A_482 : i32 to vector<1x4332xi32>
    %add3A_498 = arith.addi %rem3A_484, %add3A_497 : vector<1x4332xi32>
    %select_n3A_499 = arith.select %and3A_496, %add3A_498, %rem3A_484 : vector<1x4332xi1>, vector<1x4332xi32>
    %convert_element_type3A_500 = arith.sitofp %select_n3A_499 : vector<1x4332xi32> to vector<1x4332xf32>
    %jit3A_501 = arith.constant 38 : i32
    %div3A_502 = vector.broadcast %jit3A_501 : i32 to vector<1x4332xi32>
    %div3A_503 = arith.divsi %iota3A_477, %div3A_502 : vector<1x4332xi32>
    %sign3A_504 = arith.constant 0 : i32
    %sign3A_505 = vector.broadcast %sign3A_504 : i32 to vector<1x4332xi32>
    %sign3A_506 = arith.cmpi sgt, %iota3A_477, %sign3A_505 : vector<1x4332xi32>
    %sign3A_507 = arith.extui %sign3A_506 : vector<1x4332xi1> to vector<1x4332xi32>
    %sign3A_508 = arith.constant 0 : i32
    %sign3A_509 = vector.broadcast %sign3A_508 : i32 to vector<1x4332xi32>
    %sign3A_510 = arith.cmpi slt, %iota3A_477, %sign3A_509 : vector<1x4332xi32>
    %sign3A_511 = arith.extui %sign3A_510 : vector<1x4332xi1> to vector<1x4332xi32>
    %sign3A_512 = arith.subi %sign3A_507, %sign3A_511 : vector<1x4332xi32>
    %sign3A_513 = arith.constant 0 : i32
    %sign3A_514 = arith.cmpi sgt, %jit3A_501, %sign3A_513 : i32
    %sign3A_515 = arith.extui %sign3A_514 : i1 to i32
    %sign3A_516 = arith.constant 0 : i32
    %sign3A_517 = arith.cmpi slt, %jit3A_501, %sign3A_516 : i32
    %sign3A_518 = arith.extui %sign3A_517 : i1 to i32
    %sign3A_519 = arith.subi %sign3A_515, %sign3A_518 : i32
    %ne3A_520 = vector.broadcast %sign3A_519 : i32 to vector<1x4332xi32>
    %ne3A_521 = arith.cmpi ne, %sign3A_512, %ne3A_520 : vector<1x4332xi32>
    %rem3A_522 = vector.broadcast %jit3A_501 : i32 to vector<1x4332xi32>
    %rem3A_523 = arith.remsi %iota3A_477, %rem3A_522 : vector<1x4332xi32>
    %ne3A_524 = arith.constant 0 : i32
    %ne3A_525 = vector.broadcast %ne3A_524 : i32 to vector<1x4332xi32>
    %ne3A_526 = arith.cmpi ne, %rem3A_523, %ne3A_525 : vector<1x4332xi32>
    %and3A_527 = arith.andi %ne3A_521, %ne3A_526 : vector<1x4332xi1>
    %sub3A_528 = arith.constant 1 : i32
    %sub3A_529 = vector.broadcast %sub3A_528 : i32 to vector<1x4332xi32>
    %sub3A_530 = arith.subi %div3A_503, %sub3A_529 : vector<1x4332xi32>
    %select_n3A_531 = arith.select %and3A_527, %sub3A_530, %div3A_503 : vector<1x4332xi1>, vector<1x4332xi32>
    %jit3A_532 = arith.constant 38 : i32
    %eq3A_533 = arith.constant 0 : i32
    %eq3A_534 = arith.cmpi eq, %jit3A_532, %eq3A_533 : i32
    %jit3A_535 = arith.constant 1 : i32
    %select_n3A_536 = arith.select %eq3A_534, %jit3A_535, %jit3A_532 : i32
    %rem3A_537 = vector.broadcast %select_n3A_536 : i32 to vector<1x4332xi32>
    %rem3A_538 = arith.remsi %select_n3A_531, %rem3A_537 : vector<1x4332xi32>
    %ne3A_539 = arith.constant 0 : i32
    %ne3A_540 = vector.broadcast %ne3A_539 : i32 to vector<1x4332xi32>
    %ne3A_541 = arith.cmpi ne, %rem3A_538, %ne3A_540 : vector<1x4332xi32>
    %lt3A_542 = arith.constant 0 : i32
    %lt3A_543 = vector.broadcast %lt3A_542 : i32 to vector<1x4332xi32>
    %lt3A_544 = arith.cmpi slt, %rem3A_538, %lt3A_543 : vector<1x4332xi32>
    %lt3A_545 = arith.constant 0 : i32
    %lt3A_546 = arith.cmpi slt, %select_n3A_536, %lt3A_545 : i32
    %ne3A_547 = vector.broadcast %lt3A_546 : i1 to vector<1x4332xi1>
    %ne3A_548 = vector.broadcast %ne3A_547 : vector<1x4332xi1> to vector<1x4332xi1>
    %ne3A_549 = arith.xori %lt3A_544, %ne3A_548 : vector<1x4332xi1>
    %and3A_550 = arith.andi %ne3A_549, %ne3A_541 : vector<1x4332xi1>
    %add3A_551 = vector.broadcast %select_n3A_536 : i32 to vector<1x4332xi32>
    %add3A_552 = arith.addi %rem3A_538, %add3A_551 : vector<1x4332xi32>
    %select_n3A_553 = arith.select %and3A_550, %add3A_552, %rem3A_538 : vector<1x4332xi1>, vector<1x4332xi32>
    %convert_element_type3A_554 = arith.sitofp %select_n3A_553 : vector<1x4332xi32> to vector<1x4332xf32>
    %jit3A_555 = arith.constant 1444 : i32
    %div3A_556 = vector.broadcast %jit3A_555 : i32 to vector<1x4332xi32>
    %div3A_557 = arith.divsi %iota3A_477, %div3A_556 : vector<1x4332xi32>
    %sign3A_558 = arith.constant 0 : i32
    %sign3A_559 = vector.broadcast %sign3A_558 : i32 to vector<1x4332xi32>
    %sign3A_560 = arith.cmpi sgt, %iota3A_477, %sign3A_559 : vector<1x4332xi32>
    %sign3A_561 = arith.extui %sign3A_560 : vector<1x4332xi1> to vector<1x4332xi32>
    %sign3A_562 = arith.constant 0 : i32
    %sign3A_563 = vector.broadcast %sign3A_562 : i32 to vector<1x4332xi32>
    %sign3A_564 = arith.cmpi slt, %iota3A_477, %sign3A_563 : vector<1x4332xi32>
    %sign3A_565 = arith.extui %sign3A_564 : vector<1x4332xi1> to vector<1x4332xi32>
    %sign3A_566 = arith.subi %sign3A_561, %sign3A_565 : vector<1x4332xi32>
    %sign3A_567 = arith.constant 0 : i32
    %sign3A_568 = arith.cmpi sgt, %jit3A_555, %sign3A_567 : i32
    %sign3A_569 = arith.extui %sign3A_568 : i1 to i32
    %sign3A_570 = arith.constant 0 : i32
    %sign3A_571 = arith.cmpi slt, %jit3A_555, %sign3A_570 : i32
    %sign3A_572 = arith.extui %sign3A_571 : i1 to i32
    %sign3A_573 = arith.subi %sign3A_569, %sign3A_572 : i32
    %ne3A_574 = vector.broadcast %sign3A_573 : i32 to vector<1x4332xi32>
    %ne3A_575 = arith.cmpi ne, %sign3A_566, %ne3A_574 : vector<1x4332xi32>
    %rem3A_576 = vector.broadcast %jit3A_555 : i32 to vector<1x4332xi32>
    %rem3A_577 = arith.remsi %iota3A_477, %rem3A_576 : vector<1x4332xi32>
    %ne3A_578 = arith.constant 0 : i32
    %ne3A_579 = vector.broadcast %ne3A_578 : i32 to vector<1x4332xi32>
    %ne3A_580 = arith.cmpi ne, %rem3A_577, %ne3A_579 : vector<1x4332xi32>
    %and3A_581 = arith.andi %ne3A_575, %ne3A_580 : vector<1x4332xi1>
    %sub3A_582 = arith.constant 1 : i32
    %sub3A_583 = vector.broadcast %sub3A_582 : i32 to vector<1x4332xi32>
    %sub3A_584 = arith.subi %div3A_557, %sub3A_583 : vector<1x4332xi32>
    %select_n3A_585 = arith.select %and3A_581, %sub3A_584, %div3A_557 : vector<1x4332xi1>, vector<1x4332xi32>
    %eq3A_586 = arith.constant 2 : i32
    %eq3A_587 = vector.broadcast %eq3A_586 : i32 to vector<1x4332xi32>
    %eq3A_588 = arith.cmpi eq, %select_n3A_585, %eq3A_587 : vector<1x4332xi32>
    %eq3A_589 = arith.constant 1 : i32
    %eq3A_590 = vector.broadcast %eq3A_589 : i32 to vector<1x4332xi32>
    %eq3A_591 = arith.cmpi eq, %select_n3A_585, %eq3A_590 : vector<1x4332xi32>
    %jit3A_592 = arith.constant 3.875000e+00 : f32
    %jit3A_593 = arith.constant 1.875000e+00 : f32
    %broadcast_in_dim3A_594 = vector.broadcast %jit3A_592 : f32 to vector<1x4332xf32>
    %broadcast_in_dim3A_595 = vector.broadcast %jit3A_593 : f32 to vector<1x4332xf32>
    %select_n3A_596 = arith.select %eq3A_591, %broadcast_in_dim3A_594, %broadcast_in_dim3A_595 : vector<1x4332xi1>, vector<1x4332xf32>
    %jit3A_597 = arith.constant 3.687500e+00 : f32
    %broadcast_in_dim3A_598 = vector.broadcast %jit3A_597 : f32 to vector<1x4332xf32>
    %select_n3A_599 = arith.select %eq3A_588, %broadcast_in_dim3A_598, %select_n3A_596 : vector<1x4332xi1>, vector<1x4332xf32>
    %eq3A_600 = arith.constant 2 : i32
    %eq3A_601 = vector.broadcast %eq3A_600 : i32 to vector<1x4332xi32>
    %eq3A_602 = arith.cmpi eq, %select_n3A_585, %eq3A_601 : vector<1x4332xi32>
    %eq3A_603 = arith.constant 1 : i32
    %eq3A_604 = vector.broadcast %eq3A_603 : i32 to vector<1x4332xi32>
    %eq3A_605 = arith.cmpi eq, %select_n3A_585, %eq3A_604 : vector<1x4332xi32>
    %jit3A_606 = arith.constant 2.812500e+00 : f32
    %jit3A_607 = arith.constant 3.812500e+00 : f32
    %broadcast_in_dim3A_608 = vector.broadcast %jit3A_606 : f32 to vector<1x4332xf32>
    %broadcast_in_dim3A_609 = vector.broadcast %jit3A_607 : f32 to vector<1x4332xf32>
    %select_n3A_610 = arith.select %eq3A_605, %broadcast_in_dim3A_608, %broadcast_in_dim3A_609 : vector<1x4332xi1>, vector<1x4332xf32>
    %jit3A_611 = arith.constant 7.437500e+00 : f32
    %broadcast_in_dim3A_612 = vector.broadcast %jit3A_611 : f32 to vector<1x4332xf32>
    %select_n3A_613 = arith.select %eq3A_602, %broadcast_in_dim3A_612, %select_n3A_610 : vector<1x4332xi1>, vector<1x4332xf32>
    %add3A_614 = arith.addf %slice3A_474, %convert_element_type3A_500 : vector<1x4332xf32>
    %add3A_615 = arith.addf %slice3A_475, %convert_element_type3A_554 : vector<1x4332xf32>
    %slice3A_616 = vector.extract_strided_slice %get3A_473 {offsets = [2, 0], sizes = [1, 4332], strides = [1, 1]} : vector<5x4332xf32> to vector<1x4332xf32>
    %exp3A_617 = math.exp %slice3A_616 : vector<1x4332xf32>
    %mul3A_618 = arith.mulf %exp3A_617, %select_n3A_599 : vector<1x4332xf32>
    %slice3A_619 = vector.extract_strided_slice %get3A_473 {offsets = [3, 0], sizes = [1, 4332], strides = [1, 1]} : vector<5x4332xf32> to vector<1x4332xf32>
    %exp3A_620 = math.exp %slice3A_619 : vector<1x4332xf32>
    %mul3A_621 = arith.mulf %exp3A_620, %select_n3A_613 : vector<1x4332xf32>
    %mul3A_622 = arith.constant 5.000000e-01 : f32
    %mul3A_623 = vector.broadcast %mul3A_622 : f32 to vector<1x4332xf32>
    %mul3A_624 = arith.mulf %mul3A_623, %mul3A_618 : vector<1x4332xf32>
    %add3A_625 = arith.addf %add3A_614, %mul3A_624 : vector<1x4332xf32>
    %mul3A_626 = arith.constant 5.000000e-01 : f32
    %mul3A_627 = vector.broadcast %mul3A_626 : f32 to vector<50x1xf32>
    %mul3A_628 = arith.mulf %mul3A_627, %mul3A_382 : vector<50x1xf32>
    %add3A_629 = arith.addf %mul3A_374, %mul3A_628 : vector<50x1xf32>
    %min3A_630 = vector.broadcast %add3A_625 : vector<1x4332xf32> to vector<50x4332xf32>
    %min3A_631 = vector.broadcast %add3A_629 : vector<50x1xf32> to vector<50x4332xf32>
    %min3A_632 = arith.minimumf %min3A_630, %min3A_631 : vector<50x4332xf32>
    %mul3A_633 = arith.constant 5.000000e-01 : f32
    %mul3A_634 = vector.broadcast %mul3A_633 : f32 to vector<1x4332xf32>
    %mul3A_635 = arith.mulf %mul3A_634, %mul3A_618 : vector<1x4332xf32>
    %sub3A_636 = arith.subf %add3A_614, %mul3A_635 : vector<1x4332xf32>
    %mul3A_637 = arith.constant 5.000000e-01 : f32
    %mul3A_638 = vector.broadcast %mul3A_637 : f32 to vector<50x1xf32>
    %mul3A_639 = arith.mulf %mul3A_638, %mul3A_382 : vector<50x1xf32>
    %sub3A_640 = arith.subf %mul3A_374, %mul3A_639 : vector<50x1xf32>
    %max3A_641 = vector.broadcast %sub3A_636 : vector<1x4332xf32> to vector<50x4332xf32>
    %max3A_642 = vector.broadcast %sub3A_640 : vector<50x1xf32> to vector<50x4332xf32>
    %max3A_643 = arith.maximumf %max3A_641, %max3A_642 : vector<50x4332xf32>
    %sub3A_644 = arith.subf %min3A_632, %max3A_643 : vector<50x4332xf32>
    %mul3A_645 = arith.constant 5.000000e-01 : f32
    %mul3A_646 = vector.broadcast %mul3A_645 : f32 to vector<1x4332xf32>
    %mul3A_647 = arith.mulf %mul3A_646, %mul3A_621 : vector<1x4332xf32>
    %add3A_648 = arith.addf %add3A_615, %mul3A_647 : vector<1x4332xf32>
    %mul3A_649 = arith.constant 5.000000e-01 : f32
    %mul3A_650 = vector.broadcast %mul3A_649 : f32 to vector<50x1xf32>
    %mul3A_651 = arith.mulf %mul3A_650, %mul3A_386 : vector<50x1xf32>
    %add3A_652 = arith.addf %mul3A_378, %mul3A_651 : vector<50x1xf32>
    %min3A_653 = vector.broadcast %add3A_648 : vector<1x4332xf32> to vector<50x4332xf32>
    %min3A_654 = vector.broadcast %add3A_652 : vector<50x1xf32> to vector<50x4332xf32>
    %min3A_655 = arith.minimumf %min3A_653, %min3A_654 : vector<50x4332xf32>
    %mul3A_656 = arith.constant 5.000000e-01 : f32
    %mul3A_657 = vector.broadcast %mul3A_656 : f32 to vector<1x4332xf32>
    %mul3A_658 = arith.mulf %mul3A_657, %mul3A_621 : vector<1x4332xf32>
    %sub3A_659 = arith.subf %add3A_615, %mul3A_658 : vector<1x4332xf32>
    %mul3A_660 = arith.constant 5.000000e-01 : f32
    %mul3A_661 = vector.broadcast %mul3A_660 : f32 to vector<50x1xf32>
    %mul3A_662 = arith.mulf %mul3A_661, %mul3A_386 : vector<50x1xf32>
    %sub3A_663 = arith.subf %mul3A_378, %mul3A_662 : vector<50x1xf32>
    %max3A_664 = vector.broadcast %sub3A_659 : vector<1x4332xf32> to vector<50x4332xf32>
    %max3A_665 = vector.broadcast %sub3A_663 : vector<50x1xf32> to vector<50x4332xf32>
    %max3A_666 = arith.maximumf %max3A_664, %max3A_665 : vector<50x4332xf32>
    %sub3A_667 = arith.subf %min3A_655, %max3A_666 : vector<50x4332xf32>
    %gt3A_668 = arith.constant 0.000000e+00 : f32
    %gt3A_669 = vector.broadcast %gt3A_668 : f32 to vector<50x4332xf32>
    %gt3A_670 = arith.cmpf ogt, %sub3A_644, %gt3A_669 : vector<50x4332xf32>
    %gt3A_671 = arith.constant 0.000000e+00 : f32
    %gt3A_672 = vector.broadcast %gt3A_671 : f32 to vector<50x4332xf32>
    %gt3A_673 = arith.cmpf ogt, %sub3A_667, %gt3A_672 : vector<50x4332xf32>
    %and3A_674 = arith.andi %gt3A_670, %gt3A_673 : vector<50x4332xi1>
    %convert_element_type3A_675 = arith.extui %and3A_674 : vector<50x4332xi1> to vector<50x4332xi32>
    %convert_element_type3A_676 = arith.sitofp %convert_element_type3A_675 : vector<50x4332xi32> to vector<50x4332xf32>
    %mul3A_677 = arith.mulf %sub3A_644, %sub3A_667 : vector<50x4332xf32>
    %mul3A_678 = arith.mulf %mul3A_677, %convert_element_type3A_676 : vector<50x4332xf32>
    %mul3A_679 = arith.mulf %mul3A_618, %mul3A_621 : vector<1x4332xf32>
    %mul3A_680 = arith.mulf %mul3A_382, %mul3A_386 : vector<50x1xf32>
    %add3A_681 = vector.broadcast %mul3A_679 : vector<1x4332xf32> to vector<50x4332xf32>
    %add3A_682 = vector.broadcast %mul3A_680 : vector<50x1xf32> to vector<50x4332xf32>
    %add3A_683 = arith.addf %add3A_681, %add3A_682 : vector<50x4332xf32>
    %sub3A_684 = arith.subf %add3A_683, %mul3A_678 : vector<50x4332xf32>
    %div3A_685 = arith.divf %mul3A_678, %sub3A_684 : vector<50x4332xf32>
    %mul3A_686 = vector.broadcast %convert_element_type3A_370 : vector<50x1xf32> to vector<50x4332xf32>
    %mul3A_687 = arith.mulf %div3A_685, %mul3A_686 : vector<50x4332xf32>
    %reduce_max3A_688 = arith.constant dense<0xFF800000> : vector<4332xf32>
    %reduce_max3A_689 = vector.multi_reduction <maximumf>, %mul3A_687, %reduce_max3A_688 [0] : vector<50x4332xf32> to vector<4332xf32>
    %broadcast_in_dim3A_690 = vector.shape_cast %reduce_max3A_689 : vector<4332xf32> to vector<1x4332xf32>
    %gt3A_691 = arith.constant 0.699999988 : f32
    %gt3A_692 = vector.broadcast %gt3A_691 : f32 to vector<1x4332xf32>
    %gt3A_693 = arith.cmpf ogt, %broadcast_in_dim3A_690, %gt3A_692 : vector<1x4332xf32>
    %gt3A_694 = arith.constant 0.000000e+00 : f32
    %gt3A_695 = arith.cmpf ogt, %reduce_max3A_468, %gt3A_694 : f32
    %and3A_696 = vector.broadcast %gt3A_695 : i1 to vector<1x4332xi1>
    %and3A_697 = arith.andi %gt3A_693, %and3A_696 : vector<1x4332xi1>
    %convert_element_type3A_698 = arith.extui %and3A_697 : vector<1x4332xi1> to vector<1x4332xi32>
    %convert_element_type3A_699 = arith.sitofp %convert_element_type3A_698 : vector<1x4332xi32> to vector<1x4332xf32>
    %sub3A_700 = arith.constant 1.000000e+00 : f32
    %sub3A_701 = vector.broadcast %sub3A_700 : f32 to vector<1x4332xf32>
    %sub3A_702 = arith.subf %sub3A_701, %convert_element_type3A_699 : vector<1x4332xf32>
    %sub3A_703 = arith.constant 1.000000e+00 : f32
    %sub3A_704 = vector.broadcast %sub3A_703 : f32 to vector<1x4332xf32>
    %sub3A_705 = arith.subf %sub3A_704, %slice3A_476 : vector<1x4332xf32>
    %log3A_706 = math.log %sub3A_705 : vector<1x4332xf32>
    %max3A_707 = arith.constant -1.000000e+02 : f32
    %max3A_708 = vector.broadcast %max3A_707 : f32 to vector<1x4332xf32>
    %max3A_709 = arith.maximumf %log3A_706, %max3A_708 : vector<1x4332xf32>
    %neg3A_710 = arith.constant 0.000000e+00 : f32
    %neg3A_711 = vector.broadcast %neg3A_710 : f32 to vector<1x4332xf32>
    %neg3A_712 = arith.subf %neg3A_711, %max3A_709 : vector<1x4332xf32>
    %mul3A_713 = arith.mulf %sub3A_702, %neg3A_712 : vector<1x4332xf32>
    %reduce_sum3A_714 = vector.shape_cast %mul3A_713 : vector<1x4332xf32> to vector<1x1x4332xf32>
    %reduce_sum3A_715 = arith.constant dense<0.000000e+00> : vector<1xf32>
    %reduce_sum3A_716 = vector.multi_reduction <add>, %reduce_sum3A_714, %reduce_sum3A_715 [1, 2] : vector<1x1x4332xf32> to vector<1xf32>
    %reduce_sum3A_717 = vector.shape_cast %reduce_sum3A_716 : vector<1xf32> to vector<1x1x1xf32>
    %reduce_sum3A_718 = vector.extract %reduce_sum3A_717[0, 0, 0] : f32 from vector<1x1x1xf32>
    %add3A_719 = arith.addf %add3A_349, %reduce_sum3A_718 : f32
    %get3A_720 = arith.constant 4 : index
    %get3A_721 = arith.constant 0 : index
    %get3A_722 = vector.load %arg5[%get3A_720, %get3A_721] : memref<6x9xf32, #tpu.memory_space<vmem>>, vector<2x9xf32>
    %reduce_sum3A_723 = arith.constant dense<0.000000e+00> : vector<50xf32>
    %reduce_sum3A_724 = vector.multi_reduction <add>, %get3A_3, %reduce_sum3A_723 [1] : vector<50x5xf32> to vector<50xf32>
    %gt3A_725 = arith.constant 0.000000e+00 : f32
    %gt3A_726 = vector.broadcast %gt3A_725 : f32 to vector<50xf32>
    %gt3A_727 = arith.cmpf ogt, %reduce_sum3A_724, %gt3A_726 : vector<50xf32>
    %convert_element_type3A_728 = arith.extui %gt3A_727 : vector<50xi1> to vector<50xi32>
    %convert_element_type3A_729 = arith.sitofp %convert_element_type3A_728 : vector<50xi32> to vector<50xf32>
    %reduce_sum3A_730 = vector.shape_cast %convert_element_type3A_729 : vector<50xf32> to vector<1x50xf32>
    %reduce_sum3A_731 = arith.constant dense<0.000000e+00> : vector<1xf32>
    %reduce_sum3A_732 = vector.multi_reduction <add>, %reduce_sum3A_730, %reduce_sum3A_731 [1] : vector<1x50xf32> to vector<1xf32>
    %reduce_sum3A_733 = vector.shape_cast %reduce_sum3A_732 : vector<1xf32> to vector<1x1xf32>
    %reduce_sum3A_734 = vector.extract %reduce_sum3A_733[0, 0] : f32 from vector<1x1xf32>
    %iota3A_735 = tpu.iota {dimensions = array<i32: 0>} : vector<50x1xi32>
    %convert_element_type3A_736 = arith.sitofp %iota3A_735 : vector<50x1xi32> to vector<50x1xf32>
    %lt3A_737 = vector.broadcast %reduce_sum3A_734 : f32 to vector<50x1xf32>
    %lt3A_738 = arith.cmpf olt, %convert_element_type3A_736, %lt3A_737 : vector<50x1xf32>
    %convert_element_type3A_739 = arith.extui %lt3A_738 : vector<50x1xi1> to vector<50x1xi32>
    %convert_element_type3A_740 = arith.sitofp %convert_element_type3A_739 : vector<50x1xi32> to vector<50x1xf32>
    %slice3A_741 = vector.extract_strided_slice %get3A_3 {offsets = [0, 1], sizes = [50, 1], strides = [1, 1]} : vector<50x5xf32> to vector<50x1xf32>
    %mul3A_742 = arith.constant 7.600000e+01 : f32
    %mul3A_743 = vector.broadcast %mul3A_742 : f32 to vector<50x1xf32>
    %mul3A_744 = arith.mulf %slice3A_741, %mul3A_743 : vector<50x1xf32>
    %slice3A_745 = vector.extract_strided_slice %get3A_3 {offsets = [0, 2], sizes = [50, 1], strides = [1, 1]} : vector<50x5xf32> to vector<50x1xf32>
    %mul3A_746 = arith.constant 7.600000e+01 : f32
    %mul3A_747 = vector.broadcast %mul3A_746 : f32 to vector<50x1xf32>
    %mul3A_748 = arith.mulf %slice3A_745, %mul3A_747 : vector<50x1xf32>
    %slice3A_749 = vector.extract_strided_slice %get3A_3 {offsets = [0, 3], sizes = [50, 1], strides = [1, 1]} : vector<50x5xf32> to vector<50x1xf32>
    %mul3A_750 = arith.constant 7.600000e+01 : f32
    %mul3A_751 = vector.broadcast %mul3A_750 : f32 to vector<50x1xf32>
    %mul3A_752 = arith.mulf %slice3A_749, %mul3A_751 : vector<50x1xf32>
    %slice3A_753 = vector.extract_strided_slice %get3A_3 {offsets = [0, 4], sizes = [50, 1], strides = [1, 1]} : vector<50x5xf32> to vector<50x1xf32>
    %mul3A_754 = arith.constant 7.600000e+01 : f32
    %mul3A_755 = vector.broadcast %mul3A_754 : f32 to vector<50x1xf32>
    %mul3A_756 = arith.mulf %slice3A_753, %mul3A_755 : vector<50x1xf32>
    %slice3A_757 = vector.extract_strided_slice %get3A_722 {offsets = [0, 0], sizes = [1, 9], strides = [1, 1]} : vector<2x9xf32> to vector<1x9xf32>
    %slice3A_758 = vector.extract_strided_slice %get3A_722 {offsets = [1, 0], sizes = [1, 9], strides = [1, 1]} : vector<2x9xf32> to vector<1x9xf32>
    %min3A_759 = vector.broadcast %mul3A_752 : vector<50x1xf32> to vector<50x9xf32>
    %min3A_760 = vector.broadcast %slice3A_757 : vector<1x9xf32> to vector<50x9xf32>
    %min3A_761 = arith.minimumf %min3A_759, %min3A_760 : vector<50x9xf32>
    %min3A_762 = vector.broadcast %mul3A_756 : vector<50x1xf32> to vector<50x9xf32>
    %min3A_763 = vector.broadcast %slice3A_758 : vector<1x9xf32> to vector<50x9xf32>
    %min3A_764 = arith.minimumf %min3A_762, %min3A_763 : vector<50x9xf32>
    %gt3A_765 = arith.constant 0.000000e+00 : f32
    %gt3A_766 = vector.broadcast %gt3A_765 : f32 to vector<50x9xf32>
    %gt3A_767 = arith.cmpf ogt, %min3A_761, %gt3A_766 : vector<50x9xf32>
    %gt3A_768 = arith.constant 0.000000e+00 : f32
    %gt3A_769 = vector.broadcast %gt3A_768 : f32 to vector<50x9xf32>
    %gt3A_770 = arith.cmpf ogt, %min3A_764, %gt3A_769 : vector<50x9xf32>
    %and3A_771 = arith.andi %gt3A_767, %gt3A_770 : vector<50x9xi1>
    %convert_element_type3A_772 = arith.extui %and3A_771 : vector<50x9xi1> to vector<50x9xi32>
    %convert_element_type3A_773 = arith.sitofp %convert_element_type3A_772 : vector<50x9xi32> to vector<50x9xf32>
    %mul3A_774 = arith.mulf %min3A_761, %min3A_764 : vector<50x9xf32>
    %mul3A_775 = arith.mulf %mul3A_774, %convert_element_type3A_773 : vector<50x9xf32>
    %mul3A_776 = arith.mulf %mul3A_752, %mul3A_756 : vector<50x1xf32>
    %mul3A_777 = arith.mulf %slice3A_757, %slice3A_758 : vector<1x9xf32>
    %add3A_778 = vector.broadcast %mul3A_776 : vector<50x1xf32> to vector<50x9xf32>
    %add3A_779 = vector.broadcast %mul3A_777 : vector<1x9xf32> to vector<50x9xf32>
    %add3A_780 = arith.addf %add3A_778, %add3A_779 : vector<50x9xf32>
    %sub3A_781 = arith.subf %add3A_780, %mul3A_775 : vector<50x9xf32>
    %div3A_782 = arith.divf %mul3A_775, %sub3A_781 : vector<50x9xf32>
    %reduce_max3A_783 = arith.constant dense<0xFF800000> : vector<50xf32>
    %reduce_max3A_784 = vector.multi_reduction <maximumf>, %div3A_782, %reduce_max3A_783 [1] : vector<50x9xf32> to vector<50xf32>
    %broadcast_in_dim3A_785 = vector.shape_cast %reduce_max3A_784 : vector<50xf32> to vector<50x1xf32>
    %iota3A_786 = tpu.iota {dimensions = array<i32: 1>} : vector<50x9xi32>
    %eq3A_787 = vector.broadcast %broadcast_in_dim3A_785 : vector<50x1xf32> to vector<50x9xf32>
    %eq3A_788 = arith.cmpf oeq, %div3A_782, %eq3A_787 : vector<50x9xf32>
    %jit3A_789 = arith.constant 9 : i32
    %broadcast_in_dim3A_790 = vector.broadcast %jit3A_789 : i32 to vector<50x9xi32>
    %select_n3A_791 = arith.select %eq3A_788, %iota3A_786, %broadcast_in_dim3A_790 : vector<50x9xi1>, vector<50x9xi32>
    %reduce_min3A_792 = arith.constant dense<2147483647> : vector<50xi32>
    %reduce_min3A_793 = vector.multi_reduction <minsi>, %select_n3A_791, %reduce_min3A_792 [1] : vector<50x9xi32> to vector<50xi32>
    %broadcast_in_dim3A_794 = vector.shape_cast %reduce_min3A_793 : vector<50xi32> to vector<50x1xi32>
    %jit3A_795 = arith.constant 3 : i32
    %div3A_796 = vector.broadcast %jit3A_795 : i32 to vector<50x1xi32>
    %div3A_797 = arith.divsi %broadcast_in_dim3A_794, %div3A_796 : vector<50x1xi32>
    %sign3A_798 = arith.constant 0 : i32
    %sign3A_799 = vector.broadcast %sign3A_798 : i32 to vector<50x1xi32>
    %sign3A_800 = arith.cmpi sgt, %broadcast_in_dim3A_794, %sign3A_799 : vector<50x1xi32>
    %sign3A_801 = arith.extui %sign3A_800 : vector<50x1xi1> to vector<50x1xi32>
    %sign3A_802 = arith.constant 0 : i32
    %sign3A_803 = vector.broadcast %sign3A_802 : i32 to vector<50x1xi32>
    %sign3A_804 = arith.cmpi slt, %broadcast_in_dim3A_794, %sign3A_803 : vector<50x1xi32>
    %sign3A_805 = arith.extui %sign3A_804 : vector<50x1xi1> to vector<50x1xi32>
    %sign3A_806 = arith.subi %sign3A_801, %sign3A_805 : vector<50x1xi32>
    %sign3A_807 = arith.constant 0 : i32
    %sign3A_808 = arith.cmpi sgt, %jit3A_795, %sign3A_807 : i32
    %sign3A_809 = arith.extui %sign3A_808 : i1 to i32
    %sign3A_810 = arith.constant 0 : i32
    %sign3A_811 = arith.cmpi slt, %jit3A_795, %sign3A_810 : i32
    %sign3A_812 = arith.extui %sign3A_811 : i1 to i32
    %sign3A_813 = arith.subi %sign3A_809, %sign3A_812 : i32
    %ne3A_814 = vector.broadcast %sign3A_813 : i32 to vector<50x1xi32>
    %ne3A_815 = arith.cmpi ne, %sign3A_806, %ne3A_814 : vector<50x1xi32>
    %rem3A_816 = vector.broadcast %jit3A_795 : i32 to vector<50x1xi32>
    %rem3A_817 = arith.remsi %broadcast_in_dim3A_794, %rem3A_816 : vector<50x1xi32>
    %ne3A_818 = arith.constant 0 : i32
    %ne3A_819 = vector.broadcast %ne3A_818 : i32 to vector<50x1xi32>
    %ne3A_820 = arith.cmpi ne, %rem3A_817, %ne3A_819 : vector<50x1xi32>
    %and3A_821 = arith.andi %ne3A_815, %ne3A_820 : vector<50x1xi1>
    %sub3A_822 = arith.constant 1 : i32
    %sub3A_823 = vector.broadcast %sub3A_822 : i32 to vector<50x1xi32>
    %sub3A_824 = arith.subi %div3A_797, %sub3A_823 : vector<50x1xi32>
    %select_n3A_825 = arith.select %and3A_821, %sub3A_824, %div3A_797 : vector<50x1xi1>, vector<50x1xi32>
    %eq3A_826 = arith.constant 0 : i32
    %eq3A_827 = vector.broadcast %eq3A_826 : i32 to vector<50x1xi32>
    %eq3A_828 = arith.cmpi eq, %select_n3A_825, %eq3A_827 : vector<50x1xi32>
    %lt3A_829 = vector.broadcast %reduce_sum3A_734 : f32 to vector<50x1xf32>
    %lt3A_830 = arith.cmpf olt, %convert_element_type3A_736, %lt3A_829 : vector<50x1xf32>
    %and3A_831 = arith.andi %lt3A_830, %eq3A_828 : vector<50x1xi1>
    %convert_element_type3A_832 = arith.extui %and3A_831 : vector<50x1xi1> to vector<50x1xi32>
    %convert_element_type3A_833 = arith.sitofp %convert_element_type3A_832 : vector<50x1xi32> to vector<50x1xf32>
    %reduce_max3A_834 = vector.shape_cast %convert_element_type3A_833 : vector<50x1xf32> to vector<1x50x1xf32>
    %reduce_max3A_835 = arith.constant dense<0xFF800000> : vector<1xf32>
    %reduce_max3A_836 = vector.multi_reduction <maximumf>, %reduce_max3A_834, %reduce_max3A_835 [1, 2] : vector<1x50x1xf32> to vector<1xf32>
    %reduce_max3A_837 = vector.shape_cast %reduce_max3A_836 : vector<1xf32> to vector<1x1x1xf32>
    %reduce_max3A_838 = vector.extract %reduce_max3A_837[0, 0, 0] : f32 from vector<1x1x1xf32>
    %get3A_839 = arith.constant 0 : index
    %get3A_840 = arith.constant 0 : index
    %get3A_841 = arith.constant 0 : index
    %get3A_842 = vector.load %arg3[%get3A_839, %get3A_840, %get3A_841] : memref<1x5x17328xf32, #tpu.memory_space<vmem>>, vector<1x5x17328xf32>
    %get3A_843 = vector.shape_cast %get3A_842 : vector<1x5x17328xf32> to vector<5x17328xf32>
    %slice3A_844 = vector.extract_strided_slice %get3A_843 {offsets = [0, 0], sizes = [1, 17328], strides = [1, 1]} : vector<5x17328xf32> to vector<1x17328xf32>
    %slice3A_845 = vector.extract_strided_slice %get3A_843 {offsets = [1, 0], sizes = [1, 17328], strides = [1, 1]} : vector<5x17328xf32> to vector<1x17328xf32>
    %slice3A_846 = vector.extract_strided_slice %get3A_843 {offsets = [4, 0], sizes = [1, 17328], strides = [1, 1]} : vector<5x17328xf32> to vector<1x17328xf32>
    %iota3A_847 = tpu.iota {dimensions = array<i32: 1>} : vector<1x17328xi32>
    %jit3A_848 = arith.constant 76 : i32
    %eq3A_849 = arith.constant 0 : i32
    %eq3A_850 = arith.cmpi eq, %jit3A_848, %eq3A_849 : i32
    %jit3A_851 = arith.constant 1 : i32
    %select_n3A_852 = arith.select %eq3A_850, %jit3A_851, %jit3A_848 : i32
    %rem3A_853 = vector.broadcast %select_n3A_852 : i32 to vector<1x17328xi32>
    %rem3A_854 = arith.remsi %iota3A_847, %rem3A_853 : vector<1x17328xi32>
    %ne3A_855 = arith.constant 0 : i32
    %ne3A_856 = vector.broadcast %ne3A_855 : i32 to vector<1x17328xi32>
    %ne3A_857 = arith.cmpi ne, %rem3A_854, %ne3A_856 : vector<1x17328xi32>
    %lt3A_858 = arith.constant 0 : i32
    %lt3A_859 = vector.broadcast %lt3A_858 : i32 to vector<1x17328xi32>
    %lt3A_860 = arith.cmpi slt, %rem3A_854, %lt3A_859 : vector<1x17328xi32>
    %lt3A_861 = arith.constant 0 : i32
    %lt3A_862 = arith.cmpi slt, %select_n3A_852, %lt3A_861 : i32
    %ne3A_863 = vector.broadcast %lt3A_862 : i1 to vector<1x17328xi1>
    %ne3A_864 = vector.broadcast %ne3A_863 : vector<1x17328xi1> to vector<1x17328xi1>
    %ne3A_865 = arith.xori %lt3A_860, %ne3A_864 : vector<1x17328xi1>
    %and3A_866 = arith.andi %ne3A_865, %ne3A_857 : vector<1x17328xi1>
    %add3A_867 = vector.broadcast %select_n3A_852 : i32 to vector<1x17328xi32>
    %add3A_868 = arith.addi %rem3A_854, %add3A_867 : vector<1x17328xi32>
    %select_n3A_869 = arith.select %and3A_866, %add3A_868, %rem3A_854 : vector<1x17328xi1>, vector<1x17328xi32>
    %convert_element_type3A_870 = arith.sitofp %select_n3A_869 : vector<1x17328xi32> to vector<1x17328xf32>
    %jit3A_871 = arith.constant 76 : i32
    %div3A_872 = vector.broadcast %jit3A_871 : i32 to vector<1x17328xi32>
    %div3A_873 = arith.divsi %iota3A_847, %div3A_872 : vector<1x17328xi32>
    %sign3A_874 = arith.constant 0 : i32
    %sign3A_875 = vector.broadcast %sign3A_874 : i32 to vector<1x17328xi32>
    %sign3A_876 = arith.cmpi sgt, %iota3A_847, %sign3A_875 : vector<1x17328xi32>
    %sign3A_877 = arith.extui %sign3A_876 : vector<1x17328xi1> to vector<1x17328xi32>
    %sign3A_878 = arith.constant 0 : i32
    %sign3A_879 = vector.broadcast %sign3A_878 : i32 to vector<1x17328xi32>
    %sign3A_880 = arith.cmpi slt, %iota3A_847, %sign3A_879 : vector<1x17328xi32>
    %sign3A_881 = arith.extui %sign3A_880 : vector<1x17328xi1> to vector<1x17328xi32>
    %sign3A_882 = arith.subi %sign3A_877, %sign3A_881 : vector<1x17328xi32>
    %sign3A_883 = arith.constant 0 : i32
    %sign3A_884 = arith.cmpi sgt, %jit3A_871, %sign3A_883 : i32
    %sign3A_885 = arith.extui %sign3A_884 : i1 to i32
    %sign3A_886 = arith.constant 0 : i32
    %sign3A_887 = arith.cmpi slt, %jit3A_871, %sign3A_886 : i32
    %sign3A_888 = arith.extui %sign3A_887 : i1 to i32
    %sign3A_889 = arith.subi %sign3A_885, %sign3A_888 : i32
    %ne3A_890 = vector.broadcast %sign3A_889 : i32 to vector<1x17328xi32>
    %ne3A_891 = arith.cmpi ne, %sign3A_882, %ne3A_890 : vector<1x17328xi32>
    %rem3A_892 = vector.broadcast %jit3A_871 : i32 to vector<1x17328xi32>
    %rem3A_893 = arith.remsi %iota3A_847, %rem3A_892 : vector<1x17328xi32>
    %ne3A_894 = arith.constant 0 : i32
    %ne3A_895 = vector.broadcast %ne3A_894 : i32 to vector<1x17328xi32>
    %ne3A_896 = arith.cmpi ne, %rem3A_893, %ne3A_895 : vector<1x17328xi32>
    %and3A_897 = arith.andi %ne3A_891, %ne3A_896 : vector<1x17328xi1>
    %sub3A_898 = arith.constant 1 : i32
    %sub3A_899 = vector.broadcast %sub3A_898 : i32 to vector<1x17328xi32>
    %sub3A_900 = arith.subi %div3A_873, %sub3A_899 : vector<1x17328xi32>
    %select_n3A_901 = arith.select %and3A_897, %sub3A_900, %div3A_873 : vector<1x17328xi1>, vector<1x17328xi32>
    %jit3A_902 = arith.constant 76 : i32
    %eq3A_903 = arith.constant 0 : i32
    %eq3A_904 = arith.cmpi eq, %jit3A_902, %eq3A_903 : i32
    %jit3A_905 = arith.constant 1 : i32
    %select_n3A_906 = arith.select %eq3A_904, %jit3A_905, %jit3A_902 : i32
    %rem3A_907 = vector.broadcast %select_n3A_906 : i32 to vector<1x17328xi32>
    %rem3A_908 = arith.remsi %select_n3A_901, %rem3A_907 : vector<1x17328xi32>
    %ne3A_909 = arith.constant 0 : i32
    %ne3A_910 = vector.broadcast %ne3A_909 : i32 to vector<1x17328xi32>
    %ne3A_911 = arith.cmpi ne, %rem3A_908, %ne3A_910 : vector<1x17328xi32>
    %lt3A_912 = arith.constant 0 : i32
    %lt3A_913 = vector.broadcast %lt3A_912 : i32 to vector<1x17328xi32>
    %lt3A_914 = arith.cmpi slt, %rem3A_908, %lt3A_913 : vector<1x17328xi32>
    %lt3A_915 = arith.constant 0 : i32
    %lt3A_916 = arith.cmpi slt, %select_n3A_906, %lt3A_915 : i32
    %ne3A_917 = vector.broadcast %lt3A_916 : i1 to vector<1x17328xi1>
    %ne3A_918 = vector.broadcast %ne3A_917 : vector<1x17328xi1> to vector<1x17328xi1>
    %ne3A_919 = arith.xori %lt3A_914, %ne3A_918 : vector<1x17328xi1>
    %and3A_920 = arith.andi %ne3A_919, %ne3A_911 : vector<1x17328xi1>
    %add3A_921 = vector.broadcast %select_n3A_906 : i32 to vector<1x17328xi32>
    %add3A_922 = arith.addi %rem3A_908, %add3A_921 : vector<1x17328xi32>
    %select_n3A_923 = arith.select %and3A_920, %add3A_922, %rem3A_908 : vector<1x17328xi1>, vector<1x17328xi32>
    %convert_element_type3A_924 = arith.sitofp %select_n3A_923 : vector<1x17328xi32> to vector<1x17328xf32>
    %jit3A_925 = arith.constant 5776 : i32
    %div3A_926 = vector.broadcast %jit3A_925 : i32 to vector<1x17328xi32>
    %div3A_927 = arith.divsi %iota3A_847, %div3A_926 : vector<1x17328xi32>
    %sign3A_928 = arith.constant 0 : i32
    %sign3A_929 = vector.broadcast %sign3A_928 : i32 to vector<1x17328xi32>
    %sign3A_930 = arith.cmpi sgt, %iota3A_847, %sign3A_929 : vector<1x17328xi32>
    %sign3A_931 = arith.extui %sign3A_930 : vector<1x17328xi1> to vector<1x17328xi32>
    %sign3A_932 = arith.constant 0 : i32
    %sign3A_933 = vector.broadcast %sign3A_932 : i32 to vector<1x17328xi32>
    %sign3A_934 = arith.cmpi slt, %iota3A_847, %sign3A_933 : vector<1x17328xi32>
    %sign3A_935 = arith.extui %sign3A_934 : vector<1x17328xi1> to vector<1x17328xi32>
    %sign3A_936 = arith.subi %sign3A_931, %sign3A_935 : vector<1x17328xi32>
    %sign3A_937 = arith.constant 0 : i32
    %sign3A_938 = arith.cmpi sgt, %jit3A_925, %sign3A_937 : i32
    %sign3A_939 = arith.extui %sign3A_938 : i1 to i32
    %sign3A_940 = arith.constant 0 : i32
    %sign3A_941 = arith.cmpi slt, %jit3A_925, %sign3A_940 : i32
    %sign3A_942 = arith.extui %sign3A_941 : i1 to i32
    %sign3A_943 = arith.subi %sign3A_939, %sign3A_942 : i32
    %ne3A_944 = vector.broadcast %sign3A_943 : i32 to vector<1x17328xi32>
    %ne3A_945 = arith.cmpi ne, %sign3A_936, %ne3A_944 : vector<1x17328xi32>
    %rem3A_946 = vector.broadcast %jit3A_925 : i32 to vector<1x17328xi32>
    %rem3A_947 = arith.remsi %iota3A_847, %rem3A_946 : vector<1x17328xi32>
    %ne3A_948 = arith.constant 0 : i32
    %ne3A_949 = vector.broadcast %ne3A_948 : i32 to vector<1x17328xi32>
    %ne3A_950 = arith.cmpi ne, %rem3A_947, %ne3A_949 : vector<1x17328xi32>
    %and3A_951 = arith.andi %ne3A_945, %ne3A_950 : vector<1x17328xi1>
    %sub3A_952 = arith.constant 1 : i32
    %sub3A_953 = vector.broadcast %sub3A_952 : i32 to vector<1x17328xi32>
    %sub3A_954 = arith.subi %div3A_927, %sub3A_953 : vector<1x17328xi32>
    %select_n3A_955 = arith.select %and3A_951, %sub3A_954, %div3A_927 : vector<1x17328xi1>, vector<1x17328xi32>
    %eq3A_956 = arith.constant 2 : i32
    %eq3A_957 = vector.broadcast %eq3A_956 : i32 to vector<1x17328xi32>
    %eq3A_958 = arith.cmpi eq, %select_n3A_955, %eq3A_957 : vector<1x17328xi32>
    %eq3A_959 = arith.constant 1 : i32
    %eq3A_960 = vector.broadcast %eq3A_959 : i32 to vector<1x17328xi32>
    %eq3A_961 = arith.cmpi eq, %select_n3A_955, %eq3A_960 : vector<1x17328xi32>
    %jit3A_962 = arith.constant 2.000000e+00 : f32
    %jit3A_963 = arith.constant 1.250000e+00 : f32
    %broadcast_in_dim3A_964 = vector.broadcast %jit3A_962 : f32 to vector<1x17328xf32>
    %broadcast_in_dim3A_965 = vector.broadcast %jit3A_963 : f32 to vector<1x17328xf32>
    %select_n3A_966 = arith.select %eq3A_961, %broadcast_in_dim3A_964, %broadcast_in_dim3A_965 : vector<1x17328xi1>, vector<1x17328xf32>
    %jit3A_967 = arith.constant 4.125000e+00 : f32
    %broadcast_in_dim3A_968 = vector.broadcast %jit3A_967 : f32 to vector<1x17328xf32>
    %select_n3A_969 = arith.select %eq3A_958, %broadcast_in_dim3A_968, %select_n3A_966 : vector<1x17328xi1>, vector<1x17328xf32>
    %eq3A_970 = arith.constant 2 : i32
    %eq3A_971 = vector.broadcast %eq3A_970 : i32 to vector<1x17328xi32>
    %eq3A_972 = arith.cmpi eq, %select_n3A_955, %eq3A_971 : vector<1x17328xi32>
    %eq3A_973 = arith.constant 1 : i32
    %eq3A_974 = vector.broadcast %eq3A_973 : i32 to vector<1x17328xi32>
    %eq3A_975 = arith.cmpi eq, %select_n3A_955, %eq3A_974 : vector<1x17328xi32>
    %jit3A_976 = arith.constant 3.750000e+00 : f32
    %jit3A_977 = arith.constant 1.625000e+00 : f32
    %broadcast_in_dim3A_978 = vector.broadcast %jit3A_976 : f32 to vector<1x17328xf32>
    %broadcast_in_dim3A_979 = vector.broadcast %jit3A_977 : f32 to vector<1x17328xf32>
    %select_n3A_980 = arith.select %eq3A_975, %broadcast_in_dim3A_978, %broadcast_in_dim3A_979 : vector<1x17328xi1>, vector<1x17328xf32>
    %jit3A_981 = arith.constant 2.875000e+00 : f32
    %broadcast_in_dim3A_982 = vector.broadcast %jit3A_981 : f32 to vector<1x17328xf32>
    %select_n3A_983 = arith.select %eq3A_972, %broadcast_in_dim3A_982, %select_n3A_980 : vector<1x17328xi1>, vector<1x17328xf32>
    %add3A_984 = arith.addf %slice3A_844, %convert_element_type3A_870 : vector<1x17328xf32>
    %add3A_985 = arith.addf %slice3A_845, %convert_element_type3A_924 : vector<1x17328xf32>
    %slice3A_986 = vector.extract_strided_slice %get3A_843 {offsets = [2, 0], sizes = [1, 17328], strides = [1, 1]} : vector<5x17328xf32> to vector<1x17328xf32>
    %exp3A_987 = math.exp %slice3A_986 : vector<1x17328xf32>
    %mul3A_988 = arith.mulf %exp3A_987, %select_n3A_969 : vector<1x17328xf32>
    %slice3A_989 = vector.extract_strided_slice %get3A_843 {offsets = [3, 0], sizes = [1, 17328], strides = [1, 1]} : vector<5x17328xf32> to vector<1x17328xf32>
    %exp3A_990 = math.exp %slice3A_989 : vector<1x17328xf32>
    %mul3A_991 = arith.mulf %exp3A_990, %select_n3A_983 : vector<1x17328xf32>
    %mul3A_992 = arith.constant 5.000000e-01 : f32
    %mul3A_993 = vector.broadcast %mul3A_992 : f32 to vector<1x17328xf32>
    %mul3A_994 = arith.mulf %mul3A_993, %mul3A_988 : vector<1x17328xf32>
    %add3A_995 = arith.addf %add3A_984, %mul3A_994 : vector<1x17328xf32>
    %mul3A_996 = arith.constant 5.000000e-01 : f32
    %mul3A_997 = vector.broadcast %mul3A_996 : f32 to vector<50x1xf32>
    %mul3A_998 = arith.mulf %mul3A_997, %mul3A_752 : vector<50x1xf32>
    %add3A_999 = arith.addf %mul3A_744, %mul3A_998 : vector<50x1xf32>
    %min3A_1000 = vector.broadcast %add3A_995 : vector<1x17328xf32> to vector<50x17328xf32>
    %min3A_1001 = vector.broadcast %add3A_999 : vector<50x1xf32> to vector<50x17328xf32>
    %min3A_1002 = arith.minimumf %min3A_1000, %min3A_1001 : vector<50x17328xf32>
    %mul3A_1003 = arith.constant 5.000000e-01 : f32
    %mul3A_1004 = vector.broadcast %mul3A_1003 : f32 to vector<1x17328xf32>
    %mul3A_1005 = arith.mulf %mul3A_1004, %mul3A_988 : vector<1x17328xf32>
    %sub3A_1006 = arith.subf %add3A_984, %mul3A_1005 : vector<1x17328xf32>
    %mul3A_1007 = arith.constant 5.000000e-01 : f32
    %mul3A_1008 = vector.broadcast %mul3A_1007 : f32 to vector<50x1xf32>
    %mul3A_1009 = arith.mulf %mul3A_1008, %mul3A_752 : vector<50x1xf32>
    %sub3A_1010 = arith.subf %mul3A_744, %mul3A_1009 : vector<50x1xf32>
    %max3A_1011 = vector.broadcast %sub3A_1006 : vector<1x17328xf32> to vector<50x17328xf32>
    %max3A_1012 = vector.broadcast %sub3A_1010 : vector<50x1xf32> to vector<50x17328xf32>
    %max3A_1013 = arith.maximumf %max3A_1011, %max3A_1012 : vector<50x17328xf32>
    %sub3A_1014 = arith.subf %min3A_1002, %max3A_1013 : vector<50x17328xf32>
    %mul3A_1015 = arith.constant 5.000000e-01 : f32
    %mul3A_1016 = vector.broadcast %mul3A_1015 : f32 to vector<1x17328xf32>
    %mul3A_1017 = arith.mulf %mul3A_1016, %mul3A_991 : vector<1x17328xf32>
    %add3A_1018 = arith.addf %add3A_985, %mul3A_1017 : vector<1x17328xf32>
    %mul3A_1019 = arith.constant 5.000000e-01 : f32
    %mul3A_1020 = vector.broadcast %mul3A_1019 : f32 to vector<50x1xf32>
    %mul3A_1021 = arith.mulf %mul3A_1020, %mul3A_756 : vector<50x1xf32>
    %add3A_1022 = arith.addf %mul3A_748, %mul3A_1021 : vector<50x1xf32>
    %min3A_1023 = vector.broadcast %add3A_1018 : vector<1x17328xf32> to vector<50x17328xf32>
    %min3A_1024 = vector.broadcast %add3A_1022 : vector<50x1xf32> to vector<50x17328xf32>
    %min3A_1025 = arith.minimumf %min3A_1023, %min3A_1024 : vector<50x17328xf32>
    %mul3A_1026 = arith.constant 5.000000e-01 : f32
    %mul3A_1027 = vector.broadcast %mul3A_1026 : f32 to vector<1x17328xf32>
    %mul3A_1028 = arith.mulf %mul3A_1027, %mul3A_991 : vector<1x17328xf32>
    %sub3A_1029 = arith.subf %add3A_985, %mul3A_1028 : vector<1x17328xf32>
    %mul3A_1030 = arith.constant 5.000000e-01 : f32
    %mul3A_1031 = vector.broadcast %mul3A_1030 : f32 to vector<50x1xf32>
    %mul3A_1032 = arith.mulf %mul3A_1031, %mul3A_756 : vector<50x1xf32>
    %sub3A_1033 = arith.subf %mul3A_748, %mul3A_1032 : vector<50x1xf32>
    %max3A_1034 = vector.broadcast %sub3A_1029 : vector<1x17328xf32> to vector<50x17328xf32>
    %max3A_1035 = vector.broadcast %sub3A_1033 : vector<50x1xf32> to vector<50x17328xf32>
    %max3A_1036 = arith.maximumf %max3A_1034, %max3A_1035 : vector<50x17328xf32>
    %sub3A_1037 = arith.subf %min3A_1025, %max3A_1036 : vector<50x17328xf32>
    %gt3A_1038 = arith.constant 0.000000e+00 : f32
    %gt3A_1039 = vector.broadcast %gt3A_1038 : f32 to vector<50x17328xf32>
    %gt3A_1040 = arith.cmpf ogt, %sub3A_1014, %gt3A_1039 : vector<50x17328xf32>
    %gt3A_1041 = arith.constant 0.000000e+00 : f32
    %gt3A_1042 = vector.broadcast %gt3A_1041 : f32 to vector<50x17328xf32>
    %gt3A_1043 = arith.cmpf ogt, %sub3A_1037, %gt3A_1042 : vector<50x17328xf32>
    %and3A_1044 = arith.andi %gt3A_1040, %gt3A_1043 : vector<50x17328xi1>
    %convert_element_type3A_1045 = arith.extui %and3A_1044 : vector<50x17328xi1> to vector<50x17328xi32>
    %convert_element_type3A_1046 = arith.sitofp %convert_element_type3A_1045 : vector<50x17328xi32> to vector<50x17328xf32>
    %mul3A_1047 = arith.mulf %sub3A_1014, %sub3A_1037 : vector<50x17328xf32>
    %mul3A_1048 = arith.mulf %mul3A_1047, %convert_element_type3A_1046 : vector<50x17328xf32>
    %mul3A_1049 = arith.mulf %mul3A_988, %mul3A_991 : vector<1x17328xf32>
    %mul3A_1050 = arith.mulf %mul3A_752, %mul3A_756 : vector<50x1xf32>
    %add3A_1051 = vector.broadcast %mul3A_1049 : vector<1x17328xf32> to vector<50x17328xf32>
    %add3A_1052 = vector.broadcast %mul3A_1050 : vector<50x1xf32> to vector<50x17328xf32>
    %add3A_1053 = arith.addf %add3A_1051, %add3A_1052 : vector<50x17328xf32>
    %sub3A_1054 = arith.subf %add3A_1053, %mul3A_1048 : vector<50x17328xf32>
    %div3A_1055 = arith.divf %mul3A_1048, %sub3A_1054 : vector<50x17328xf32>
    %mul3A_1056 = vector.broadcast %convert_element_type3A_740 : vector<50x1xf32> to vector<50x17328xf32>
    %mul3A_1057 = arith.mulf %div3A_1055, %mul3A_1056 : vector<50x17328xf32>
    %reduce_max3A_1058 = arith.constant dense<0xFF800000> : vector<17328xf32>
    %reduce_max3A_1059 = vector.multi_reduction <maximumf>, %mul3A_1057, %reduce_max3A_1058 [0] : vector<50x17328xf32> to vector<17328xf32>
    %broadcast_in_dim3A_1060 = vector.shape_cast %reduce_max3A_1059 : vector<17328xf32> to vector<1x17328xf32>
    %gt3A_1061 = arith.constant 0.699999988 : f32
    %gt3A_1062 = vector.broadcast %gt3A_1061 : f32 to vector<1x17328xf32>
    %gt3A_1063 = arith.cmpf ogt, %broadcast_in_dim3A_1060, %gt3A_1062 : vector<1x17328xf32>
    %gt3A_1064 = arith.constant 0.000000e+00 : f32
    %gt3A_1065 = arith.cmpf ogt, %reduce_max3A_838, %gt3A_1064 : f32
    %and3A_1066 = vector.broadcast %gt3A_1065 : i1 to vector<1x17328xi1>
    %and3A_1067 = arith.andi %gt3A_1063, %and3A_1066 : vector<1x17328xi1>
    %convert_element_type3A_1068 = arith.extui %and3A_1067 : vector<1x17328xi1> to vector<1x17328xi32>
    %convert_element_type3A_1069 = arith.sitofp %convert_element_type3A_1068 : vector<1x17328xi32> to vector<1x17328xf32>
    %sub3A_1070 = arith.constant 1.000000e+00 : f32
    %sub3A_1071 = vector.broadcast %sub3A_1070 : f32 to vector<1x17328xf32>
    %sub3A_1072 = arith.subf %sub3A_1071, %convert_element_type3A_1069 : vector<1x17328xf32>
    %sub3A_1073 = arith.constant 1.000000e+00 : f32
    %sub3A_1074 = vector.broadcast %sub3A_1073 : f32 to vector<1x17328xf32>
    %sub3A_1075 = arith.subf %sub3A_1074, %slice3A_846 : vector<1x17328xf32>
    %log3A_1076 = math.log %sub3A_1075 : vector<1x17328xf32>
    %max3A_1077 = arith.constant -1.000000e+02 : f32
    %max3A_1078 = vector.broadcast %max3A_1077 : f32 to vector<1x17328xf32>
    %max3A_1079 = arith.maximumf %log3A_1076, %max3A_1078 : vector<1x17328xf32>
    %neg3A_1080 = arith.constant 0.000000e+00 : f32
    %neg3A_1081 = vector.broadcast %neg3A_1080 : f32 to vector<1x17328xf32>
    %neg3A_1082 = arith.subf %neg3A_1081, %max3A_1079 : vector<1x17328xf32>
    %mul3A_1083 = arith.mulf %sub3A_1072, %neg3A_1082 : vector<1x17328xf32>
    %reduce_sum3A_1084 = vector.shape_cast %mul3A_1083 : vector<1x17328xf32> to vector<1x1x17328xf32>
    %reduce_sum3A_1085 = arith.constant dense<0.000000e+00> : vector<1xf32>
    %reduce_sum3A_1086 = vector.multi_reduction <add>, %reduce_sum3A_1084, %reduce_sum3A_1085 [1, 2] : vector<1x1x17328xf32> to vector<1xf32>
    %reduce_sum3A_1087 = vector.shape_cast %reduce_sum3A_1086 : vector<1xf32> to vector<1x1x1xf32>
    %reduce_sum3A_1088 = vector.extract %reduce_sum3A_1087[0, 0, 0] : f32 from vector<1x1x1xf32>
    %add3A_1089 = arith.addf %add3A_719, %reduce_sum3A_1088 : f32
    %eq3A_1090 = arith.constant 0 : i32
    %eq3A_1091 = arith.cmpi eq, %arg0, %eq3A_1090 : i32
    %convert_element_type3A_1092 = arith.extui %eq3A_1091 : i1 to i32
    %cond3A = arith.constant 0 : i32
    %cond3A_1093 = arith.cmpi ne, %convert_element_type3A_1092, %cond3A : i32
    scf.if %cond3A_1093 {
      %broadcast_in_dim3A_1101 = arith.constant 0.000000e+00 : f32
      %broadcast_in_dim3A_1102 = vector.broadcast %broadcast_in_dim3A_1101 : f32 to vector<1x1xf32>
      %swap3A_1103 = arith.constant 0 : index
      %swap3A_1104 = arith.constant 0 : index
      %swap3A_1105 = vector.load %arg6[%swap3A_1103, %swap3A_1104] : memref<1x1xf32, #tpu.memory_space<vmem>>, vector<1x1xf32>
      tpu.vector_store %arg6[%swap3A_1103, %swap3A_1104], %broadcast_in_dim3A_1102 {strides = array<i32>} : memref<1x1xf32, #tpu.memory_space<vmem>>, vector<1x1xf32>,
    } else {
    }
    %get3A_1094 = arith.constant 0 : index
    %get3A_1095 = arith.constant 0 : index
    %get3A_1096 = vector.load %arg6[%get3A_1094, %get3A_1095] : memref<1x1xf32, #tpu.memory_space<vmem>>, vector<1x1xf32>
    %add3A_1097 = vector.broadcast %add3A_1089 : f32 to vector<1x1xf32>
    %add3A_1098 = arith.addf %get3A_1096, %add3A_1097 : vector<1x1xf32>
    %swap3A = arith.constant 0 : index
    %swap3A_1099 = arith.constant 0 : index
    %swap3A_1100 = vector.load %arg6[%swap3A, %swap3A_1099] : memref<1x1xf32, #tpu.memory_space<vmem>>, vector<1x1xf32>
    tpu.vector_store %arg6[%swap3A, %swap3A_1099], %add3A_1098 {strides = array<i32>} : memref<1x1xf32, #tpu.memory_space<vmem>>, vector<1x1xf32>,
    return
  }
  func.func @transform_0(%arg0: i32) -> (i32, i32, i32) {
    %c0_i32 = arith.constant 0 : i32
    %c0_i32_0 = arith.constant 0 : i32
    %c0_i32_1 = arith.constant 0 : i32
    return %arg0, %c0_i32, %c0_i32_0 : i32, i32, i32
  }
  func.func @transform_1(%arg0: i32) -> (i32, i32, i32) {
    %c0_i32 = arith.constant 0 : i32
    %c0_i32_0 = arith.constant 0 : i32
    %c0_i32_1 = arith.constant 0 : i32
    return %arg0, %c0_i32, %c0_i32_0 : i32, i32, i32
  }
  func.func @transform_2(%arg0: i32) -> (i32, i32, i32) {
    %c0_i32 = arith.constant 0 : i32
    %c0_i32_0 = arith.constant 0 : i32
    %c0_i32_1 = arith.constant 0 : i32
    return %arg0, %c0_i32, %c0_i32_0 : i32, i32, i32
  }
  func.func @transform_3(%arg0: i32) -> (i32, i32, i32) {
    %c0_i32 = arith.constant 0 : i32
    %c0_i32_0 = arith.constant 0 : i32
    %c0_i32_1 = arith.constant 0 : i32
    return %arg0, %c0_i32, %c0_i32_0 : i32, i32, i32
  }
  func.func @transform_4(%arg0: i32) -> (i32, i32) {
    %c0_i32 = arith.constant 0 : i32
    %c0_i32_0 = arith.constant 0 : i32
    %c0_i32_1 = arith.constant 0 : i32
    return %c0_i32, %c0_i32_0 : i32, i32
  }
  func.func @transform_5(%arg0: i32) -> (i32, i32) {
    %c0_i32 = arith.constant 0 : i32
    %c0_i32_0 = arith.constant 0 : i32
    %c0_i32_1 = arith.constant 0 : i32
    return %c0_i32, %c0_i32_0 : i32, i32
  }
}

module attributes {stable_mosaic.version = 14 : i64} {
  func.func @_sparse_body(%arg0: i32, %arg1: memref<1x64x85xf32, #tpu.memory_space<vmem>>, %arg2: memref<1x64x85xf32, #tpu.memory_space<vmem>>, %arg3: memref<1x64x85xf32, #tpu.memory_space<vmem>>, %arg4: memref<1x3x64x24xf32, #tpu.memory_space<vmem>>, %arg5: memref<1x1xf32, #tpu.memory_space<vmem>>) attributes {dimension_semantics = [#tpu.dimension_semantics<arbitrary>], iteration_bounds = array<i64: 8>, scalar_prefetch = 0 : i64, scratch_operands = 0 : i64, tpu.core_type = #tpu.core_type<tc>, window_params = [{transform_indices = @transform_0, window_bounds = array<i64: 1, 64, 85>}, {transform_indices = @transform_1, window_bounds = array<i64: 1, 64, 85>}, {transform_indices = @transform_2, window_bounds = array<i64: 1, 64, 85>}, {transform_indices = @transform_3, window_bounds = array<i64: 1, 3, 64, 24>}, {pipeline_mode = #tpu.pipeline_mode<synchronous>, transform_indices = @transform_4, window_bounds = array<i64: 1, 1>}]} {
    %iota3A = tpu.iota {dimensions = array<i32: 0>} : vector<64x64xi32>
    %iota3A_0 = tpu.iota {dimensions = array<i32: 1>} : vector<64x64xi32>
    %eq3A = arith.cmpi eq, %iota3A, %iota3A_0 : vector<64x64xi32>
    %convert_element_type3A = arith.extui %eq3A : vector<64x64xi1> to vector<64x64xi32>
    %convert_element_type3A_1 = arith.sitofp %convert_element_type3A : vector<64x64xi32> to vector<64x64xf32>
    %iota3A_2 = tpu.iota {dimensions = array<i32: 1>} : vector<1x80xi32>
    %convert_element_type3A_3 = arith.sitofp %iota3A_2 : vector<1x80xi32> to vector<1x80xf32>
    %get3A = arith.constant 0 : index
    %get3A_4 = arith.constant 0 : index
    %get3A_5 = arith.constant 0 : index
    %get3A_6 = vector.load %arg1[%get3A, %get3A_4, %get3A_5] : memref<1x64x85xf32, #tpu.memory_space<vmem>>, vector<1x64x85xf32>
    %get3A_7 = vector.shape_cast %get3A_6 : vector<1x64x85xf32> to vector<64x85xf32>
    %get3A_8 = arith.constant 0 : index
    %get3A_9 = arith.constant 0 : index
    %get3A_10 = arith.constant 0 : index
    %get3A_11 = arith.constant 0 : index
    %get3A_12 = vector.load %arg4[%get3A_8, %get3A_9, %get3A_10, %get3A_11] : memref<1x3x64x24xf32, #tpu.memory_space<vmem>>, vector<1x1x64x24xf32>
    %get3A_13 = vector.shape_cast %get3A_12 : vector<1x1x64x24xf32> to vector<64x24xf32>
    %slice3A = vector.extract_strided_slice %get3A_13 {offsets = [0, 0], sizes = [64, 1], strides = [1, 1]} : vector<64x24xf32> to vector<64x1xf32>
    %slice3A_14 = vector.extract_strided_slice %get3A_13 {offsets = [0, 1], sizes = [64, 1], strides = [1, 1]} : vector<64x24xf32> to vector<64x1xf32>
    %slice3A_15 = vector.extract_strided_slice %get3A_13 {offsets = [0, 2], sizes = [64, 1], strides = [1, 1]} : vector<64x24xf32> to vector<64x1xf32>
    %slice3A_16 = vector.extract_strided_slice %get3A_13 {offsets = [0, 3], sizes = [64, 1], strides = [1, 1]} : vector<64x24xf32> to vector<64x1xf32>
    %slice3A_17 = vector.extract_strided_slice %get3A_13 {offsets = [0, 4], sizes = [64, 1], strides = [1, 1]} : vector<64x24xf32> to vector<64x1xf32>
    %slice3A_18 = vector.extract_strided_slice %get3A_13 {offsets = [0, 5], sizes = [64, 1], strides = [1, 1]} : vector<64x24xf32> to vector<64x1xf32>
    %slice3A_19 = vector.extract_strided_slice %get3A_13 {offsets = [0, 6], sizes = [64, 1], strides = [1, 1]} : vector<64x24xf32> to vector<64x1xf32>
    %slice3A_20 = vector.extract_strided_slice %get3A_13 {offsets = [0, 16], sizes = [64, 1], strides = [1, 1]} : vector<64x24xf32> to vector<64x1xf32>
    %slice3A_21 = vector.extract_strided_slice %get3A_7 {offsets = [0, 0], sizes = [64, 1], strides = [1, 1]} : vector<64x85xf32> to vector<64x1xf32>
    %slice3A_22 = vector.extract_strided_slice %get3A_7 {offsets = [0, 1], sizes = [64, 1], strides = [1, 1]} : vector<64x85xf32> to vector<64x1xf32>
    %slice3A_23 = vector.extract_strided_slice %get3A_7 {offsets = [0, 2], sizes = [64, 1], strides = [1, 1]} : vector<64x85xf32> to vector<64x1xf32>
    %slice3A_24 = vector.extract_strided_slice %get3A_7 {offsets = [0, 3], sizes = [64, 1], strides = [1, 1]} : vector<64x85xf32> to vector<64x1xf32>
    %slice3A_25 = vector.extract_strided_slice %get3A_7 {offsets = [0, 4], sizes = [64, 1], strides = [1, 1]} : vector<64x85xf32> to vector<64x1xf32>
    %slice3A_26 = vector.extract_strided_slice %get3A_13 {offsets = [0, 12], sizes = [64, 1], strides = [1, 1]} : vector<64x24xf32> to vector<64x1xf32>
    %add3A = arith.addf %slice3A_21, %slice3A_26 : vector<64x1xf32>
    %slice3A_27 = vector.extract_strided_slice %get3A_13 {offsets = [0, 13], sizes = [64, 1], strides = [1, 1]} : vector<64x24xf32> to vector<64x1xf32>
    %add3A_28 = arith.addf %slice3A_22, %slice3A_27 : vector<64x1xf32>
    %exp3A = math.exp %slice3A_23 : vector<64x1xf32>
    %slice3A_29 = vector.extract_strided_slice %get3A_13 {offsets = [0, 14], sizes = [64, 1], strides = [1, 1]} : vector<64x24xf32> to vector<64x1xf32>
    %mul3A = arith.mulf %exp3A, %slice3A_29 : vector<64x1xf32>
    %exp3A_30 = math.exp %slice3A_24 : vector<64x1xf32>
    %slice3A_31 = vector.extract_strided_slice %get3A_13 {offsets = [0, 15], sizes = [64, 1], strides = [1, 1]} : vector<64x24xf32> to vector<64x1xf32>
    %mul3A_32 = arith.mulf %exp3A_30, %slice3A_31 : vector<64x1xf32>
    %slice3A_33 = vector.extract_strided_slice %get3A_13 {offsets = [0, 8], sizes = [64, 1], strides = [1, 1]} : vector<64x24xf32> to vector<64x1xf32>
    %mul3A_34 = vector.broadcast %slice3A_33 : vector<64x1xf32> to vector<64x64xf32>
    %mul3A_35 = arith.mulf %convert_element_type3A_1, %mul3A_34 : vector<64x64xf32>
    %reduce_sum3A = arith.constant dense<0.000000e+00> : vector<64xf32>
    %reduce_sum3A_36 = vector.multi_reduction <add>, %mul3A_35, %reduce_sum3A [0] : vector<64x64xf32> to vector<64xf32>
    %broadcast_in_dim3A = vector.shape_cast %reduce_sum3A_36 : vector<64xf32> to vector<1x64xf32>
    %slice3A_37 = vector.extract_strided_slice %get3A_13 {offsets = [0, 9], sizes = [64, 1], strides = [1, 1]} : vector<64x24xf32> to vector<64x1xf32>
    %mul3A_38 = vector.broadcast %slice3A_37 : vector<64x1xf32> to vector<64x64xf32>
    %mul3A_39 = arith.mulf %convert_element_type3A_1, %mul3A_38 : vector<64x64xf32>
    %reduce_sum3A_40 = arith.constant dense<0.000000e+00> : vector<64xf32>
    %reduce_sum3A_41 = vector.multi_reduction <add>, %mul3A_39, %reduce_sum3A_40 [0] : vector<64x64xf32> to vector<64xf32>
    %broadcast_in_dim3A_42 = vector.shape_cast %reduce_sum3A_41 : vector<64xf32> to vector<1x64xf32>
    %slice3A_43 = vector.extract_strided_slice %get3A_13 {offsets = [0, 10], sizes = [64, 1], strides = [1, 1]} : vector<64x24xf32> to vector<64x1xf32>
    %mul3A_44 = vector.broadcast %slice3A_43 : vector<64x1xf32> to vector<64x64xf32>
    %mul3A_45 = arith.mulf %convert_element_type3A_1, %mul3A_44 : vector<64x64xf32>
    %reduce_sum3A_46 = arith.constant dense<0.000000e+00> : vector<64xf32>
    %reduce_sum3A_47 = vector.multi_reduction <add>, %mul3A_45, %reduce_sum3A_46 [0] : vector<64x64xf32> to vector<64xf32>
    %broadcast_in_dim3A_48 = vector.shape_cast %reduce_sum3A_47 : vector<64xf32> to vector<1x64xf32>
    %slice3A_49 = vector.extract_strided_slice %get3A_13 {offsets = [0, 11], sizes = [64, 1], strides = [1, 1]} : vector<64x24xf32> to vector<64x1xf32>
    %mul3A_50 = vector.broadcast %slice3A_49 : vector<64x1xf32> to vector<64x64xf32>
    %mul3A_51 = arith.mulf %convert_element_type3A_1, %mul3A_50 : vector<64x64xf32>
    %reduce_sum3A_52 = arith.constant dense<0.000000e+00> : vector<64xf32>
    %reduce_sum3A_53 = vector.multi_reduction <add>, %mul3A_51, %reduce_sum3A_52 [0] : vector<64x64xf32> to vector<64xf32>
    %broadcast_in_dim3A_54 = vector.shape_cast %reduce_sum3A_53 : vector<64xf32> to vector<1x64xf32>
    %slice3A_55 = vector.extract_strided_slice %get3A_13 {offsets = [0, 7], sizes = [64, 1], strides = [1, 1]} : vector<64x24xf32> to vector<64x1xf32>
    %mul3A_56 = vector.broadcast %slice3A_55 : vector<64x1xf32> to vector<64x64xf32>
    %mul3A_57 = arith.mulf %convert_element_type3A_1, %mul3A_56 : vector<64x64xf32>
    %reduce_sum3A_58 = arith.constant dense<0.000000e+00> : vector<64xf32>
    %reduce_sum3A_59 = vector.multi_reduction <add>, %mul3A_57, %reduce_sum3A_58 [0] : vector<64x64xf32> to vector<64xf32>
    %broadcast_in_dim3A_60 = vector.shape_cast %reduce_sum3A_59 : vector<64xf32> to vector<1x64xf32>
    %mul3A_61 = arith.constant 5.000000e-01 : f32
    %mul3A_62 = vector.broadcast %mul3A_61 : f32 to vector<64x1xf32>
    %mul3A_63 = arith.mulf %mul3A_62, %mul3A : vector<64x1xf32>
    %add3A_64 = arith.addf %add3A, %mul3A_63 : vector<64x1xf32>
    %mul3A_65 = arith.constant 5.000000e-01 : f32
    %mul3A_66 = vector.broadcast %mul3A_65 : f32 to vector<1x64xf32>
    %mul3A_67 = arith.mulf %mul3A_66, %broadcast_in_dim3A_48 : vector<1x64xf32>
    %add3A_68 = arith.addf %broadcast_in_dim3A, %mul3A_67 : vector<1x64xf32>
    %min3A = vector.broadcast %add3A_64 : vector<64x1xf32> to vector<64x64xf32>
    %min3A_69 = vector.broadcast %add3A_68 : vector<1x64xf32> to vector<64x64xf32>
    %min3A_70 = arith.minimumf %min3A, %min3A_69 : vector<64x64xf32>
    %mul3A_71 = arith.constant 5.000000e-01 : f32
    %mul3A_72 = vector.broadcast %mul3A_71 : f32 to vector<64x1xf32>
    %mul3A_73 = arith.mulf %mul3A_72, %mul3A : vector<64x1xf32>
    %sub3A = arith.subf %add3A, %mul3A_73 : vector<64x1xf32>
    %mul3A_74 = arith.constant 5.000000e-01 : f32
    %mul3A_75 = vector.broadcast %mul3A_74 : f32 to vector<1x64xf32>
    %mul3A_76 = arith.mulf %mul3A_75, %broadcast_in_dim3A_48 : vector<1x64xf32>
    %sub3A_77 = arith.subf %broadcast_in_dim3A, %mul3A_76 : vector<1x64xf32>
    %max3A = vector.broadcast %sub3A : vector<64x1xf32> to vector<64x64xf32>
    %max3A_78 = vector.broadcast %sub3A_77 : vector<1x64xf32> to vector<64x64xf32>
    %max3A_79 = arith.maximumf %max3A, %max3A_78 : vector<64x64xf32>
    %sub3A_80 = arith.subf %min3A_70, %max3A_79 : vector<64x64xf32>
    %mul3A_81 = arith.constant 5.000000e-01 : f32
    %mul3A_82 = vector.broadcast %mul3A_81 : f32 to vector<64x1xf32>
    %mul3A_83 = arith.mulf %mul3A_82, %mul3A_32 : vector<64x1xf32>
    %add3A_84 = arith.addf %add3A_28, %mul3A_83 : vector<64x1xf32>
    %mul3A_85 = arith.constant 5.000000e-01 : f32
    %mul3A_86 = vector.broadcast %mul3A_85 : f32 to vector<1x64xf32>
    %mul3A_87 = arith.mulf %mul3A_86, %broadcast_in_dim3A_54 : vector<1x64xf32>
    %add3A_88 = arith.addf %broadcast_in_dim3A_42, %mul3A_87 : vector<1x64xf32>
    %min3A_89 = vector.broadcast %add3A_84 : vector<64x1xf32> to vector<64x64xf32>
    %min3A_90 = vector.broadcast %add3A_88 : vector<1x64xf32> to vector<64x64xf32>
    %min3A_91 = arith.minimumf %min3A_89, %min3A_90 : vector<64x64xf32>
    %mul3A_92 = arith.constant 5.000000e-01 : f32
    %mul3A_93 = vector.broadcast %mul3A_92 : f32 to vector<64x1xf32>
    %mul3A_94 = arith.mulf %mul3A_93, %mul3A_32 : vector<64x1xf32>
    %sub3A_95 = arith.subf %add3A_28, %mul3A_94 : vector<64x1xf32>
    %mul3A_96 = arith.constant 5.000000e-01 : f32
    %mul3A_97 = vector.broadcast %mul3A_96 : f32 to vector<1x64xf32>
    %mul3A_98 = arith.mulf %mul3A_97, %broadcast_in_dim3A_54 : vector<1x64xf32>
    %sub3A_99 = arith.subf %broadcast_in_dim3A_42, %mul3A_98 : vector<1x64xf32>
    %max3A_100 = vector.broadcast %sub3A_95 : vector<64x1xf32> to vector<64x64xf32>
    %max3A_101 = vector.broadcast %sub3A_99 : vector<1x64xf32> to vector<64x64xf32>
    %max3A_102 = arith.maximumf %max3A_100, %max3A_101 : vector<64x64xf32>
    %sub3A_103 = arith.subf %min3A_91, %max3A_102 : vector<64x64xf32>
    %gt3A = arith.constant 0.000000e+00 : f32
    %gt3A_104 = vector.broadcast %gt3A : f32 to vector<64x64xf32>
    %gt3A_105 = arith.cmpf ogt, %sub3A_80, %gt3A_104 : vector<64x64xf32>
    %gt3A_106 = arith.constant 0.000000e+00 : f32
    %gt3A_107 = vector.broadcast %gt3A_106 : f32 to vector<64x64xf32>
    %gt3A_108 = arith.cmpf ogt, %sub3A_103, %gt3A_107 : vector<64x64xf32>
    %and3A = arith.andi %gt3A_105, %gt3A_108 : vector<64x64xi1>
    %convert_element_type3A_109 = arith.extui %and3A : vector<64x64xi1> to vector<64x64xi32>
    %convert_element_type3A_110 = arith.sitofp %convert_element_type3A_109 : vector<64x64xi32> to vector<64x64xf32>
    %mul3A_111 = arith.mulf %sub3A_80, %sub3A_103 : vector<64x64xf32>
    %mul3A_112 = arith.mulf %mul3A_111, %convert_element_type3A_110 : vector<64x64xf32>
    %mul3A_113 = arith.mulf %mul3A, %mul3A_32 : vector<64x1xf32>
    %mul3A_114 = arith.mulf %broadcast_in_dim3A_48, %broadcast_in_dim3A_54 : vector<1x64xf32>
    %add3A_115 = vector.broadcast %mul3A_113 : vector<64x1xf32> to vector<64x64xf32>
    %add3A_116 = vector.broadcast %mul3A_114 : vector<1x64xf32> to vector<64x64xf32>
    %add3A_117 = arith.addf %add3A_115, %add3A_116 : vector<64x64xf32>
    %sub3A_118 = arith.subf %add3A_117, %mul3A_112 : vector<64x64xf32>
    %div3A = arith.divf %mul3A_112, %sub3A_118 : vector<64x64xf32>
    %mul3A_119 = vector.broadcast %broadcast_in_dim3A_60 : vector<1x64xf32> to vector<64x64xf32>
    %mul3A_120 = arith.mulf %div3A, %mul3A_119 : vector<64x64xf32>
    %reduce_max3A = arith.constant dense<0xFF800000> : vector<64xf32>
    %reduce_max3A_121 = vector.multi_reduction <maximumf>, %mul3A_120, %reduce_max3A [1] : vector<64x64xf32> to vector<64xf32>
    %broadcast_in_dim3A_122 = vector.shape_cast %reduce_max3A_121 : vector<64xf32> to vector<64x1xf32>
    %gt3A_123 = arith.constant 0.699999988 : f32
    %gt3A_124 = vector.broadcast %gt3A_123 : f32 to vector<64x1xf32>
    %gt3A_125 = arith.cmpf ogt, %broadcast_in_dim3A_122, %gt3A_124 : vector<64x1xf32>
    %gt3A_126 = arith.constant 0.000000e+00 : f32
    %gt3A_127 = vector.broadcast %gt3A_126 : f32 to vector<64x1xf32>
    %gt3A_128 = arith.cmpf ogt, %slice3A_20, %gt3A_127 : vector<64x1xf32>
    %and3A_129 = arith.andi %gt3A_125, %gt3A_128 : vector<64x1xi1>
    %convert_element_type3A_130 = arith.extui %and3A_129 : vector<64x1xi1> to vector<64x1xi32>
    %convert_element_type3A_131 = arith.sitofp %convert_element_type3A_130 : vector<64x1xi32> to vector<64x1xf32>
    %log3A = math.log %slice3A_21 : vector<64x1xf32>
    %max3A_132 = arith.constant -1.000000e+02 : f32
    %max3A_133 = vector.broadcast %max3A_132 : f32 to vector<64x1xf32>
    %max3A_134 = arith.maximumf %log3A, %max3A_133 : vector<64x1xf32>
    %mul3A_135 = arith.mulf %slice3A_15, %max3A_134 : vector<64x1xf32>
    %sub3A_136 = arith.constant 1.000000e+00 : f32
    %sub3A_137 = vector.broadcast %sub3A_136 : f32 to vector<64x1xf32>
    %sub3A_138 = arith.subf %sub3A_137, %slice3A_15 : vector<64x1xf32>
    %sub3A_139 = arith.constant 1.000000e+00 : f32
    %sub3A_140 = vector.broadcast %sub3A_139 : f32 to vector<64x1xf32>
    %sub3A_141 = arith.subf %sub3A_140, %slice3A_21 : vector<64x1xf32>
    %log3A_142 = math.log %sub3A_141 : vector<64x1xf32>
    %max3A_143 = arith.constant -1.000000e+02 : f32
    %max3A_144 = vector.broadcast %max3A_143 : f32 to vector<64x1xf32>
    %max3A_145 = arith.maximumf %log3A_142, %max3A_144 : vector<64x1xf32>
    %mul3A_146 = arith.mulf %sub3A_138, %max3A_145 : vector<64x1xf32>
    %add3A_147 = arith.addf %mul3A_135, %mul3A_146 : vector<64x1xf32>
    %neg3A = arith.constant 0.000000e+00 : f32
    %neg3A_148 = vector.broadcast %neg3A : f32 to vector<64x1xf32>
    %neg3A_149 = arith.subf %neg3A_148, %add3A_147 : vector<64x1xf32>
    %log3A_150 = math.log %slice3A_22 : vector<64x1xf32>
    %max3A_151 = arith.constant -1.000000e+02 : f32
    %max3A_152 = vector.broadcast %max3A_151 : f32 to vector<64x1xf32>
    %max3A_153 = arith.maximumf %log3A_150, %max3A_152 : vector<64x1xf32>
    %mul3A_154 = arith.mulf %slice3A_16, %max3A_153 : vector<64x1xf32>
    %sub3A_155 = arith.constant 1.000000e+00 : f32
    %sub3A_156 = vector.broadcast %sub3A_155 : f32 to vector<64x1xf32>
    %sub3A_157 = arith.subf %sub3A_156, %slice3A_16 : vector<64x1xf32>
    %sub3A_158 = arith.constant 1.000000e+00 : f32
    %sub3A_159 = vector.broadcast %sub3A_158 : f32 to vector<64x1xf32>
    %sub3A_160 = arith.subf %sub3A_159, %slice3A_22 : vector<64x1xf32>
    %log3A_161 = math.log %sub3A_160 : vector<64x1xf32>
    %max3A_162 = arith.constant -1.000000e+02 : f32
    %max3A_163 = vector.broadcast %max3A_162 : f32 to vector<64x1xf32>
    %max3A_164 = arith.maximumf %log3A_161, %max3A_163 : vector<64x1xf32>
    %mul3A_165 = arith.mulf %sub3A_157, %max3A_164 : vector<64x1xf32>
    %add3A_166 = arith.addf %mul3A_154, %mul3A_165 : vector<64x1xf32>
    %sub3A_167 = arith.subf %neg3A_149, %add3A_166 : vector<64x1xf32>
    %mul3A_168 = arith.mulf %sub3A_167, %slice3A_14 : vector<64x1xf32>
    %mul3A_169 = arith.mulf %mul3A_168, %slice3A_14 : vector<64x1xf32>
    %mul3A_170 = arith.mulf %slice3A_23, %slice3A_14 : vector<64x1xf32>
    %mul3A_171 = arith.mulf %slice3A_17, %slice3A_14 : vector<64x1xf32>
    %sub3A_172 = arith.subf %mul3A_170, %mul3A_171 : vector<64x1xf32>
    %integer_pow3A = arith.mulf %sub3A_172, %sub3A_172 : vector<64x1xf32>
    %mul3A_173 = arith.mulf %slice3A_24, %slice3A_14 : vector<64x1xf32>
    %mul3A_174 = arith.mulf %slice3A_18, %slice3A_14 : vector<64x1xf32>
    %sub3A_175 = arith.subf %mul3A_173, %mul3A_174 : vector<64x1xf32>
    %integer_pow3A_176 = arith.mulf %sub3A_175, %sub3A_175 : vector<64x1xf32>
    %add3A_177 = arith.addf %integer_pow3A, %integer_pow3A_176 : vector<64x1xf32>
    %mul3A_178 = arith.constant 5.000000e-01 : f32
    %mul3A_179 = vector.broadcast %mul3A_178 : f32 to vector<64x1xf32>
    %mul3A_180 = arith.mulf %add3A_177, %mul3A_179 : vector<64x1xf32>
    %log3A_181 = math.log %slice3A_25 : vector<64x1xf32>
    %max3A_182 = arith.constant -1.000000e+02 : f32
    %max3A_183 = vector.broadcast %max3A_182 : f32 to vector<64x1xf32>
    %max3A_184 = arith.maximumf %log3A_181, %max3A_183 : vector<64x1xf32>
    %neg3A_185 = arith.constant 0.000000e+00 : f32
    %neg3A_186 = vector.broadcast %neg3A_185 : f32 to vector<64x1xf32>
    %neg3A_187 = arith.subf %neg3A_186, %max3A_184 : vector<64x1xf32>
    %sub3A_188 = arith.constant 1.000000e+00 : f32
    %sub3A_189 = vector.broadcast %sub3A_188 : f32 to vector<64x1xf32>
    %sub3A_190 = arith.subf %sub3A_189, %convert_element_type3A_131 : vector<64x1xf32>
    %sub3A_191 = arith.constant 1.000000e+00 : f32
    %sub3A_192 = vector.broadcast %sub3A_191 : f32 to vector<64x1xf32>
    %sub3A_193 = arith.subf %sub3A_192, %slice3A_25 : vector<64x1xf32>
    %log3A_194 = math.log %sub3A_193 : vector<64x1xf32>
    %max3A_195 = arith.constant -1.000000e+02 : f32
    %max3A_196 = vector.broadcast %max3A_195 : f32 to vector<64x1xf32>
    %max3A_197 = arith.maximumf %log3A_194, %max3A_196 : vector<64x1xf32>
    %mul3A_198 = arith.mulf %sub3A_190, %max3A_197 : vector<64x1xf32>
    %add3A_199 = arith.addf %neg3A_187, %mul3A_198 : vector<64x1xf32>
    %eq3A_200 = vector.broadcast %convert_element_type3A_3 : vector<1x80xf32> to vector<64x80xf32>
    %eq3A_201 = vector.broadcast %slice3A_19 : vector<64x1xf32> to vector<64x80xf32>
    %eq3A_202 = arith.cmpf oeq, %eq3A_200, %eq3A_201 : vector<64x80xf32>
    %convert_element_type3A_203 = arith.extui %eq3A_202 : vector<64x80xi1> to vector<64x80xi32>
    %convert_element_type3A_204 = arith.sitofp %convert_element_type3A_203 : vector<64x80xi32> to vector<64x80xf32>
    %slice3A_205 = vector.extract_strided_slice %get3A_7 {offsets = [0, 5], sizes = [64, 80], strides = [1, 1]} : vector<64x85xf32> to vector<64x80xf32>
    %log3A_206 = math.log %slice3A_205 : vector<64x80xf32>
    %max3A_207 = arith.constant -1.000000e+02 : f32
    %max3A_208 = vector.broadcast %max3A_207 : f32 to vector<64x80xf32>
    %max3A_209 = arith.maximumf %log3A_206, %max3A_208 : vector<64x80xf32>
    %mul3A_210 = arith.mulf %convert_element_type3A_204, %max3A_209 : vector<64x80xf32>
    %sub3A_211 = arith.constant 1.000000e+00 : f32
    %sub3A_212 = vector.broadcast %sub3A_211 : f32 to vector<64x80xf32>
    %sub3A_213 = arith.subf %sub3A_212, %convert_element_type3A_204 : vector<64x80xf32>
    %sub3A_214 = arith.constant 1.000000e+00 : f32
    %sub3A_215 = vector.broadcast %sub3A_214 : f32 to vector<64x80xf32>
    %sub3A_216 = arith.subf %sub3A_215, %slice3A_205 : vector<64x80xf32>
    %log3A_217 = math.log %sub3A_216 : vector<64x80xf32>
    %max3A_218 = arith.constant -1.000000e+02 : f32
    %max3A_219 = vector.broadcast %max3A_218 : f32 to vector<64x80xf32>
    %max3A_220 = arith.maximumf %log3A_217, %max3A_219 : vector<64x80xf32>
    %mul3A_221 = arith.mulf %sub3A_213, %max3A_220 : vector<64x80xf32>
    %add3A_222 = arith.addf %mul3A_210, %mul3A_221 : vector<64x80xf32>
    %neg3A_223 = arith.constant 0.000000e+00 : f32
    %neg3A_224 = vector.broadcast %neg3A_223 : f32 to vector<64x80xf32>
    %neg3A_225 = arith.subf %neg3A_224, %add3A_222 : vector<64x80xf32>
    %reduce_sum3A_226 = arith.constant dense<0.000000e+00> : vector<64xf32>
    %reduce_sum3A_227 = vector.multi_reduction <add>, %neg3A_225, %reduce_sum3A_226 [1] : vector<64x80xf32> to vector<64xf32>
    %broadcast_in_dim3A_228 = vector.shape_cast %reduce_sum3A_227 : vector<64xf32> to vector<64x1xf32>
    %add3A_229 = arith.addf %mul3A_169, %mul3A_180 : vector<64x1xf32>
    %add3A_230 = arith.addf %add3A_229, %add3A_199 : vector<64x1xf32>
    %add3A_231 = arith.addf %add3A_230, %broadcast_in_dim3A_228 : vector<64x1xf32>
    %mul3A_232 = arith.mulf %add3A_231, %slice3A : vector<64x1xf32>
    %reduce_sum3A_233 = vector.shape_cast %mul3A_232 : vector<64x1xf32> to vector<1x64x1xf32>
    %reduce_sum3A_234 = arith.constant dense<0.000000e+00> : vector<1xf32>
    %reduce_sum3A_235 = vector.multi_reduction <add>, %reduce_sum3A_233, %reduce_sum3A_234 [1, 2] : vector<1x64x1xf32> to vector<1xf32>
    %reduce_sum3A_236 = vector.shape_cast %reduce_sum3A_235 : vector<1xf32> to vector<1x1x1xf32>
    %reduce_sum3A_237 = vector.extract %reduce_sum3A_236[0, 0, 0] : f32 from vector<1x1x1xf32>
    %add3A_238 = arith.constant 0.000000e+00 : f32
    %add3A_239 = arith.addf %add3A_238, %reduce_sum3A_237 : f32
    %get3A_240 = arith.constant 0 : index
    %get3A_241 = arith.constant 0 : index
    %get3A_242 = arith.constant 0 : index
    %get3A_243 = vector.load %arg2[%get3A_240, %get3A_241, %get3A_242] : memref<1x64x85xf32, #tpu.memory_space<vmem>>, vector<1x64x85xf32>
    %get3A_244 = vector.shape_cast %get3A_243 : vector<1x64x85xf32> to vector<64x85xf32>
    %get3A_245 = arith.constant 0 : index
    %get3A_246 = arith.constant 1 : index
    %get3A_247 = arith.constant 0 : index
    %get3A_248 = arith.constant 0 : index
    %get3A_249 = vector.load %arg4[%get3A_245, %get3A_246, %get3A_247, %get3A_248] : memref<1x3x64x24xf32, #tpu.memory_space<vmem>>, vector<1x1x64x24xf32>
    %get3A_250 = vector.shape_cast %get3A_249 : vector<1x1x64x24xf32> to vector<64x24xf32>
    %slice3A_251 = vector.extract_strided_slice %get3A_250 {offsets = [0, 0], sizes = [64, 1], strides = [1, 1]} : vector<64x24xf32> to vector<64x1xf32>
    %slice3A_252 = vector.extract_strided_slice %get3A_250 {offsets = [0, 1], sizes = [64, 1], strides = [1, 1]} : vector<64x24xf32> to vector<64x1xf32>
    %slice3A_253 = vector.extract_strided_slice %get3A_250 {offsets = [0, 2], sizes = [64, 1], strides = [1, 1]} : vector<64x24xf32> to vector<64x1xf32>
    %slice3A_254 = vector.extract_strided_slice %get3A_250 {offsets = [0, 3], sizes = [64, 1], strides = [1, 1]} : vector<64x24xf32> to vector<64x1xf32>
    %slice3A_255 = vector.extract_strided_slice %get3A_250 {offsets = [0, 4], sizes = [64, 1], strides = [1, 1]} : vector<64x24xf32> to vector<64x1xf32>
    %slice3A_256 = vector.extract_strided_slice %get3A_250 {offsets = [0, 5], sizes = [64, 1], strides = [1, 1]} : vector<64x24xf32> to vector<64x1xf32>
    %slice3A_257 = vector.extract_strided_slice %get3A_250 {offsets = [0, 6], sizes = [64, 1], strides = [1, 1]} : vector<64x24xf32> to vector<64x1xf32>
    %slice3A_258 = vector.extract_strided_slice %get3A_250 {offsets = [0, 16], sizes = [64, 1], strides = [1, 1]} : vector<64x24xf32> to vector<64x1xf32>
    %slice3A_259 = vector.extract_strided_slice %get3A_244 {offsets = [0, 0], sizes = [64, 1], strides = [1, 1]} : vector<64x85xf32> to vector<64x1xf32>
    %slice3A_260 = vector.extract_strided_slice %get3A_244 {offsets = [0, 1], sizes = [64, 1], strides = [1, 1]} : vector<64x85xf32> to vector<64x1xf32>
    %slice3A_261 = vector.extract_strided_slice %get3A_244 {offsets = [0, 2], sizes = [64, 1], strides = [1, 1]} : vector<64x85xf32> to vector<64x1xf32>
    %slice3A_262 = vector.extract_strided_slice %get3A_244 {offsets = [0, 3], sizes = [64, 1], strides = [1, 1]} : vector<64x85xf32> to vector<64x1xf32>
    %slice3A_263 = vector.extract_strided_slice %get3A_244 {offsets = [0, 4], sizes = [64, 1], strides = [1, 1]} : vector<64x85xf32> to vector<64x1xf32>
    %slice3A_264 = vector.extract_strided_slice %get3A_250 {offsets = [0, 12], sizes = [64, 1], strides = [1, 1]} : vector<64x24xf32> to vector<64x1xf32>
    %add3A_265 = arith.addf %slice3A_259, %slice3A_264 : vector<64x1xf32>
    %slice3A_266 = vector.extract_strided_slice %get3A_250 {offsets = [0, 13], sizes = [64, 1], strides = [1, 1]} : vector<64x24xf32> to vector<64x1xf32>
    %add3A_267 = arith.addf %slice3A_260, %slice3A_266 : vector<64x1xf32>
    %exp3A_268 = math.exp %slice3A_261 : vector<64x1xf32>
    %slice3A_269 = vector.extract_strided_slice %get3A_250 {offsets = [0, 14], sizes = [64, 1], strides = [1, 1]} : vector<64x24xf32> to vector<64x1xf32>
    %mul3A_270 = arith.mulf %exp3A_268, %slice3A_269 : vector<64x1xf32>
    %exp3A_271 = math.exp %slice3A_262 : vector<64x1xf32>
    %slice3A_272 = vector.extract_strided_slice %get3A_250 {offsets = [0, 15], sizes = [64, 1], strides = [1, 1]} : vector<64x24xf32> to vector<64x1xf32>
    %mul3A_273 = arith.mulf %exp3A_271, %slice3A_272 : vector<64x1xf32>
    %slice3A_274 = vector.extract_strided_slice %get3A_250 {offsets = [0, 8], sizes = [64, 1], strides = [1, 1]} : vector<64x24xf32> to vector<64x1xf32>
    %mul3A_275 = vector.broadcast %slice3A_274 : vector<64x1xf32> to vector<64x64xf32>
    %mul3A_276 = arith.mulf %convert_element_type3A_1, %mul3A_275 : vector<64x64xf32>
    %reduce_sum3A_277 = arith.constant dense<0.000000e+00> : vector<64xf32>
    %reduce_sum3A_278 = vector.multi_reduction <add>, %mul3A_276, %reduce_sum3A_277 [0] : vector<64x64xf32> to vector<64xf32>
    %broadcast_in_dim3A_279 = vector.shape_cast %reduce_sum3A_278 : vector<64xf32> to vector<1x64xf32>
    %slice3A_280 = vector.extract_strided_slice %get3A_250 {offsets = [0, 9], sizes = [64, 1], strides = [1, 1]} : vector<64x24xf32> to vector<64x1xf32>
    %mul3A_281 = vector.broadcast %slice3A_280 : vector<64x1xf32> to vector<64x64xf32>
    %mul3A_282 = arith.mulf %convert_element_type3A_1, %mul3A_281 : vector<64x64xf32>
    %reduce_sum3A_283 = arith.constant dense<0.000000e+00> : vector<64xf32>
    %reduce_sum3A_284 = vector.multi_reduction <add>, %mul3A_282, %reduce_sum3A_283 [0] : vector<64x64xf32> to vector<64xf32>
    %broadcast_in_dim3A_285 = vector.shape_cast %reduce_sum3A_284 : vector<64xf32> to vector<1x64xf32>
    %slice3A_286 = vector.extract_strided_slice %get3A_250 {offsets = [0, 10], sizes = [64, 1], strides = [1, 1]} : vector<64x24xf32> to vector<64x1xf32>
    %mul3A_287 = vector.broadcast %slice3A_286 : vector<64x1xf32> to vector<64x64xf32>
    %mul3A_288 = arith.mulf %convert_element_type3A_1, %mul3A_287 : vector<64x64xf32>
    %reduce_sum3A_289 = arith.constant dense<0.000000e+00> : vector<64xf32>
    %reduce_sum3A_290 = vector.multi_reduction <add>, %mul3A_288, %reduce_sum3A_289 [0] : vector<64x64xf32> to vector<64xf32>
    %broadcast_in_dim3A_291 = vector.shape_cast %reduce_sum3A_290 : vector<64xf32> to vector<1x64xf32>
    %slice3A_292 = vector.extract_strided_slice %get3A_250 {offsets = [0, 11], sizes = [64, 1], strides = [1, 1]} : vector<64x24xf32> to vector<64x1xf32>
    %mul3A_293 = vector.broadcast %slice3A_292 : vector<64x1xf32> to vector<64x64xf32>
    %mul3A_294 = arith.mulf %convert_element_type3A_1, %mul3A_293 : vector<64x64xf32>
    %reduce_sum3A_295 = arith.constant dense<0.000000e+00> : vector<64xf32>
    %reduce_sum3A_296 = vector.multi_reduction <add>, %mul3A_294, %reduce_sum3A_295 [0] : vector<64x64xf32> to vector<64xf32>
    %broadcast_in_dim3A_297 = vector.shape_cast %reduce_sum3A_296 : vector<64xf32> to vector<1x64xf32>
    %slice3A_298 = vector.extract_strided_slice %get3A_250 {offsets = [0, 7], sizes = [64, 1], strides = [1, 1]} : vector<64x24xf32> to vector<64x1xf32>
    %mul3A_299 = vector.broadcast %slice3A_298 : vector<64x1xf32> to vector<64x64xf32>
    %mul3A_300 = arith.mulf %convert_element_type3A_1, %mul3A_299 : vector<64x64xf32>
    %reduce_sum3A_301 = arith.constant dense<0.000000e+00> : vector<64xf32>
    %reduce_sum3A_302 = vector.multi_reduction <add>, %mul3A_300, %reduce_sum3A_301 [0] : vector<64x64xf32> to vector<64xf32>
    %broadcast_in_dim3A_303 = vector.shape_cast %reduce_sum3A_302 : vector<64xf32> to vector<1x64xf32>
    %mul3A_304 = arith.constant 5.000000e-01 : f32
    %mul3A_305 = vector.broadcast %mul3A_304 : f32 to vector<64x1xf32>
    %mul3A_306 = arith.mulf %mul3A_305, %mul3A_270 : vector<64x1xf32>
    %add3A_307 = arith.addf %add3A_265, %mul3A_306 : vector<64x1xf32>
    %mul3A_308 = arith.constant 5.000000e-01 : f32
    %mul3A_309 = vector.broadcast %mul3A_308 : f32 to vector<1x64xf32>
    %mul3A_310 = arith.mulf %mul3A_309, %broadcast_in_dim3A_291 : vector<1x64xf32>
    %add3A_311 = arith.addf %broadcast_in_dim3A_279, %mul3A_310 : vector<1x64xf32>
    %min3A_312 = vector.broadcast %add3A_307 : vector<64x1xf32> to vector<64x64xf32>
    %min3A_313 = vector.broadcast %add3A_311 : vector<1x64xf32> to vector<64x64xf32>
    %min3A_314 = arith.minimumf %min3A_312, %min3A_313 : vector<64x64xf32>
    %mul3A_315 = arith.constant 5.000000e-01 : f32
    %mul3A_316 = vector.broadcast %mul3A_315 : f32 to vector<64x1xf32>
    %mul3A_317 = arith.mulf %mul3A_316, %mul3A_270 : vector<64x1xf32>
    %sub3A_318 = arith.subf %add3A_265, %mul3A_317 : vector<64x1xf32>
    %mul3A_319 = arith.constant 5.000000e-01 : f32
    %mul3A_320 = vector.broadcast %mul3A_319 : f32 to vector<1x64xf32>
    %mul3A_321 = arith.mulf %mul3A_320, %broadcast_in_dim3A_291 : vector<1x64xf32>
    %sub3A_322 = arith.subf %broadcast_in_dim3A_279, %mul3A_321 : vector<1x64xf32>
    %max3A_323 = vector.broadcast %sub3A_318 : vector<64x1xf32> to vector<64x64xf32>
    %max3A_324 = vector.broadcast %sub3A_322 : vector<1x64xf32> to vector<64x64xf32>
    %max3A_325 = arith.maximumf %max3A_323, %max3A_324 : vector<64x64xf32>
    %sub3A_326 = arith.subf %min3A_314, %max3A_325 : vector<64x64xf32>
    %mul3A_327 = arith.constant 5.000000e-01 : f32
    %mul3A_328 = vector.broadcast %mul3A_327 : f32 to vector<64x1xf32>
    %mul3A_329 = arith.mulf %mul3A_328, %mul3A_273 : vector<64x1xf32>
    %add3A_330 = arith.addf %add3A_267, %mul3A_329 : vector<64x1xf32>
    %mul3A_331 = arith.constant 5.000000e-01 : f32
    %mul3A_332 = vector.broadcast %mul3A_331 : f32 to vector<1x64xf32>
    %mul3A_333 = arith.mulf %mul3A_332, %broadcast_in_dim3A_297 : vector<1x64xf32>
    %add3A_334 = arith.addf %broadcast_in_dim3A_285, %mul3A_333 : vector<1x64xf32>
    %min3A_335 = vector.broadcast %add3A_330 : vector<64x1xf32> to vector<64x64xf32>
    %min3A_336 = vector.broadcast %add3A_334 : vector<1x64xf32> to vector<64x64xf32>
    %min3A_337 = arith.minimumf %min3A_335, %min3A_336 : vector<64x64xf32>
    %mul3A_338 = arith.constant 5.000000e-01 : f32
    %mul3A_339 = vector.broadcast %mul3A_338 : f32 to vector<64x1xf32>
    %mul3A_340 = arith.mulf %mul3A_339, %mul3A_273 : vector<64x1xf32>
    %sub3A_341 = arith.subf %add3A_267, %mul3A_340 : vector<64x1xf32>
    %mul3A_342 = arith.constant 5.000000e-01 : f32
    %mul3A_343 = vector.broadcast %mul3A_342 : f32 to vector<1x64xf32>
    %mul3A_344 = arith.mulf %mul3A_343, %broadcast_in_dim3A_297 : vector<1x64xf32>
    %sub3A_345 = arith.subf %broadcast_in_dim3A_285, %mul3A_344 : vector<1x64xf32>
    %max3A_346 = vector.broadcast %sub3A_341 : vector<64x1xf32> to vector<64x64xf32>
    %max3A_347 = vector.broadcast %sub3A_345 : vector<1x64xf32> to vector<64x64xf32>
    %max3A_348 = arith.maximumf %max3A_346, %max3A_347 : vector<64x64xf32>
    %sub3A_349 = arith.subf %min3A_337, %max3A_348 : vector<64x64xf32>
    %gt3A_350 = arith.constant 0.000000e+00 : f32
    %gt3A_351 = vector.broadcast %gt3A_350 : f32 to vector<64x64xf32>
    %gt3A_352 = arith.cmpf ogt, %sub3A_326, %gt3A_351 : vector<64x64xf32>
    %gt3A_353 = arith.constant 0.000000e+00 : f32
    %gt3A_354 = vector.broadcast %gt3A_353 : f32 to vector<64x64xf32>
    %gt3A_355 = arith.cmpf ogt, %sub3A_349, %gt3A_354 : vector<64x64xf32>
    %and3A_356 = arith.andi %gt3A_352, %gt3A_355 : vector<64x64xi1>
    %convert_element_type3A_357 = arith.extui %and3A_356 : vector<64x64xi1> to vector<64x64xi32>
    %convert_element_type3A_358 = arith.sitofp %convert_element_type3A_357 : vector<64x64xi32> to vector<64x64xf32>
    %mul3A_359 = arith.mulf %sub3A_326, %sub3A_349 : vector<64x64xf32>
    %mul3A_360 = arith.mulf %mul3A_359, %convert_element_type3A_358 : vector<64x64xf32>
    %mul3A_361 = arith.mulf %mul3A_270, %mul3A_273 : vector<64x1xf32>
    %mul3A_362 = arith.mulf %broadcast_in_dim3A_291, %broadcast_in_dim3A_297 : vector<1x64xf32>
    %add3A_363 = vector.broadcast %mul3A_361 : vector<64x1xf32> to vector<64x64xf32>
    %add3A_364 = vector.broadcast %mul3A_362 : vector<1x64xf32> to vector<64x64xf32>
    %add3A_365 = arith.addf %add3A_363, %add3A_364 : vector<64x64xf32>
    %sub3A_366 = arith.subf %add3A_365, %mul3A_360 : vector<64x64xf32>
    %div3A_367 = arith.divf %mul3A_360, %sub3A_366 : vector<64x64xf32>
    %mul3A_368 = vector.broadcast %broadcast_in_dim3A_303 : vector<1x64xf32> to vector<64x64xf32>
    %mul3A_369 = arith.mulf %div3A_367, %mul3A_368 : vector<64x64xf32>
    %reduce_max3A_370 = arith.constant dense<0xFF800000> : vector<64xf32>
    %reduce_max3A_371 = vector.multi_reduction <maximumf>, %mul3A_369, %reduce_max3A_370 [1] : vector<64x64xf32> to vector<64xf32>
    %broadcast_in_dim3A_372 = vector.shape_cast %reduce_max3A_371 : vector<64xf32> to vector<64x1xf32>
    %gt3A_373 = arith.constant 0.699999988 : f32
    %gt3A_374 = vector.broadcast %gt3A_373 : f32 to vector<64x1xf32>
    %gt3A_375 = arith.cmpf ogt, %broadcast_in_dim3A_372, %gt3A_374 : vector<64x1xf32>
    %gt3A_376 = arith.constant 0.000000e+00 : f32
    %gt3A_377 = vector.broadcast %gt3A_376 : f32 to vector<64x1xf32>
    %gt3A_378 = arith.cmpf ogt, %slice3A_258, %gt3A_377 : vector<64x1xf32>
    %and3A_379 = arith.andi %gt3A_375, %gt3A_378 : vector<64x1xi1>
    %convert_element_type3A_380 = arith.extui %and3A_379 : vector<64x1xi1> to vector<64x1xi32>
    %convert_element_type3A_381 = arith.sitofp %convert_element_type3A_380 : vector<64x1xi32> to vector<64x1xf32>
    %log3A_382 = math.log %slice3A_259 : vector<64x1xf32>
    %max3A_383 = arith.constant -1.000000e+02 : f32
    %max3A_384 = vector.broadcast %max3A_383 : f32 to vector<64x1xf32>
    %max3A_385 = arith.maximumf %log3A_382, %max3A_384 : vector<64x1xf32>
    %mul3A_386 = arith.mulf %slice3A_253, %max3A_385 : vector<64x1xf32>
    %sub3A_387 = arith.constant 1.000000e+00 : f32
    %sub3A_388 = vector.broadcast %sub3A_387 : f32 to vector<64x1xf32>
    %sub3A_389 = arith.subf %sub3A_388, %slice3A_253 : vector<64x1xf32>
    %sub3A_390 = arith.constant 1.000000e+00 : f32
    %sub3A_391 = vector.broadcast %sub3A_390 : f32 to vector<64x1xf32>
    %sub3A_392 = arith.subf %sub3A_391, %slice3A_259 : vector<64x1xf32>
    %log3A_393 = math.log %sub3A_392 : vector<64x1xf32>
    %max3A_394 = arith.constant -1.000000e+02 : f32
    %max3A_395 = vector.broadcast %max3A_394 : f32 to vector<64x1xf32>
    %max3A_396 = arith.maximumf %log3A_393, %max3A_395 : vector<64x1xf32>
    %mul3A_397 = arith.mulf %sub3A_389, %max3A_396 : vector<64x1xf32>
    %add3A_398 = arith.addf %mul3A_386, %mul3A_397 : vector<64x1xf32>
    %neg3A_399 = arith.constant 0.000000e+00 : f32
    %neg3A_400 = vector.broadcast %neg3A_399 : f32 to vector<64x1xf32>
    %neg3A_401 = arith.subf %neg3A_400, %add3A_398 : vector<64x1xf32>
    %log3A_402 = math.log %slice3A_260 : vector<64x1xf32>
    %max3A_403 = arith.constant -1.000000e+02 : f32
    %max3A_404 = vector.broadcast %max3A_403 : f32 to vector<64x1xf32>
    %max3A_405 = arith.maximumf %log3A_402, %max3A_404 : vector<64x1xf32>
    %mul3A_406 = arith.mulf %slice3A_254, %max3A_405 : vector<64x1xf32>
    %sub3A_407 = arith.constant 1.000000e+00 : f32
    %sub3A_408 = vector.broadcast %sub3A_407 : f32 to vector<64x1xf32>
    %sub3A_409 = arith.subf %sub3A_408, %slice3A_254 : vector<64x1xf32>
    %sub3A_410 = arith.constant 1.000000e+00 : f32
    %sub3A_411 = vector.broadcast %sub3A_410 : f32 to vector<64x1xf32>
    %sub3A_412 = arith.subf %sub3A_411, %slice3A_260 : vector<64x1xf32>
    %log3A_413 = math.log %sub3A_412 : vector<64x1xf32>
    %max3A_414 = arith.constant -1.000000e+02 : f32
    %max3A_415 = vector.broadcast %max3A_414 : f32 to vector<64x1xf32>
    %max3A_416 = arith.maximumf %log3A_413, %max3A_415 : vector<64x1xf32>
    %mul3A_417 = arith.mulf %sub3A_409, %max3A_416 : vector<64x1xf32>
    %add3A_418 = arith.addf %mul3A_406, %mul3A_417 : vector<64x1xf32>
    %sub3A_419 = arith.subf %neg3A_401, %add3A_418 : vector<64x1xf32>
    %mul3A_420 = arith.mulf %sub3A_419, %slice3A_252 : vector<64x1xf32>
    %mul3A_421 = arith.mulf %mul3A_420, %slice3A_252 : vector<64x1xf32>
    %mul3A_422 = arith.mulf %slice3A_261, %slice3A_252 : vector<64x1xf32>
    %mul3A_423 = arith.mulf %slice3A_255, %slice3A_252 : vector<64x1xf32>
    %sub3A_424 = arith.subf %mul3A_422, %mul3A_423 : vector<64x1xf32>
    %integer_pow3A_425 = arith.mulf %sub3A_424, %sub3A_424 : vector<64x1xf32>
    %mul3A_426 = arith.mulf %slice3A_262, %slice3A_252 : vector<64x1xf32>
    %mul3A_427 = arith.mulf %slice3A_256, %slice3A_252 : vector<64x1xf32>
    %sub3A_428 = arith.subf %mul3A_426, %mul3A_427 : vector<64x1xf32>
    %integer_pow3A_429 = arith.mulf %sub3A_428, %sub3A_428 : vector<64x1xf32>
    %add3A_430 = arith.addf %integer_pow3A_425, %integer_pow3A_429 : vector<64x1xf32>
    %mul3A_431 = arith.constant 5.000000e-01 : f32
    %mul3A_432 = vector.broadcast %mul3A_431 : f32 to vector<64x1xf32>
    %mul3A_433 = arith.mulf %add3A_430, %mul3A_432 : vector<64x1xf32>
    %log3A_434 = math.log %slice3A_263 : vector<64x1xf32>
    %max3A_435 = arith.constant -1.000000e+02 : f32
    %max3A_436 = vector.broadcast %max3A_435 : f32 to vector<64x1xf32>
    %max3A_437 = arith.maximumf %log3A_434, %max3A_436 : vector<64x1xf32>
    %neg3A_438 = arith.constant 0.000000e+00 : f32
    %neg3A_439 = vector.broadcast %neg3A_438 : f32 to vector<64x1xf32>
    %neg3A_440 = arith.subf %neg3A_439, %max3A_437 : vector<64x1xf32>
    %sub3A_441 = arith.constant 1.000000e+00 : f32
    %sub3A_442 = vector.broadcast %sub3A_441 : f32 to vector<64x1xf32>
    %sub3A_443 = arith.subf %sub3A_442, %convert_element_type3A_381 : vector<64x1xf32>
    %sub3A_444 = arith.constant 1.000000e+00 : f32
    %sub3A_445 = vector.broadcast %sub3A_444 : f32 to vector<64x1xf32>
    %sub3A_446 = arith.subf %sub3A_445, %slice3A_263 : vector<64x1xf32>
    %log3A_447 = math.log %sub3A_446 : vector<64x1xf32>
    %max3A_448 = arith.constant -1.000000e+02 : f32
    %max3A_449 = vector.broadcast %max3A_448 : f32 to vector<64x1xf32>
    %max3A_450 = arith.maximumf %log3A_447, %max3A_449 : vector<64x1xf32>
    %mul3A_451 = arith.mulf %sub3A_443, %max3A_450 : vector<64x1xf32>
    %add3A_452 = arith.addf %neg3A_440, %mul3A_451 : vector<64x1xf32>
    %eq3A_453 = vector.broadcast %convert_element_type3A_3 : vector<1x80xf32> to vector<64x80xf32>
    %eq3A_454 = vector.broadcast %slice3A_257 : vector<64x1xf32> to vector<64x80xf32>
    %eq3A_455 = arith.cmpf oeq, %eq3A_453, %eq3A_454 : vector<64x80xf32>
    %convert_element_type3A_456 = arith.extui %eq3A_455 : vector<64x80xi1> to vector<64x80xi32>
    %convert_element_type3A_457 = arith.sitofp %convert_element_type3A_456 : vector<64x80xi32> to vector<64x80xf32>
    %slice3A_458 = vector.extract_strided_slice %get3A_244 {offsets = [0, 5], sizes = [64, 80], strides = [1, 1]} : vector<64x85xf32> to vector<64x80xf32>
    %log3A_459 = math.log %slice3A_458 : vector<64x80xf32>
    %max3A_460 = arith.constant -1.000000e+02 : f32
    %max3A_461 = vector.broadcast %max3A_460 : f32 to vector<64x80xf32>
    %max3A_462 = arith.maximumf %log3A_459, %max3A_461 : vector<64x80xf32>
    %mul3A_463 = arith.mulf %convert_element_type3A_457, %max3A_462 : vector<64x80xf32>
    %sub3A_464 = arith.constant 1.000000e+00 : f32
    %sub3A_465 = vector.broadcast %sub3A_464 : f32 to vector<64x80xf32>
    %sub3A_466 = arith.subf %sub3A_465, %convert_element_type3A_457 : vector<64x80xf32>
    %sub3A_467 = arith.constant 1.000000e+00 : f32
    %sub3A_468 = vector.broadcast %sub3A_467 : f32 to vector<64x80xf32>
    %sub3A_469 = arith.subf %sub3A_468, %slice3A_458 : vector<64x80xf32>
    %log3A_470 = math.log %sub3A_469 : vector<64x80xf32>
    %max3A_471 = arith.constant -1.000000e+02 : f32
    %max3A_472 = vector.broadcast %max3A_471 : f32 to vector<64x80xf32>
    %max3A_473 = arith.maximumf %log3A_470, %max3A_472 : vector<64x80xf32>
    %mul3A_474 = arith.mulf %sub3A_466, %max3A_473 : vector<64x80xf32>
    %add3A_475 = arith.addf %mul3A_463, %mul3A_474 : vector<64x80xf32>
    %neg3A_476 = arith.constant 0.000000e+00 : f32
    %neg3A_477 = vector.broadcast %neg3A_476 : f32 to vector<64x80xf32>
    %neg3A_478 = arith.subf %neg3A_477, %add3A_475 : vector<64x80xf32>
    %reduce_sum3A_479 = arith.constant dense<0.000000e+00> : vector<64xf32>
    %reduce_sum3A_480 = vector.multi_reduction <add>, %neg3A_478, %reduce_sum3A_479 [1] : vector<64x80xf32> to vector<64xf32>
    %broadcast_in_dim3A_481 = vector.shape_cast %reduce_sum3A_480 : vector<64xf32> to vector<64x1xf32>
    %add3A_482 = arith.addf %mul3A_421, %mul3A_433 : vector<64x1xf32>
    %add3A_483 = arith.addf %add3A_482, %add3A_452 : vector<64x1xf32>
    %add3A_484 = arith.addf %add3A_483, %broadcast_in_dim3A_481 : vector<64x1xf32>
    %mul3A_485 = arith.mulf %add3A_484, %slice3A_251 : vector<64x1xf32>
    %reduce_sum3A_486 = vector.shape_cast %mul3A_485 : vector<64x1xf32> to vector<1x64x1xf32>
    %reduce_sum3A_487 = arith.constant dense<0.000000e+00> : vector<1xf32>
    %reduce_sum3A_488 = vector.multi_reduction <add>, %reduce_sum3A_486, %reduce_sum3A_487 [1, 2] : vector<1x64x1xf32> to vector<1xf32>
    %reduce_sum3A_489 = vector.shape_cast %reduce_sum3A_488 : vector<1xf32> to vector<1x1x1xf32>
    %reduce_sum3A_490 = vector.extract %reduce_sum3A_489[0, 0, 0] : f32 from vector<1x1x1xf32>
    %add3A_491 = arith.addf %add3A_239, %reduce_sum3A_490 : f32
    %get3A_492 = arith.constant 0 : index
    %get3A_493 = arith.constant 0 : index
    %get3A_494 = arith.constant 0 : index
    %get3A_495 = vector.load %arg3[%get3A_492, %get3A_493, %get3A_494] : memref<1x64x85xf32, #tpu.memory_space<vmem>>, vector<1x64x85xf32>
    %get3A_496 = vector.shape_cast %get3A_495 : vector<1x64x85xf32> to vector<64x85xf32>
    %get3A_497 = arith.constant 0 : index
    %get3A_498 = arith.constant 2 : index
    %get3A_499 = arith.constant 0 : index
    %get3A_500 = arith.constant 0 : index
    %get3A_501 = vector.load %arg4[%get3A_497, %get3A_498, %get3A_499, %get3A_500] : memref<1x3x64x24xf32, #tpu.memory_space<vmem>>, vector<1x1x64x24xf32>
    %get3A_502 = vector.shape_cast %get3A_501 : vector<1x1x64x24xf32> to vector<64x24xf32>
    %slice3A_503 = vector.extract_strided_slice %get3A_502 {offsets = [0, 0], sizes = [64, 1], strides = [1, 1]} : vector<64x24xf32> to vector<64x1xf32>
    %slice3A_504 = vector.extract_strided_slice %get3A_502 {offsets = [0, 1], sizes = [64, 1], strides = [1, 1]} : vector<64x24xf32> to vector<64x1xf32>
    %slice3A_505 = vector.extract_strided_slice %get3A_502 {offsets = [0, 2], sizes = [64, 1], strides = [1, 1]} : vector<64x24xf32> to vector<64x1xf32>
    %slice3A_506 = vector.extract_strided_slice %get3A_502 {offsets = [0, 3], sizes = [64, 1], strides = [1, 1]} : vector<64x24xf32> to vector<64x1xf32>
    %slice3A_507 = vector.extract_strided_slice %get3A_502 {offsets = [0, 4], sizes = [64, 1], strides = [1, 1]} : vector<64x24xf32> to vector<64x1xf32>
    %slice3A_508 = vector.extract_strided_slice %get3A_502 {offsets = [0, 5], sizes = [64, 1], strides = [1, 1]} : vector<64x24xf32> to vector<64x1xf32>
    %slice3A_509 = vector.extract_strided_slice %get3A_502 {offsets = [0, 6], sizes = [64, 1], strides = [1, 1]} : vector<64x24xf32> to vector<64x1xf32>
    %slice3A_510 = vector.extract_strided_slice %get3A_502 {offsets = [0, 16], sizes = [64, 1], strides = [1, 1]} : vector<64x24xf32> to vector<64x1xf32>
    %slice3A_511 = vector.extract_strided_slice %get3A_496 {offsets = [0, 0], sizes = [64, 1], strides = [1, 1]} : vector<64x85xf32> to vector<64x1xf32>
    %slice3A_512 = vector.extract_strided_slice %get3A_496 {offsets = [0, 1], sizes = [64, 1], strides = [1, 1]} : vector<64x85xf32> to vector<64x1xf32>
    %slice3A_513 = vector.extract_strided_slice %get3A_496 {offsets = [0, 2], sizes = [64, 1], strides = [1, 1]} : vector<64x85xf32> to vector<64x1xf32>
    %slice3A_514 = vector.extract_strided_slice %get3A_496 {offsets = [0, 3], sizes = [64, 1], strides = [1, 1]} : vector<64x85xf32> to vector<64x1xf32>
    %slice3A_515 = vector.extract_strided_slice %get3A_496 {offsets = [0, 4], sizes = [64, 1], strides = [1, 1]} : vector<64x85xf32> to vector<64x1xf32>
    %slice3A_516 = vector.extract_strided_slice %get3A_502 {offsets = [0, 12], sizes = [64, 1], strides = [1, 1]} : vector<64x24xf32> to vector<64x1xf32>
    %add3A_517 = arith.addf %slice3A_511, %slice3A_516 : vector<64x1xf32>
    %slice3A_518 = vector.extract_strided_slice %get3A_502 {offsets = [0, 13], sizes = [64, 1], strides = [1, 1]} : vector<64x24xf32> to vector<64x1xf32>
    %add3A_519 = arith.addf %slice3A_512, %slice3A_518 : vector<64x1xf32>
    %exp3A_520 = math.exp %slice3A_513 : vector<64x1xf32>
    %slice3A_521 = vector.extract_strided_slice %get3A_502 {offsets = [0, 14], sizes = [64, 1], strides = [1, 1]} : vector<64x24xf32> to vector<64x1xf32>
    %mul3A_522 = arith.mulf %exp3A_520, %slice3A_521 : vector<64x1xf32>
    %exp3A_523 = math.exp %slice3A_514 : vector<64x1xf32>
    %slice3A_524 = vector.extract_strided_slice %get3A_502 {offsets = [0, 15], sizes = [64, 1], strides = [1, 1]} : vector<64x24xf32> to vector<64x1xf32>
    %mul3A_525 = arith.mulf %exp3A_523, %slice3A_524 : vector<64x1xf32>
    %slice3A_526 = vector.extract_strided_slice %get3A_502 {offsets = [0, 8], sizes = [64, 1], strides = [1, 1]} : vector<64x24xf32> to vector<64x1xf32>
    %mul3A_527 = vector.broadcast %slice3A_526 : vector<64x1xf32> to vector<64x64xf32>
    %mul3A_528 = arith.mulf %convert_element_type3A_1, %mul3A_527 : vector<64x64xf32>
    %reduce_sum3A_529 = arith.constant dense<0.000000e+00> : vector<64xf32>
    %reduce_sum3A_530 = vector.multi_reduction <add>, %mul3A_528, %reduce_sum3A_529 [0] : vector<64x64xf32> to vector<64xf32>
    %broadcast_in_dim3A_531 = vector.shape_cast %reduce_sum3A_530 : vector<64xf32> to vector<1x64xf32>
    %slice3A_532 = vector.extract_strided_slice %get3A_502 {offsets = [0, 9], sizes = [64, 1], strides = [1, 1]} : vector<64x24xf32> to vector<64x1xf32>
    %mul3A_533 = vector.broadcast %slice3A_532 : vector<64x1xf32> to vector<64x64xf32>
    %mul3A_534 = arith.mulf %convert_element_type3A_1, %mul3A_533 : vector<64x64xf32>
    %reduce_sum3A_535 = arith.constant dense<0.000000e+00> : vector<64xf32>
    %reduce_sum3A_536 = vector.multi_reduction <add>, %mul3A_534, %reduce_sum3A_535 [0] : vector<64x64xf32> to vector<64xf32>
    %broadcast_in_dim3A_537 = vector.shape_cast %reduce_sum3A_536 : vector<64xf32> to vector<1x64xf32>
    %slice3A_538 = vector.extract_strided_slice %get3A_502 {offsets = [0, 10], sizes = [64, 1], strides = [1, 1]} : vector<64x24xf32> to vector<64x1xf32>
    %mul3A_539 = vector.broadcast %slice3A_538 : vector<64x1xf32> to vector<64x64xf32>
    %mul3A_540 = arith.mulf %convert_element_type3A_1, %mul3A_539 : vector<64x64xf32>
    %reduce_sum3A_541 = arith.constant dense<0.000000e+00> : vector<64xf32>
    %reduce_sum3A_542 = vector.multi_reduction <add>, %mul3A_540, %reduce_sum3A_541 [0] : vector<64x64xf32> to vector<64xf32>
    %broadcast_in_dim3A_543 = vector.shape_cast %reduce_sum3A_542 : vector<64xf32> to vector<1x64xf32>
    %slice3A_544 = vector.extract_strided_slice %get3A_502 {offsets = [0, 11], sizes = [64, 1], strides = [1, 1]} : vector<64x24xf32> to vector<64x1xf32>
    %mul3A_545 = vector.broadcast %slice3A_544 : vector<64x1xf32> to vector<64x64xf32>
    %mul3A_546 = arith.mulf %convert_element_type3A_1, %mul3A_545 : vector<64x64xf32>
    %reduce_sum3A_547 = arith.constant dense<0.000000e+00> : vector<64xf32>
    %reduce_sum3A_548 = vector.multi_reduction <add>, %mul3A_546, %reduce_sum3A_547 [0] : vector<64x64xf32> to vector<64xf32>
    %broadcast_in_dim3A_549 = vector.shape_cast %reduce_sum3A_548 : vector<64xf32> to vector<1x64xf32>
    %slice3A_550 = vector.extract_strided_slice %get3A_502 {offsets = [0, 7], sizes = [64, 1], strides = [1, 1]} : vector<64x24xf32> to vector<64x1xf32>
    %mul3A_551 = vector.broadcast %slice3A_550 : vector<64x1xf32> to vector<64x64xf32>
    %mul3A_552 = arith.mulf %convert_element_type3A_1, %mul3A_551 : vector<64x64xf32>
    %reduce_sum3A_553 = arith.constant dense<0.000000e+00> : vector<64xf32>
    %reduce_sum3A_554 = vector.multi_reduction <add>, %mul3A_552, %reduce_sum3A_553 [0] : vector<64x64xf32> to vector<64xf32>
    %broadcast_in_dim3A_555 = vector.shape_cast %reduce_sum3A_554 : vector<64xf32> to vector<1x64xf32>
    %mul3A_556 = arith.constant 5.000000e-01 : f32
    %mul3A_557 = vector.broadcast %mul3A_556 : f32 to vector<64x1xf32>
    %mul3A_558 = arith.mulf %mul3A_557, %mul3A_522 : vector<64x1xf32>
    %add3A_559 = arith.addf %add3A_517, %mul3A_558 : vector<64x1xf32>
    %mul3A_560 = arith.constant 5.000000e-01 : f32
    %mul3A_561 = vector.broadcast %mul3A_560 : f32 to vector<1x64xf32>
    %mul3A_562 = arith.mulf %mul3A_561, %broadcast_in_dim3A_543 : vector<1x64xf32>
    %add3A_563 = arith.addf %broadcast_in_dim3A_531, %mul3A_562 : vector<1x64xf32>
    %min3A_564 = vector.broadcast %add3A_559 : vector<64x1xf32> to vector<64x64xf32>
    %min3A_565 = vector.broadcast %add3A_563 : vector<1x64xf32> to vector<64x64xf32>
    %min3A_566 = arith.minimumf %min3A_564, %min3A_565 : vector<64x64xf32>
    %mul3A_567 = arith.constant 5.000000e-01 : f32
    %mul3A_568 = vector.broadcast %mul3A_567 : f32 to vector<64x1xf32>
    %mul3A_569 = arith.mulf %mul3A_568, %mul3A_522 : vector<64x1xf32>
    %sub3A_570 = arith.subf %add3A_517, %mul3A_569 : vector<64x1xf32>
    %mul3A_571 = arith.constant 5.000000e-01 : f32
    %mul3A_572 = vector.broadcast %mul3A_571 : f32 to vector<1x64xf32>
    %mul3A_573 = arith.mulf %mul3A_572, %broadcast_in_dim3A_543 : vector<1x64xf32>
    %sub3A_574 = arith.subf %broadcast_in_dim3A_531, %mul3A_573 : vector<1x64xf32>
    %max3A_575 = vector.broadcast %sub3A_570 : vector<64x1xf32> to vector<64x64xf32>
    %max3A_576 = vector.broadcast %sub3A_574 : vector<1x64xf32> to vector<64x64xf32>
    %max3A_577 = arith.maximumf %max3A_575, %max3A_576 : vector<64x64xf32>
    %sub3A_578 = arith.subf %min3A_566, %max3A_577 : vector<64x64xf32>
    %mul3A_579 = arith.constant 5.000000e-01 : f32
    %mul3A_580 = vector.broadcast %mul3A_579 : f32 to vector<64x1xf32>
    %mul3A_581 = arith.mulf %mul3A_580, %mul3A_525 : vector<64x1xf32>
    %add3A_582 = arith.addf %add3A_519, %mul3A_581 : vector<64x1xf32>
    %mul3A_583 = arith.constant 5.000000e-01 : f32
    %mul3A_584 = vector.broadcast %mul3A_583 : f32 to vector<1x64xf32>
    %mul3A_585 = arith.mulf %mul3A_584, %broadcast_in_dim3A_549 : vector<1x64xf32>
    %add3A_586 = arith.addf %broadcast_in_dim3A_537, %mul3A_585 : vector<1x64xf32>
    %min3A_587 = vector.broadcast %add3A_582 : vector<64x1xf32> to vector<64x64xf32>
    %min3A_588 = vector.broadcast %add3A_586 : vector<1x64xf32> to vector<64x64xf32>
    %min3A_589 = arith.minimumf %min3A_587, %min3A_588 : vector<64x64xf32>
    %mul3A_590 = arith.constant 5.000000e-01 : f32
    %mul3A_591 = vector.broadcast %mul3A_590 : f32 to vector<64x1xf32>
    %mul3A_592 = arith.mulf %mul3A_591, %mul3A_525 : vector<64x1xf32>
    %sub3A_593 = arith.subf %add3A_519, %mul3A_592 : vector<64x1xf32>
    %mul3A_594 = arith.constant 5.000000e-01 : f32
    %mul3A_595 = vector.broadcast %mul3A_594 : f32 to vector<1x64xf32>
    %mul3A_596 = arith.mulf %mul3A_595, %broadcast_in_dim3A_549 : vector<1x64xf32>
    %sub3A_597 = arith.subf %broadcast_in_dim3A_537, %mul3A_596 : vector<1x64xf32>
    %max3A_598 = vector.broadcast %sub3A_593 : vector<64x1xf32> to vector<64x64xf32>
    %max3A_599 = vector.broadcast %sub3A_597 : vector<1x64xf32> to vector<64x64xf32>
    %max3A_600 = arith.maximumf %max3A_598, %max3A_599 : vector<64x64xf32>
    %sub3A_601 = arith.subf %min3A_589, %max3A_600 : vector<64x64xf32>
    %gt3A_602 = arith.constant 0.000000e+00 : f32
    %gt3A_603 = vector.broadcast %gt3A_602 : f32 to vector<64x64xf32>
    %gt3A_604 = arith.cmpf ogt, %sub3A_578, %gt3A_603 : vector<64x64xf32>
    %gt3A_605 = arith.constant 0.000000e+00 : f32
    %gt3A_606 = vector.broadcast %gt3A_605 : f32 to vector<64x64xf32>
    %gt3A_607 = arith.cmpf ogt, %sub3A_601, %gt3A_606 : vector<64x64xf32>
    %and3A_608 = arith.andi %gt3A_604, %gt3A_607 : vector<64x64xi1>
    %convert_element_type3A_609 = arith.extui %and3A_608 : vector<64x64xi1> to vector<64x64xi32>
    %convert_element_type3A_610 = arith.sitofp %convert_element_type3A_609 : vector<64x64xi32> to vector<64x64xf32>
    %mul3A_611 = arith.mulf %sub3A_578, %sub3A_601 : vector<64x64xf32>
    %mul3A_612 = arith.mulf %mul3A_611, %convert_element_type3A_610 : vector<64x64xf32>
    %mul3A_613 = arith.mulf %mul3A_522, %mul3A_525 : vector<64x1xf32>
    %mul3A_614 = arith.mulf %broadcast_in_dim3A_543, %broadcast_in_dim3A_549 : vector<1x64xf32>
    %add3A_615 = vector.broadcast %mul3A_613 : vector<64x1xf32> to vector<64x64xf32>
    %add3A_616 = vector.broadcast %mul3A_614 : vector<1x64xf32> to vector<64x64xf32>
    %add3A_617 = arith.addf %add3A_615, %add3A_616 : vector<64x64xf32>
    %sub3A_618 = arith.subf %add3A_617, %mul3A_612 : vector<64x64xf32>
    %div3A_619 = arith.divf %mul3A_612, %sub3A_618 : vector<64x64xf32>
    %mul3A_620 = vector.broadcast %broadcast_in_dim3A_555 : vector<1x64xf32> to vector<64x64xf32>
    %mul3A_621 = arith.mulf %div3A_619, %mul3A_620 : vector<64x64xf32>
    %reduce_max3A_622 = arith.constant dense<0xFF800000> : vector<64xf32>
    %reduce_max3A_623 = vector.multi_reduction <maximumf>, %mul3A_621, %reduce_max3A_622 [1] : vector<64x64xf32> to vector<64xf32>
    %broadcast_in_dim3A_624 = vector.shape_cast %reduce_max3A_623 : vector<64xf32> to vector<64x1xf32>
    %gt3A_625 = arith.constant 0.699999988 : f32
    %gt3A_626 = vector.broadcast %gt3A_625 : f32 to vector<64x1xf32>
    %gt3A_627 = arith.cmpf ogt, %broadcast_in_dim3A_624, %gt3A_626 : vector<64x1xf32>
    %gt3A_628 = arith.constant 0.000000e+00 : f32
    %gt3A_629 = vector.broadcast %gt3A_628 : f32 to vector<64x1xf32>
    %gt3A_630 = arith.cmpf ogt, %slice3A_510, %gt3A_629 : vector<64x1xf32>
    %and3A_631 = arith.andi %gt3A_627, %gt3A_630 : vector<64x1xi1>
    %convert_element_type3A_632 = arith.extui %and3A_631 : vector<64x1xi1> to vector<64x1xi32>
    %convert_element_type3A_633 = arith.sitofp %convert_element_type3A_632 : vector<64x1xi32> to vector<64x1xf32>
    %log3A_634 = math.log %slice3A_511 : vector<64x1xf32>
    %max3A_635 = arith.constant -1.000000e+02 : f32
    %max3A_636 = vector.broadcast %max3A_635 : f32 to vector<64x1xf32>
    %max3A_637 = arith.maximumf %log3A_634, %max3A_636 : vector<64x1xf32>
    %mul3A_638 = arith.mulf %slice3A_505, %max3A_637 : vector<64x1xf32>
    %sub3A_639 = arith.constant 1.000000e+00 : f32
    %sub3A_640 = vector.broadcast %sub3A_639 : f32 to vector<64x1xf32>
    %sub3A_641 = arith.subf %sub3A_640, %slice3A_505 : vector<64x1xf32>
    %sub3A_642 = arith.constant 1.000000e+00 : f32
    %sub3A_643 = vector.broadcast %sub3A_642 : f32 to vector<64x1xf32>
    %sub3A_644 = arith.subf %sub3A_643, %slice3A_511 : vector<64x1xf32>
    %log3A_645 = math.log %sub3A_644 : vector<64x1xf32>
    %max3A_646 = arith.constant -1.000000e+02 : f32
    %max3A_647 = vector.broadcast %max3A_646 : f32 to vector<64x1xf32>
    %max3A_648 = arith.maximumf %log3A_645, %max3A_647 : vector<64x1xf32>
    %mul3A_649 = arith.mulf %sub3A_641, %max3A_648 : vector<64x1xf32>
    %add3A_650 = arith.addf %mul3A_638, %mul3A_649 : vector<64x1xf32>
    %neg3A_651 = arith.constant 0.000000e+00 : f32
    %neg3A_652 = vector.broadcast %neg3A_651 : f32 to vector<64x1xf32>
    %neg3A_653 = arith.subf %neg3A_652, %add3A_650 : vector<64x1xf32>
    %log3A_654 = math.log %slice3A_512 : vector<64x1xf32>
    %max3A_655 = arith.constant -1.000000e+02 : f32
    %max3A_656 = vector.broadcast %max3A_655 : f32 to vector<64x1xf32>
    %max3A_657 = arith.maximumf %log3A_654, %max3A_656 : vector<64x1xf32>
    %mul3A_658 = arith.mulf %slice3A_506, %max3A_657 : vector<64x1xf32>
    %sub3A_659 = arith.constant 1.000000e+00 : f32
    %sub3A_660 = vector.broadcast %sub3A_659 : f32 to vector<64x1xf32>
    %sub3A_661 = arith.subf %sub3A_660, %slice3A_506 : vector<64x1xf32>
    %sub3A_662 = arith.constant 1.000000e+00 : f32
    %sub3A_663 = vector.broadcast %sub3A_662 : f32 to vector<64x1xf32>
    %sub3A_664 = arith.subf %sub3A_663, %slice3A_512 : vector<64x1xf32>
    %log3A_665 = math.log %sub3A_664 : vector<64x1xf32>
    %max3A_666 = arith.constant -1.000000e+02 : f32
    %max3A_667 = vector.broadcast %max3A_666 : f32 to vector<64x1xf32>
    %max3A_668 = arith.maximumf %log3A_665, %max3A_667 : vector<64x1xf32>
    %mul3A_669 = arith.mulf %sub3A_661, %max3A_668 : vector<64x1xf32>
    %add3A_670 = arith.addf %mul3A_658, %mul3A_669 : vector<64x1xf32>
    %sub3A_671 = arith.subf %neg3A_653, %add3A_670 : vector<64x1xf32>
    %mul3A_672 = arith.mulf %sub3A_671, %slice3A_504 : vector<64x1xf32>
    %mul3A_673 = arith.mulf %mul3A_672, %slice3A_504 : vector<64x1xf32>
    %mul3A_674 = arith.mulf %slice3A_513, %slice3A_504 : vector<64x1xf32>
    %mul3A_675 = arith.mulf %slice3A_507, %slice3A_504 : vector<64x1xf32>
    %sub3A_676 = arith.subf %mul3A_674, %mul3A_675 : vector<64x1xf32>
    %integer_pow3A_677 = arith.mulf %sub3A_676, %sub3A_676 : vector<64x1xf32>
    %mul3A_678 = arith.mulf %slice3A_514, %slice3A_504 : vector<64x1xf32>
    %mul3A_679 = arith.mulf %slice3A_508, %slice3A_504 : vector<64x1xf32>
    %sub3A_680 = arith.subf %mul3A_678, %mul3A_679 : vector<64x1xf32>
    %integer_pow3A_681 = arith.mulf %sub3A_680, %sub3A_680 : vector<64x1xf32>
    %add3A_682 = arith.addf %integer_pow3A_677, %integer_pow3A_681 : vector<64x1xf32>
    %mul3A_683 = arith.constant 5.000000e-01 : f32
    %mul3A_684 = vector.broadcast %mul3A_683 : f32 to vector<64x1xf32>
    %mul3A_685 = arith.mulf %add3A_682, %mul3A_684 : vector<64x1xf32>
    %log3A_686 = math.log %slice3A_515 : vector<64x1xf32>
    %max3A_687 = arith.constant -1.000000e+02 : f32
    %max3A_688 = vector.broadcast %max3A_687 : f32 to vector<64x1xf32>
    %max3A_689 = arith.maximumf %log3A_686, %max3A_688 : vector<64x1xf32>
    %neg3A_690 = arith.constant 0.000000e+00 : f32
    %neg3A_691 = vector.broadcast %neg3A_690 : f32 to vector<64x1xf32>
    %neg3A_692 = arith.subf %neg3A_691, %max3A_689 : vector<64x1xf32>
    %sub3A_693 = arith.constant 1.000000e+00 : f32
    %sub3A_694 = vector.broadcast %sub3A_693 : f32 to vector<64x1xf32>
    %sub3A_695 = arith.subf %sub3A_694, %convert_element_type3A_633 : vector<64x1xf32>
    %sub3A_696 = arith.constant 1.000000e+00 : f32
    %sub3A_697 = vector.broadcast %sub3A_696 : f32 to vector<64x1xf32>
    %sub3A_698 = arith.subf %sub3A_697, %slice3A_515 : vector<64x1xf32>
    %log3A_699 = math.log %sub3A_698 : vector<64x1xf32>
    %max3A_700 = arith.constant -1.000000e+02 : f32
    %max3A_701 = vector.broadcast %max3A_700 : f32 to vector<64x1xf32>
    %max3A_702 = arith.maximumf %log3A_699, %max3A_701 : vector<64x1xf32>
    %mul3A_703 = arith.mulf %sub3A_695, %max3A_702 : vector<64x1xf32>
    %add3A_704 = arith.addf %neg3A_692, %mul3A_703 : vector<64x1xf32>
    %eq3A_705 = vector.broadcast %convert_element_type3A_3 : vector<1x80xf32> to vector<64x80xf32>
    %eq3A_706 = vector.broadcast %slice3A_509 : vector<64x1xf32> to vector<64x80xf32>
    %eq3A_707 = arith.cmpf oeq, %eq3A_705, %eq3A_706 : vector<64x80xf32>
    %convert_element_type3A_708 = arith.extui %eq3A_707 : vector<64x80xi1> to vector<64x80xi32>
    %convert_element_type3A_709 = arith.sitofp %convert_element_type3A_708 : vector<64x80xi32> to vector<64x80xf32>
    %slice3A_710 = vector.extract_strided_slice %get3A_496 {offsets = [0, 5], sizes = [64, 80], strides = [1, 1]} : vector<64x85xf32> to vector<64x80xf32>
    %log3A_711 = math.log %slice3A_710 : vector<64x80xf32>
    %max3A_712 = arith.constant -1.000000e+02 : f32
    %max3A_713 = vector.broadcast %max3A_712 : f32 to vector<64x80xf32>
    %max3A_714 = arith.maximumf %log3A_711, %max3A_713 : vector<64x80xf32>
    %mul3A_715 = arith.mulf %convert_element_type3A_709, %max3A_714 : vector<64x80xf32>
    %sub3A_716 = arith.constant 1.000000e+00 : f32
    %sub3A_717 = vector.broadcast %sub3A_716 : f32 to vector<64x80xf32>
    %sub3A_718 = arith.subf %sub3A_717, %convert_element_type3A_709 : vector<64x80xf32>
    %sub3A_719 = arith.constant 1.000000e+00 : f32
    %sub3A_720 = vector.broadcast %sub3A_719 : f32 to vector<64x80xf32>
    %sub3A_721 = arith.subf %sub3A_720, %slice3A_710 : vector<64x80xf32>
    %log3A_722 = math.log %sub3A_721 : vector<64x80xf32>
    %max3A_723 = arith.constant -1.000000e+02 : f32
    %max3A_724 = vector.broadcast %max3A_723 : f32 to vector<64x80xf32>
    %max3A_725 = arith.maximumf %log3A_722, %max3A_724 : vector<64x80xf32>
    %mul3A_726 = arith.mulf %sub3A_718, %max3A_725 : vector<64x80xf32>
    %add3A_727 = arith.addf %mul3A_715, %mul3A_726 : vector<64x80xf32>
    %neg3A_728 = arith.constant 0.000000e+00 : f32
    %neg3A_729 = vector.broadcast %neg3A_728 : f32 to vector<64x80xf32>
    %neg3A_730 = arith.subf %neg3A_729, %add3A_727 : vector<64x80xf32>
    %reduce_sum3A_731 = arith.constant dense<0.000000e+00> : vector<64xf32>
    %reduce_sum3A_732 = vector.multi_reduction <add>, %neg3A_730, %reduce_sum3A_731 [1] : vector<64x80xf32> to vector<64xf32>
    %broadcast_in_dim3A_733 = vector.shape_cast %reduce_sum3A_732 : vector<64xf32> to vector<64x1xf32>
    %add3A_734 = arith.addf %mul3A_673, %mul3A_685 : vector<64x1xf32>
    %add3A_735 = arith.addf %add3A_734, %add3A_704 : vector<64x1xf32>
    %add3A_736 = arith.addf %add3A_735, %broadcast_in_dim3A_733 : vector<64x1xf32>
    %mul3A_737 = arith.mulf %add3A_736, %slice3A_503 : vector<64x1xf32>
    %reduce_sum3A_738 = vector.shape_cast %mul3A_737 : vector<64x1xf32> to vector<1x64x1xf32>
    %reduce_sum3A_739 = arith.constant dense<0.000000e+00> : vector<1xf32>
    %reduce_sum3A_740 = vector.multi_reduction <add>, %reduce_sum3A_738, %reduce_sum3A_739 [1, 2] : vector<1x64x1xf32> to vector<1xf32>
    %reduce_sum3A_741 = vector.shape_cast %reduce_sum3A_740 : vector<1xf32> to vector<1x1x1xf32>
    %reduce_sum3A_742 = vector.extract %reduce_sum3A_741[0, 0, 0] : f32 from vector<1x1x1xf32>
    %add3A_743 = arith.addf %add3A_491, %reduce_sum3A_742 : f32
    %eq3A_744 = arith.constant 0 : i32
    %eq3A_745 = arith.cmpi eq, %arg0, %eq3A_744 : i32
    %convert_element_type3A_746 = arith.extui %eq3A_745 : i1 to i32
    %cond3A = arith.constant 0 : i32
    %cond3A_747 = arith.cmpi ne, %convert_element_type3A_746, %cond3A : i32
    scf.if %cond3A_747 {
      %broadcast_in_dim3A_755 = arith.constant 0.000000e+00 : f32
      %broadcast_in_dim3A_756 = vector.broadcast %broadcast_in_dim3A_755 : f32 to vector<1x1xf32>
      %swap3A_757 = arith.constant 0 : index
      %swap3A_758 = arith.constant 0 : index
      %swap3A_759 = vector.load %arg5[%swap3A_757, %swap3A_758] : memref<1x1xf32, #tpu.memory_space<vmem>>, vector<1x1xf32>
      tpu.vector_store %arg5[%swap3A_757, %swap3A_758], %broadcast_in_dim3A_756 {strides = array<i32>} : memref<1x1xf32, #tpu.memory_space<vmem>>, vector<1x1xf32>,
    } else {
    }
    %get3A_748 = arith.constant 0 : index
    %get3A_749 = arith.constant 0 : index
    %get3A_750 = vector.load %arg5[%get3A_748, %get3A_749] : memref<1x1xf32, #tpu.memory_space<vmem>>, vector<1x1xf32>
    %add3A_751 = vector.broadcast %add3A_743 : f32 to vector<1x1xf32>
    %add3A_752 = arith.addf %get3A_750, %add3A_751 : vector<1x1xf32>
    %swap3A = arith.constant 0 : index
    %swap3A_753 = arith.constant 0 : index
    %swap3A_754 = vector.load %arg5[%swap3A, %swap3A_753] : memref<1x1xf32, #tpu.memory_space<vmem>>, vector<1x1xf32>
    tpu.vector_store %arg5[%swap3A, %swap3A_753], %add3A_752 {strides = array<i32>} : memref<1x1xf32, #tpu.memory_space<vmem>>, vector<1x1xf32>,
    return
  }
  func.func @transform_0(%arg0: i32) -> (i32, i32, i32) {
    %c0_i32 = arith.constant 0 : i32
    %c0_i32_0 = arith.constant 0 : i32
    %c0_i32_1 = arith.constant 0 : i32
    return %arg0, %c0_i32, %c0_i32_0 : i32, i32, i32
  }
  func.func @transform_1(%arg0: i32) -> (i32, i32, i32) {
    %c0_i32 = arith.constant 0 : i32
    %c0_i32_0 = arith.constant 0 : i32
    %c0_i32_1 = arith.constant 0 : i32
    return %arg0, %c0_i32, %c0_i32_0 : i32, i32, i32
  }
  func.func @transform_2(%arg0: i32) -> (i32, i32, i32) {
    %c0_i32 = arith.constant 0 : i32
    %c0_i32_0 = arith.constant 0 : i32
    %c0_i32_1 = arith.constant 0 : i32
    return %arg0, %c0_i32, %c0_i32_0 : i32, i32, i32
  }
  func.func @transform_3(%arg0: i32) -> (i32, i32, i32, i32) {
    %c0_i32 = arith.constant 0 : i32
    %c0_i32_0 = arith.constant 0 : i32
    %c0_i32_1 = arith.constant 0 : i32
    %c0_i32_2 = arith.constant 0 : i32
    return %arg0, %c0_i32, %c0_i32_0, %c0_i32_1 : i32, i32, i32, i32
  }
  func.func @transform_4(%arg0: i32) -> (i32, i32) {
    %c0_i32 = arith.constant 0 : i32
    %c0_i32_0 = arith.constant 0 : i32
    %c0_i32_1 = arith.constant 0 : i32
    return %c0_i32, %c0_i32_0 : i32, i32
  }
}

</mosaic_0001>

<sc_bundles>
// kernel: kernel.6.cloned.1.call-start
scs
__scs_entry_jumppad:
0x0: {  	(pc) =	sbr.rel $0x88, $3  }
0x1: {  	(tag) =	ssettag $0x0;
	lr =	simm.s32 $0x1  }
0x2: {  	[smem:$0x3F9D] =	sst lr;
	_ =	strace $0xD0000000  }
0x3: {  	_ = 	snop  }
0x4: {  	_ = 	snop  }
0x5: {  	_ = 	snop  }
0x6: {  	_ = 	snop  }
0x7: {  	_ = 	snop  }
__scs_overlays_trampoline_lowered:
0x8: {  	[smem:$0x3FAC] =	sst s0  }
0x9: {  	[smem:$0x3FAD] =	sst s1  }
0xa: {  	[smem:$0x3FAE] =	sst s2  }
0xb: {  	[smem:$0x3FAF] =	sst s3  }
0xc: {  	[smem:$0x3FB0] =	sst s4  }
0xd: {  	[smem:$0x3FB1] =	sst s5  }
0xe: {  	[smem:$0x3FB2] =	sst s6  }
0xf: {  	[smem:$0x3FB3] =	sst s7  }
0x10: {  	[smem:$0x3FB4] =	sst s8  }
0x11: {  	[smem:$0x3FB5] =	sst s9;
	s0 =	simm.s32 @!p0 $0x0  }
0x12: {  	s1 =	sld [smem:$0x3F9B];
	s0 =	simm.s32 @p0 $0x1  }
0x13: {  	[smem:$0x3FB6] =	sst s0;
	s0 =	simm.s32 @!p1 $0x0  }
0x14: {  	s2 =	sld [smem:$0x3F9A];
	s0 =	simm.s32 @p1 $0x1  }
0x15: {  	[smem:$0x3FB7] =	sst s0;
	s0 =	simm.s32 @!p2 $0x0  }
0x16: {  	s3 =	sld [smem:$0x3FDB];
	s0 =	simm.s32 @p2 $0x1  }
0x17: {  	s4 =	simm.s32 $0x1BF5;
	[smem:$0x3FB9] =	sst s0  }
0x18: {  	s0 =	sld [smem:$0x3F9C];
	_ =	swait.ge [sflag:s4], $0x0  }
0x19: {  	s7 =	sld [smem:$0x3F9D]  }
0x1a: {  	s8 =	sadd.s32 $0xFFFFE003, lr  }
0x1b: {  	s9 =	sadd.s32 $0xFFFFFEF7, lr;
	s5 =	simm.s32 $0xFFFFFFFF;
	p2 =	slt.u32 s8, $0xFFFFF086  }
0x1c: {  	p1 =	slt.u32 s9, $0xF7A;
	s5 =	simm.s32 @!p2 $0x0  }
0x1d: {  	s5 =	simm.s32 @p1 $0x1;
	p0 =	seq.s32 s7, s2  }
0x1e: {  	s7 =	smul.u32 @!p0 $0xF7A, s2;
	p2 =	seq.s32 @!p0 s5, $0x0  }
0x1f: {  	s9 =	smul.u32 $0xF7A, s1;
	s8 =	simm.s32 @!p0 $0x1BF5;
	p2 =	por !p2, p0  }
0x20: {  	[sflag:s8] =	ssyncset.s32 @!p0 $0xFFFFF086;
	s6 =	sadd.s32 @!p0 s3, s7;
	s7 =	simm.s32 @!p0 $0x108  }
0x21: {  	s3 =	sadd.s32 s3, s9;
	s6 =	sadd.s32 @!p0 $0x88, s6;
	s7 =	simm.s32 @p2 $0x1082  }
0x22: {  	[simem:s7], [sflag:s8] =	dma.local @!p0 [hbm:s6], $0xF7A  }
0x23: {  	s9 =	sor.u32 $0xD0000000, s2;
	s6 =	simm.s32 $0x108;
	_ =	swait.ge @!p0 [sflag:s8], $0x0  }
0x24: {  	s3 =	sadd.s32 $0x88, s3;
	s6 =	simm.s32 @!p1 $0x1082;
	[sflag:s4] =	ssyncset.s32 $0xFFFFF086  }
0x25: {  	[simem:s6], [sflag:s4] =	dma.local [hbm:s3], $0xF7A  }
0x26: {  	[smem:$0x3F9D] =	sst s1;
	(tag) =	ssettag s2;
	_ =	strace s9  }
0x27: {  	s1 =	sld [smem:$0x3FAD]  }
0x28: {  	s2 =	sld [smem:$0x3FAE]  }
0x29: {  	s4 =	sld [smem:$0x3FB0]  }
0x2a: {  	p0 =	seq.s32 s5, $0x0;
	s5 =	sld [smem:$0x3FB1]  }
0x2b: {  	s6 =	sld [smem:$0x3FB2]  }
0x2c: {  	s7 =	sld [smem:$0x3FB3]  }
0x2d: {  	s3 =	simm.s32 $0x108;
	s8 =	sld [smem:$0x3FB4]  }
0x2e: {  	s3 =	simm.s32 @!p0 $0x1082;
	s9 =	sld [smem:$0x3FB5]  }
0x2f: {  	lr =	sadd.s32 s0, s3;
	s0 =	sld [smem:$0x3FAC]  }
0x30: {  	s3 =	sld [smem:$0x3FAF]  }
0x31: {  	[smem:$0x3FB8] =	sst s10  }
0x32: {  	s10 =	sld [smem:$0x3FB6];
	_ =	sdelay $0x3  }
0x33: {  	p0 =	seq.s32 s10, $0x1;
	s10 =	sld [smem:$0x3FB8];
	_ =	sdelay $0x3  }
0x34: {  	[smem:$0x3FB8] =	sst s10  }
0x35: {  	s10 =	sld [smem:$0x3FB7];
	_ =	sdelay $0x3  }
0x36: {  	p1 =	seq.s32 s10, $0x1;
	s10 =	sld [smem:$0x3FB8];
	_ =	sdelay $0x3  }
0x37: {  	[smem:$0x3FB8] =	sst s10  }
0x38: {  	s10 =	sld [smem:$0x3FB9]  }
0x39: {  	_ = 	snop;
	(pc) =	sbr.ind lr, $3  }
0x3a: {  	_ = 	snop  }
0x3b: {  	_ = 	snop  }
0x3c: {  	p2 =	seq.s32 s10, $0x1;
	s10 =	sld [smem:$0x3FB8]  }
0x3d: {  	_ =	shalt  }
0x3e: {  	_ =	shalt  }
0x3f: {  	_ =	shalt  }
0x40: {  	_ =	shalt  }
0x41: {  	_ =	shalt  }
0x42: {  	_ =	shalt  }
0x43: {  	_ =	shalt  }
0x44: {  	_ =	shalt  }
0x45: {  	_ =	shalt  }
0x46: {  	_ =	shalt  }
0x47: {  	_ =	shalt  }
0x48: {  	_ =	shalt  }
0x49: {  	_ =	shalt  }
0x4a: {  	_ =	shalt  }
0x4b: {  	_ =	shalt  }
0x4c: {  	_ =	shalt  }
0x4d: {  	_ =	shalt  }
0x4e: {  	_ =	shalt  }
0x4f: {  	_ =	shalt  }
0x50: {  	_ =	shalt  }
0x51: {  	_ =	shalt  }
0x52: {  	_ =	shalt  }
0x53: {  	_ =	shalt  }
0x54: {  	_ =	shalt  }
0x55: {  	_ =	shalt  }
0x56: {  	_ =	shalt  }
0x57: {  	_ =	shalt  }
0x58: {  	_ =	shalt  }
0x59: {  	_ =	shalt  }
0x5a: {  	_ =	shalt  }
0x5b: {  	_ =	shalt  }
0x5c: {  	_ =	shalt  }
0x5d: {  	_ =	shalt  }
0x5e: {  	_ =	shalt  }
0x5f: {  	_ =	shalt  }
0x60: {  	_ =	shalt  }
0x61: {  	_ =	shalt  }
0x62: {  	_ =	shalt  }
0x63: {  	_ =	shalt  }
0x64: {  	_ =	shalt  }
0x65: {  	_ =	shalt  }
0x66: {  	_ =	shalt  }
0x67: {  	_ =	shalt  }
0x68: {  	_ =	shalt  }
0x69: {  	_ =	shalt  }
0x6a: {  	_ =	shalt  }
0x6b: {  	_ =	shalt  }
0x6c: {  	_ =	shalt  }
0x6d: {  	_ =	shalt  }
0x6e: {  	_ =	shalt  }
0x6f: {  	_ =	shalt  }
0x70: {  	_ =	shalt  }
0x71: {  	_ =	shalt  }
0x72: {  	_ =	shalt  }
0x73: {  	_ =	shalt  }
0x74: {  	_ =	shalt  }
0x75: {  	_ =	shalt  }
0x76: {  	_ =	shalt  }
0x77: {  	_ =	shalt  }
0x78: {  	_ =	shalt  }
0x79: {  	_ =	shalt  }
0x7a: {  	_ =	shalt  }
0x7b: {  	_ =	shalt  }
0x7c: {  	_ =	shalt  }
0x7d: {  	_ =	shalt  }
0x7e: {  	_ =	shalt  }
0x7f: {  	_ =	shalt  }
0x80: {  	_ =	shalt  }
0x81: {  	_ =	shalt  }
0x82: {  	_ =	shalt  }
0x83: {  	_ =	shalt  }
0x84: {  	_ =	shalt  }
0x85: {  	_ =	shalt  }
0x86: {  	_ =	shalt  }
0x87: {  	_ =	shalt  }
.Lfunc_end0:
.L_simem_size_0:
called_computation_lowered:
.L_overlay_start_0:
0x88: {  	s2 =	sld [smem:$0x3FD9]  }
0x89: {  	s3 =	sld [smem:$0x3FFE];
	_ =	sdelay $0x1  }
0x8a: {  	s1 =	srdreg.scid  }
0x8b: {  	s0 =	sand.u32 $0x1, s1  }
0x8c: {  	s16 =	sshll.u32 s0, $0xA;
	s2 =	sadd.s32 s3, s2  }
0x8d: {  	s2 =	sadd.s32 s2, s16  }
0x8e: {  	[smem:$0x3FC4] =	sst s2  }
0x8f: {  	_ = 	snop  }
0x90: {  	(tm) =	ssettm $0x1  }
0x91: {  	s17 =	sld [smem:$0x3FFB];
	_ =	sdelay $0x3  }
0x92: {  	_ =	strace s17  }
0x93: {  	s2 =	sld [smem:$0x3FFC];
	_ =	sdelay $0x3  }
0x94: {  	_ =	strace s2  }
0x95: {  	s2 =	sld [smem:$0x3FFD];
	_ =	sdelay $0x3  }
0x96: {  	_ =	strace s2  }
0x97: {  	_ =	strace $0x8FFFFFFF  }
0x98: {  	s18 =	sld [smem:$0x3FDB];
	_ =	sdelay $0x1  }
0x99: {  	s19 =	simm.s32 $_scs_section_size  }
0x9a: {  	s4 =	simm.s32 $_size__tile_overlayer_lowered;
	s5 =	simm.s32 $_tile_overlayer_lowered  }
0x9b: {  	s22 =	simm.s32 $0x1BFF;
	s21 =	sshll.u32 s5, $0x1;
	s2 =	sadd.s32 s19, s18  }
0x9c: {  	s6 =	simm.s32 $0x0;
	s20 =	sshll.u32 s4, $0x1;
	s4 =	sadd.s32 s21, s2  }
0x9d: {  	[timem:s6], [sflag:s22] =	dma.local [hbm:s4], s20  }
0x9e: {  	_ =	swait.ge [sflag:s22], s20  }
0x9f: {  	s3 =	ssub.s32 $0x0, s20;
	[sflag:s22] =	ssyncset.done $0x0  }
0xa0: {  	[sflag:s22] =	ssyncadd.s32 s3;
	_ =	sdelay $0x1  }
0xa1: {  	s23 =	simm.s32 $0x1B8B  }
0xa2: {  	_ =	swait.ge [sflag:s23], $0x1  }
0xa3: {  	[sflag:s23] =	ssyncset.done $0x0  }
0xa4: {  	s25 =	simm.s32 $0x1B8E;
	s24 =	sld [smem:$0x3FFE];
	[sflag:s23] =	ssyncadd.s32 $0xFFFFFFFF  }
0xa5: {  	s26 =	simm.s32 $execute0_lowered;
	[smem:$0x3FD2] =	sst s25  }
0xa6: {  	s4 =	sshll.u32 s26, $0x1;
	_ =	strace $0x80000046;
	[dreg:$0x1] =	wrdreg $0xFFFFFFFF  }
0xa7: {  	s28 =	simm.s32 $_size_execute0_lowered;
	s2 =	sadd.s32 s2, s4;
	[dreg:$0x0] =	wrdreg $0x0  }
0xa8: {  	s4 =	sshll.u32 s28, $0x1;
	[dreg:$0x2] =	wrdreg s2  }
0xa9: {  	[dreg:$0x3] =	wrdreg s4  }
0xaa: {  	[dreg:$0x4] =	wrdreg $0xC0  }
0xab: {  	_ =	task [dreg:s6], $0x5FFFF  }
0xac: {  	[dreg:$0x1] =	wrdreg $0xFFFFFFFF  }
0xad: {  	[dreg:$0x0] =	wrdreg $0x60  }
0xae: {  	[dreg:$0x2] =	wrdreg s24  }
0xaf: {  	[dreg:$0x3] =	wrdreg $0x9  }
0xb0: {  	_ =	task.clear_ibuf [dreg:s6], $0x4FFFF;
	_ =	strace $0x90000046  }
0xb1: {  	s29 =	simm.s32 $0x9;
	_ =	strace $0x80000048  }
0xb2: {  	_ =	swait.ge [sflag:s29], $0x1  }
0xb3: {  	[sflag:s29] =	ssyncadd.s32 $0xFFFFFFFF  }
0xb4: {  	_ =	strace $0x90000048  }
0xb5: {  	_ =	sfence  }
0xb6: {  	s30 =	sld [smem:$0x0];
	_ =	sdelay $0x2  }
0xb7: {  	s31 =	sshll.u32 s1, $0xD;
	s1 =	sshrl.u32 s1, $0x2  }
0xb8: {  	s3 =	sand.u32 $0x4000, s31;
	s1 =	sadd.s32 s1, s30  }
0xb9: {  	s0 =	sor.u32 s3, s0;
	s1 =	sshll.u32 s1, $0x11  }
0xba: {  	s0 =	sor.u32 s1, s0  }
0xbb: {  	s0 =	sadd.s32 $0x8F2B, s0  }
0xbc: {  	[sflag:s0] =	ssyncadd.remote.s32 $0x1  }
0xbd: {  	_ =	sfence.sel $0xFFFF  }
0xbe: {  	[dreg:$0x0] =	wrdreg $0xFFFFFFFF;
	(pc) =	sbr.abs _section_cstart, $3  }
0xbf: {  	[dreg:$0x1] =	wrdreg $0xFFFFFFFF  }
0xc0: {  	_ =	task.clear_ibuf [dreg:s6], $0x2FFFF;
	_ =	strace $0x9FFFFFFF  }
0xc1: {  	(tm) =	ssettm $0x7FFFFFFF  }
tec
execute0_lowered:
.L_overlay_start_1:
0x0: {  	(tag) =	ssettag $0x1  }
0x1: {  	s1 =	srdreg.scid;
	s0 =	stileid.u32  }
0x2: {  	s15 =	sand.u32 $0x1, s1;
	s30 =	sshll.u32 s0, $0x1  }
0x3: {  	s1 =	sor.u32 s15, s30  }
0x4: {  	s14 =	rddreg [dreg:$0x0];
	s2 =	simm.s32 $0x0;
	s3 =	smul.u32 $0xAA, s1  }
0x5: {  	[smem:$0x7FF] =	sst s2  }
0x6: {  	s1 =	rddreg [dreg:$0x1];
	s16 =	sadd.s32 s3, s14  }
0x7: {  	_ =	strace $0x80000047;
	s3 =	simm.s32 $0x2;
	s4 =	sadd.s32 $0xB000, s16  }
0x8: {  	[tilespmem:s2], [sflag:$0x2] =	stream.linear.gather [hbm4b:s4+s2], $0x550, $0x38;
	[tilespmem:$0xB00] =	vst v63  }
0x9: {  	_ =	swait.ge [sflag:s3], $0x550  }
0xa: {  	s6 =	simm.s32 $0x550;
	s7 =	simm.s32 $0x580;
	[sflag:s3] =	ssyncset.done $0x0  }
0xb: {  	s8 =	simm.s32 $0x1;
	s5 =	sadd.s32 $0x69200, s14;
	[sflag:s3] =	ssyncadd.s32 $0xFFFFFAB0  }
0xc: {  	[tilespmem:s7], [sflag:$0x1] =	stream.indirect.gather [hbm4b:s5+s6], $0x1, s2, s6, $0xb8;
	[tilespmem:$0xB00] =	vst v63  }
0xd: {  	_ =	swait.ge [sflag:s8], $0x550  }
0xe: {  	[sflag:s8] =	ssyncset.done $0x0  }
0xf: {  	s9 =	sadd.s32 $0x7FA00, s16;
	[sflag:s8] =	ssyncadd.s32 $0xFFFFFAB0  }
0x10: {  	[hbm4b:s9+s2] =	stream.linear.scatter [tilespmem:s7], [sflag:$0x2], $0x550, $0x38;
	[tilespmem:$0xB00] =	vst v63  }
0x11: {  	_ =	swait.ge [sflag:s3], $0x550  }
0x12: {  	[sflag:s3] =	ssyncset.done $0x0  }
0x13: {  	s10 =	sadd.s32 $0xC600, s16;
	[sflag:s3] =	ssyncadd.s32 $0xFFFFFAB0  }
0x14: {  	[tilespmem:s2], [sflag:$0x2] =	stream.linear.gather [hbm4b:s10+s2], $0x550, $0x38;
	[tilespmem:$0xB00] =	vst v63  }
0x15: {  	_ =	swait.ge [sflag:s3], $0x550  }
0x16: {  	[sflag:s3] =	ssyncset.done $0x0  }
0x17: {  	s11 =	sadd.s32 $0xF200, s14;
	[sflag:s3] =	ssyncadd.s32 $0xFFFFFAB0  }
0x18: {  	[tilespmem:s7], [sflag:$0x1] =	stream.indirect.gather [hbm4b:s11+s6], $0x1, s2, s6, $0xb8;
	[tilespmem:$0xB00] =	vst v63  }
0x19: {  	_ =	swait.ge [sflag:s8], $0x550  }
0x1a: {  	[sflag:s8] =	ssyncset.done $0x0  }
0x1b: {  	s12 =	sadd.s32 $0x81000, s16;
	[sflag:s8] =	ssyncadd.s32 $0xFFFFFAB0  }
0x1c: {  	[hbm4b:s12+s2] =	stream.linear.scatter [tilespmem:s7], [sflag:$0x2], $0x550, $0x38;
	[tilespmem:$0xB00] =	vst v63  }
0x1d: {  	_ =	swait.ge [sflag:s3], $0x550  }
0x1e: {  	[sflag:s3] =	ssyncset.done $0x0  }
0x1f: {  	s15 =	ssub.s32 $0x2, s15;
	s13 =	sadd.s32 $0xDC00, s16;
	[sflag:s3] =	ssyncadd.s32 $0xFFFFFAB0  }
0x20: {  	[tilespmem:s2], [sflag:$0x2] =	stream.linear.gather [hbm4b:s13+s2], $0x550, $0x38;
	[tilespmem:$0xB00] =	vst v63  }
0x21: {  	s17 =	sshrl.u32 s15, $0x1;
	_ =	swait.ge [sflag:s3], $0x550  }
0x22: {  	s17 =	ssub.s32 s15, s17;
	[sflag:s3] =	ssyncset.done $0x0  }
0x23: {  	s14 =	sadd.s32 $0x249200, s14;
	s31 =	smax.u32 s17, $0x1;
	[sflag:s3] =	ssyncadd.s32 $0xFFFFFAB0  }
0x24: {  	[tilespmem:s7], [sflag:$0x1] =	stream.indirect.gather [hbm4b:s14+s6], $0x1, s2, s6, $0xb8;
	[tilespmem:$0xB00] =	vst v63  }
0x25: {  	p0 =	sne.s32 s31, $0x1;
	_ =	swait.ge [sflag:s8], $0x550  }
.Ltmp0:
0x26: {  	[sflag:s8] =	ssyncset.done $0x0;
	(pc) =	sbr.rel @!p0 .LBB2_2-.Ltmp0, $4  }
0x27: {  	s15 =	sadd.s32 $0x82600, s16;
	[sflag:s8] =	ssyncadd.s32 $0xFFFFFAB0  }
0x28: {  	[hbm4b:s15+s2] =	stream.linear.scatter [tilespmem:s7], [sflag:$0x2], $0x550, $0x38;
	[tilespmem:$0xB00] =	vst v63  }
0x29: {  	_ =	swait.ge [sflag:s3], $0x550  }
0x2a: {  	s16 =	sadd.s32 $0xFFFFFFFF, s31;
	[sflag:s3] =	ssyncset.done $0x0  }
.LBB2_1:
0x2b: {  	p0 =	sne.s32 s16, $0x1;
	s16 =	sadd.s32 $0xFFFFFFFF, s16;
	[sflag:s3] =	ssyncadd.s32 $0xFFFFFAB0  }
0x2c: {  	[tilespmem:s2], [sflag:$0x2] =	stream.linear.gather [hbm4b:s4+s2], $0x550, $0x38;
	[tilespmem:$0xB00] =	vst v63  }
0x2d: {  	_ =	swait.ge [sflag:s3], $0x550  }
0x2e: {  	[sflag:s3] =	ssyncset.done $0x0  }
0x2f: {  	[sflag:s3] =	ssyncadd.s32 $0xFFFFFAB0  }
0x30: {  	[tilespmem:s7], [sflag:$0x1] =	stream.indirect.gather [hbm4b:s5+s6], $0x1, s2, s6, $0xb8;
	[tilespmem:$0xB00] =	vst v63  }
0x31: {  	_ =	swait.ge [sflag:s8], $0x550  }
0x32: {  	[sflag:s8] =	ssyncset.done $0x0  }
0x33: {  	[sflag:s8] =	ssyncadd.s32 $0xFFFFFAB0  }
0x34: {  	[hbm4b:s9+s2] =	stream.linear.scatter [tilespmem:s7], [sflag:$0x2], $0x550, $0x38;
	[tilespmem:$0xB00] =	vst v63  }
0x35: {  	_ =	swait.ge [sflag:s3], $0x550  }
0x36: {  	[sflag:s3] =	ssyncset.done $0x0  }
0x37: {  	[sflag:s3] =	ssyncadd.s32 $0xFFFFFAB0  }
0x38: {  	[tilespmem:s2], [sflag:$0x2] =	stream.linear.gather [hbm4b:s10+s2], $0x550, $0x38;
	[tilespmem:$0xB00] =	vst v63  }
0x39: {  	_ =	swait.ge [sflag:s3], $0x550  }
0x3a: {  	[sflag:s3] =	ssyncset.done $0x0  }
0x3b: {  	[sflag:s3] =	ssyncadd.s32 $0xFFFFFAB0  }
0x3c: {  	[tilespmem:s7], [sflag:$0x1] =	stream.indirect.gather [hbm4b:s11+s6], $0x1, s2, s6, $0xb8;
	[tilespmem:$0xB00] =	vst v63  }
0x3d: {  	_ =	swait.ge [sflag:s8], $0x550  }
0x3e: {  	[sflag:s8] =	ssyncset.done $0x0  }
0x3f: {  	[sflag:s8] =	ssyncadd.s32 $0xFFFFFAB0  }
0x40: {  	[hbm4b:s12+s2] =	stream.linear.scatter [tilespmem:s7], [sflag:$0x2], $0x550, $0x38;
	[tilespmem:$0xB00] =	vst v63  }
0x41: {  	_ =	swait.ge [sflag:s3], $0x550  }
0x42: {  	[sflag:s3] =	ssyncset.done $0x0  }
0x43: {  	[sflag:s3] =	ssyncadd.s32 $0xFFFFFAB0  }
0x44: {  	[tilespmem:s2], [sflag:$0x2] =	stream.linear.gather [hbm4b:s13+s2], $0x550, $0x38;
	[tilespmem:$0xB00] =	vst v63  }
0x45: {  	_ =	swait.ge [sflag:s3], $0x550  }
0x46: {  	[sflag:s3] =	ssyncset.done $0x0  }
0x47: {  	[sflag:s3] =	ssyncadd.s32 $0xFFFFFAB0  }
0x48: {  	[tilespmem:s7], [sflag:$0x1] =	stream.indirect.gather [hbm4b:s14+s6], $0x1, s2, s6, $0xb8;
	[tilespmem:$0xB00] =	vst v63  }
0x49: {  	_ =	swait.ge [sflag:s8], $0x550  }
.Ltmp1:
0x4a: {  	[sflag:s8] =	ssyncset.done $0x0;
	(pc) =	sbr.rel @p0 .LBB2_1-.Ltmp1, $4  }
0x4b: {  	[sflag:s8] =	ssyncadd.s32 $0xFFFFFAB0  }
0x4c: {  	[hbm4b:s15+s2] =	stream.linear.scatter [tilespmem:s7], [sflag:$0x2], $0x550, $0x38;
	[tilespmem:$0xB00] =	vst v63  }
0x4d: {  	_ =	swait.ge [sflag:s3], $0x550  }
0x4e: {  	[sflag:s3] =	ssyncset.done $0x0  }
.LBB2_2:
0x4f: {  	[sflag:s3] =	ssyncadd.s32 $0xFFFFFAB0  }
0x50: {  	_ =	sfence.sel $0x180000  }
0x51: {  	[bflag:$0x0] =	sbarrier.arrive $0xFFFF  }
0x52: {  	p0 =	sne.s32 s0, $0x0;
	_ =	strace $0x90000047  }
0x53: {  	s0 =	sadd.s32 @!p0 $0x100000, s1;
	[bflag:$0x2] =	sbarrier.arrive $0xFFFF  }
0x54: {  	[sflag:s0] =	ssyncadd.tile.s32 @!p0 $0x1;
	_ =	shalt  }
.Lfunc_end2:
_tile_overlayer_lowered:
.L_overlay_start_2:
0x55: {  	(tag) =	ssettag $0x2  }
0x56: {  	s0 =	rddreg [dreg:$0x0];
	s2 =	stileid.u32  }
0x57: {  	s1 =	rddreg [dreg:$0x1];
	p0 =	sne.s32 s2, $0x0  }
0x58: {  	s3 =	rddreg [dreg:$0x2];
	[bflag:$0x3] =	sbarrier.arrive $0xFFFF;
	s2 =	simm.s32 @!p0 $0x1C02  }
0x59: {  	[timem:s3], [sflag:s2] =	dma.local @!p0 [hbm:s0], s1  }
0x5a: {  	s0 =	simm.s32 @!p0 $0x2  }
0x5b: {  	_ =	swait.ge @!p0 [sflag:s0], s1  }
0x5c: {  	s1 =	ssub.s32 @!p0 $0x0, s1;
	[sflag:s0] =	ssyncset.done @!p0 $0x0  }
0x5d: {  	[sflag:s0] =	ssyncadd.s32 @!p0 s1  }
0x5e: {  	[bflag:$0x3] =	sbarrier.arrive $0xFFFF  }
0x5f: {  	_ =	shalt  }

</sc_bundles>
